<compile_context>
chip_gen: v7x
topology: tpu7x:2x2x1
jax: 0.10.2.dev20260603
libtpu: 0.0.44.dev20260713+nightly
codegen_flags: <defaults>
</compile_context>

<pallas_src>
import functools

import jax
import jax.numpy as jnp
from jax import lax
from jax.experimental import pallas as pl
from jax.experimental.pallas import tpu as pltpu
from jax.experimental.pallas import tpu_sc as plsc

N = 10000
E = 320000
D = 128
DL = 16
NID = 2000

NPAD = 10240
NW = 32
CHUNK = 128
NCH = 80
EPT = NCH * CHUNK
EPAD = NW * EPT
RPT = NPAD // 16
NIDPAD = 2048
IDS_PT = NIDPAD // NW

_sc_mesh = plsc.VectorSubcoreMesh(core_axis_name="c", subcore_axis_name="s")
_sc_params = pltpu.CompilerParams(use_tc_tiling_on_sc=False)


def _make_prop128_colsplit(nbuf):
  ring = 2 * nbuf
  hw = D // 2
  tch = 2 * NCH
  assert tch % ring == 0

  @functools.partial(
      pl.kernel,
      out_type=jax.ShapeDtypeStruct((2, NPAD, hw), jnp.float32),
      mesh=_sc_mesh,
      compiler_params=_sc_params,
      scratch_types=(
          [pltpu.VMEM((ring, 2, CHUNK), jnp.int32)]
          + [pltpu.VMEM((CHUNK, hw), jnp.float32)] * nbuf
          + [pltpu.VMEM_SHARED((NPAD, hw), jnp.float32)] * 2
          + [pltpu.SemaphoreType.DMA] * (ring + 2 * nbuf)
      ),
  )
  def prop(xp_hbm, src_hbm, dst_hbm, zeros_hbm, out_hbm, iring, *rest):
    rows = rest[:nbuf]
    xp_sh = rest[nbuf]
    acc_sh = rest[nbuf + 1]
    isem = rest[nbuf + 2:nbuf + 2 + ring]
    gsem = rest[nbuf + 2 + ring:nbuf + 2 + ring + nbuf]
    ssem = rest[nbuf + 2 + ring + nbuf:]
    c = lax.axis_index("c")
    s = lax.axis_index("s")
    r0 = pl.multiple_of(s * RPT, 8)
    col = pl.multiple_of(c * hw, 8)
    base = s * tch
    pltpu.sync_copy(zeros_hbm, acc_sh.at[pl.ds(r0, RPT)])
    pltpu.sync_copy(xp_hbm.at[pl.ds(r0, RPT), pl.ds(col, hw)],
                    xp_sh.at[pl.ds(r0, RPT)])

    def fire_idx(k, r):
      pltpu.async_copy(src_hbm.at[base + k], iring.at[r, 0], isem[r])
      pltpu.async_copy(dst_hbm.at[base + k], iring.at[r, 1], isem[r])

    def wait_idx(k, r):
      pltpu.make_async_copy(src_hbm.at[base + k], iring.at[r, 0],
                            isem[r]).wait()
      pltpu.make_async_copy(dst_hbm.at[base + k], iring.at[r, 1],
                            isem[r]).wait()

    def fire_gather(r, b):
      pltpu.async_copy(xp_sh.at[iring.at[r, 0]], rows[b], gsem[b])

    plsc.subcore_barrier()
    for r in range(ring):
      fire_idx(r, r)
    for b in range(nbuf):
      wait_idx(b, b)
      fire_gather(b, b)

    def body(i, carry):
      K = i * ring
      for g in range(ring // nbuf):
        for b in range(nbuf):
          p = g * nbuf + b
          pltpu.make_async_copy(xp_sh.at[iring.at[p, 0]], rows[b],
                                gsem[b]).wait()
          pltpu.async_copy(rows[b], acc_sh.at[iring.at[p, 1]], ssem[b],
                           add=True)
        for b in range(nbuf):
          p = g * nbuf + b
          k = K + p
          pltpu.make_async_copy(rows[b], acc_sh.at[iring.at[p, 1]],
                                ssem[b]).wait()

          @pl.when(k + ring < tch)
          def _():
            fire_idx(k + ring, p)

          @pl.when(k + nbuf < tch)
          def _():
            wait_idx(k + nbuf, (p + nbuf) % ring)
            fire_gather((p + nbuf) % ring, b)

      return carry

    lax.fori_loop(0, tch // ring, body, 0)
    plsc.subcore_barrier()
    pltpu.sync_copy(acc_sh.at[pl.ds(r0, RPT)],
                    out_hbm.at[c, pl.ds(r0, RPT)])

  return prop


def _make_prop16_spmem(nbuf):

  @functools.partial(
      pl.kernel,
      out_type=jax.ShapeDtypeStruct((2, NPAD, DL), jnp.float32),
      mesh=_sc_mesh,
      compiler_params=_sc_params,
      scratch_types=(
          [pltpu.VMEM((NCH, CHUNK), jnp.int32)] * 2
          + [pltpu.VMEM((CHUNK, DL), jnp.float32)] * nbuf
          + [pltpu.VMEM_SHARED((NPAD, DL), jnp.float32)] * 2
          + [pltpu.SemaphoreType.DMA] * (2 * nbuf)
      ),
  )
  def prop(xp_hbm, src_hbm, dst_hbm, zeros_hbm, out_hbm, sbuf, dbuf, *rest):
    rows = rest[:nbuf]
    xp_sh = rest[nbuf]
    acc_sh = rest[nbuf + 1]
    gsem = rest[nbuf + 2:nbuf + 2 + nbuf]
    ssem = rest[nbuf + 2 + nbuf:]
    c = lax.axis_index("c")
    s = lax.axis_index("s")
    wid = c * 16 + s
    r0 = pl.multiple_of(s * RPT, 8)
    pltpu.sync_copy(zeros_hbm, acc_sh.at[pl.ds(r0, RPT)])
    pltpu.sync_copy(xp_hbm.at[pl.ds(r0, RPT)], xp_sh.at[pl.ds(r0, RPT)])
    pltpu.sync_copy(src_hbm.at[pl.ds(wid * NCH, NCH)], sbuf)
    pltpu.sync_copy(dst_hbm.at[pl.ds(wid * NCH, NCH)], dbuf)
    plsc.subcore_barrier()

    for b in range(nbuf):
      pltpu.async_copy(xp_sh.at[sbuf.at[b]], rows[b], gsem[b])

    def body(j, carry):
      k0 = j * nbuf
      for b in range(nbuf):
        k = k0 + b
        pltpu.make_async_copy(xp_sh.at[sbuf.at[k]], rows[b],
                              gsem[b]).wait()
        pltpu.async_copy(rows[b], acc_sh.at[dbuf.at[k]], ssem[b],
                         add=True)
      for b in range(nbuf):
        k = k0 + b
        pltpu.make_async_copy(rows[b], acc_sh.at[dbuf.at[k]],
                              ssem[b]).wait()

        @pl.when(k + nbuf < NCH)
        def _():
          pltpu.async_copy(xp_sh.at[sbuf.at[k + nbuf]], rows[b], gsem[b])

      return carry

    lax.fori_loop(0, NCH // nbuf, body, 0)
    plsc.subcore_barrier()
    pltpu.sync_copy(acc_sh.at[pl.ds(r0, RPT)],
                    out_hbm.at[c, pl.ds(r0, RPT)])

  return prop


_prop128 = _make_prop128_colsplit(2)
_prop16 = _make_prop16_spmem(2)


@functools.partial(
    pl.kernel,
    out_type=jax.ShapeDtypeStruct((2, NPAD, DL), jnp.float32),
    mesh=_sc_mesh,
    compiler_params=_sc_params,
    scratch_types=(
        [pltpu.VMEM((NCH, CHUNK), jnp.int32),
         pltpu.VMEM((CHUNK, DL), jnp.float32),
         pltpu.VMEM_SHARED((NPAD, DL), jnp.float32)]
        + [pltpu.SemaphoreType.DMA] * 8
    ),
)
def _deg_kernel(dst_hbm, zeros_hbm, ones_hbm, out_hbm,
                dstbuf, onesv, shared, *sems):
  c = lax.axis_index("c")
  s = lax.axis_index("s")
  wid = c * 16 + s
  r0 = pl.multiple_of(s * RPT, 8)
  pltpu.sync_copy(zeros_hbm, shared.at[pl.ds(r0, RPT)])
  pltpu.sync_copy(ones_hbm, onesv)
  pltpu.sync_copy(dst_hbm.at[pl.ds(wid * NCH, NCH)], dstbuf)
  plsc.subcore_barrier()

  def body(j, carry):
    for b in range(8):
      pltpu.async_copy(onesv, shared.at[dstbuf.at[j * 8 + b]], sems[b],
                       add=True)
    for b in range(8):
      pltpu.make_async_copy(onesv, shared.at[dstbuf.at[j * 8 + b]],
                            sems[b]).wait()
    return carry

  lax.fori_loop(0, NCH // 8, body, 0)
  plsc.subcore_barrier()
  pltpu.sync_copy(shared.at[pl.ds(r0, RPT)],
                  out_hbm.at[c, pl.ds(r0, RPT)])


@functools.partial(
    pl.kernel,
    out_type=jax.ShapeDtypeStruct((NIDPAD, 2 * DL), jnp.float32),
    mesh=_sc_mesh,
    compiler_params=_sc_params,
    scratch_types=[
        pltpu.VMEM((IDS_PT,), jnp.int32),
        pltpu.VMEM((IDS_PT, 2 * DL), jnp.float32),
        pltpu.SemaphoreType.DMA,
    ],
)
def _gather_kernel(comb_hbm, ids_hbm, out_hbm, idbuf, rowsbuf, sem):
  c = lax.axis_index("c")
  s = lax.axis_index("s")
  wid = c * 16 + s
  pltpu.sync_copy(ids_hbm.at[wid], idbuf)
  pltpu.async_copy(comb_hbm.at[idbuf], rowsbuf, sem).wait()
  pltpu.sync_copy(rowsbuf, out_hbm.at[pl.ds(pl.multiple_of(wid * IDS_PT, 8),
                                            IDS_PT)])


BR = 640


def _mm1_body(x_ref, w_ref, degp_ref, xp_ref, dinv_ref):
  deg = degp_ref[0] + degp_ref[1] + 1.0
  dinv = lax.rsqrt(jnp.maximum(deg, 1.0))
  h = jnp.dot(x_ref[...], w_ref[...], preferred_element_type=jnp.float32)
  xp_ref[...] = h * dinv[:, :1]
  dinv_ref[...] = dinv


_mm1 = pl.pallas_call(
    _mm1_body,
    grid=(NPAD // BR,),
    in_specs=[
        pl.BlockSpec((BR, D), lambda i: (i, 0)),
        pl.BlockSpec((D, D), lambda i: (0, 0)),
        pl.BlockSpec((2, BR, DL), lambda i: (0, i, 0)),
    ],
    out_specs=[
        pl.BlockSpec((BR, D), lambda i: (i, 0)),
        pl.BlockSpec((BR, DL), lambda i: (i, 0)),
    ],
    out_shape=[
        jax.ShapeDtypeStruct((NPAD, D), jnp.float32),
        jax.ShapeDtypeStruct((NPAD, DL), jnp.float32),
    ],
)


def _mid_body(s1p_ref, xp1_ref, dinv_ref, b1_ref, w2_ref, xp2_ref):
  dinv = dinv_ref[...][:, :1]
  s1 = jnp.concatenate([s1p_ref[0], s1p_ref[1]], axis=1)
  out1 = (s1 + xp1_ref[...]) * dinv + b1_ref[...]
  h1 = jnp.maximum(out1, 0.0)
  xp2_ref[...] = jnp.dot(h1, w2_ref[...],
                         preferred_element_type=jnp.float32) * dinv


_mid = pl.pallas_call(
    _mid_body,
    grid=(NPAD // BR,),
    in_specs=[
        pl.BlockSpec((2, BR, D // 2), lambda i: (0, i, 0)),
        pl.BlockSpec((BR, D), lambda i: (i, 0)),
        pl.BlockSpec((BR, DL), lambda i: (i, 0)),
        pl.BlockSpec((1, D), lambda i: (0, 0)),
        pl.BlockSpec((D, DL), lambda i: (0, 0)),
    ],
    out_specs=pl.BlockSpec((BR, DL), lambda i: (i, 0)),
    out_shape=jax.ShapeDtypeStruct((NPAD, DL), jnp.float32),
)


def _pack_body(s2p_ref, xp2_ref, dinv_ref, b2_ref, lab_ref, comb_ref):
  dinv = dinv_ref[...][:, :1]
  out2 = (s2p_ref[0] + s2p_ref[1] + xp2_ref[...]) * dinv + b2_ref[...]
  lab = jnp.broadcast_to(lab_ref[...], (BR, DL))
  labf = lax.bitcast_convert_type(lab, jnp.float32)
  comb_ref[...] = jnp.concatenate([out2, labf], axis=1)


_pack = pl.pallas_call(
    _pack_body,
    grid=(NPAD // BR,),
    in_specs=[
        pl.BlockSpec((2, BR, DL), lambda i: (0, i, 0)),
        pl.BlockSpec((BR, DL), lambda i: (i, 0)),
        pl.BlockSpec((BR, DL), lambda i: (i, 0)),
        pl.BlockSpec((1, DL), lambda i: (0, 0)),
        pl.BlockSpec((BR, 1), lambda i: (i, 0)),
    ],
    out_specs=pl.BlockSpec((BR, 2 * DL), lambda i: (i, 0)),
    out_shape=jax.ShapeDtypeStruct((NPAD, 2 * DL), jnp.float32),
)


def _head_body(comb_ref, loss_ref):
  z = comb_ref[...]
  logits = z[:, :DL]
  lab = lax.bitcast_convert_type(z[:, DL:], jnp.int32)
  col = lax.broadcasted_iota(jnp.int32, (NIDPAD, DL), 1)
  picked = jnp.sum(jnp.where(col == lab, logits, 0.0), axis=1, keepdims=True)
  m = jnp.max(logits, axis=1, keepdims=True)
  lse = jnp.log(jnp.sum(jnp.exp(logits - m), axis=1, keepdims=True)) + m
  rowi = lax.broadcasted_iota(jnp.int32, (NIDPAD, 1), 0)
  mask = jnp.where(rowi < NID, 1.0, 0.0)
  loss_ref[...] = jnp.reshape(jnp.sum((lse - picked) * mask) / NID, (1, 1))


_head = pl.pallas_call(
    _head_body,
    grid=(1,),
    in_specs=[pl.BlockSpec((NIDPAD, 2 * DL), lambda i: (0, 0))],
    out_specs=pl.BlockSpec((1, 1), lambda i: (0, 0)),
    out_shape=jax.ShapeDtypeStruct((1, 1), jnp.float32),
)


def kernel(x, edge_index, node_ids, label_inds, W1, b1, W2, b2):
  x_pad = jnp.concatenate([x, jnp.zeros((NPAD - N, D), jnp.float32)], axis=0)
  pad_src = jnp.zeros((EPAD - E,), jnp.int32)
  pad_dst = (N + (jnp.arange(EPAD - E, dtype=jnp.int32) % (NPAD - N)))
  src2d = jnp.concatenate([edge_index[0], pad_src]).reshape(-1, CHUNK)
  dst2d = jnp.concatenate([edge_index[1], pad_dst]).reshape(-1, CHUNK)
  ids = jnp.concatenate(
      [node_ids.astype(jnp.int32),
       jnp.zeros((NIDPAD - NID,), jnp.int32)]).reshape(NW, IDS_PT)
  lab1 = jnp.concatenate(
      [label_inds.astype(jnp.int32),
       jnp.zeros((NPAD - N,), jnp.int32)]).reshape(NPAD, 1)
  zecol = jnp.zeros((RPT, D // 2), jnp.float32)
  ze16 = jnp.zeros((RPT, DL), jnp.float32)
  ones16 = jnp.ones((CHUNK, DL), jnp.float32)

  degp = _deg_kernel(dst2d, ze16, ones16)
  xp1, dinv16 = _mm1(x_pad, W1, degp)
  s1p = _prop128(xp1, src2d, dst2d, zecol)
  xp2 = _mid(s1p, xp1, dinv16, b1.reshape(1, D), W2)
  s2p = _prop16(xp2, src2d, dst2d, ze16)
  comb = _pack(s2p, xp2, dinv16, b2.reshape(1, DL), lab1)
  g = _gather_kernel(comb, ids)
  lossm = _head(g)
  return (lossm[0, 0], g[:NID, :DL])

# --- scband reference (transcript-rebuilt; emitter-appended) ---
"""Pipeline reference for scband-text-gnn-9234179687482 (READ-ONLY COPY).

The authoritative reference and input builder live on the scoring server;
editing this copy changes nothing except your own understanding.
"""

import jax, jax.numpy as jnp
import numpy as np

N = 10000
E = 320000
D_IN = 128
D_HID = 128
N_LABELS = 16
N_IDS = 2000


def _glorot(key, shape):
    fan_in, fan_out = shape[0], shape[1]
    gain = float(np.sqrt(2.0))  # calculate_gain('relu')
    a = gain * float(np.sqrt(6.0 / (fan_in + fan_out)))
    return jax.random.uniform(key, shape, jnp.float32, -a, a)


def setup_inputs(seed: int = 0) -> dict:
    key = jax.random.key(seed)
    ks = jax.random.split(key, 8)
    x = jax.random.normal(ks[0], (N, D_IN), jnp.float32)
    edge_index = jax.random.randint(ks[1], (2, E), 0, N, jnp.int32)
    node_ids = jax.random.randint(ks[2], (N_IDS,), 0, N, jnp.int32)
    label_inds = jax.random.randint(ks[3], (N,), 0, N_LABELS, jnp.int32)
    W1 = _glorot(ks[4], (D_IN, D_HID))
    b1 = jnp.zeros((D_HID,), jnp.float32)
    W2 = _glorot(ks[5], (D_HID, N_LABELS))
    b2 = jnp.zeros((N_LABELS,), jnp.float32)
    return {"x": x, "edge_index": edge_index, "node_ids": node_ids,
            "label_inds": label_inds, "W1": W1, "b1": b1, "W2": W2, "b2": b2}


def _gcn_conv(x, edge_index, W, b):
    n = x.shape[0]
    loops = jnp.arange(n, dtype=edge_index.dtype)
    src = jnp.concatenate([edge_index[0], loops])
    dst = jnp.concatenate([edge_index[1], loops])
    deg = jnp.zeros((n,), jnp.float32).at[dst].add(1.0)
    dinv = jax.lax.rsqrt(jnp.maximum(deg, 1.0))
    norm = dinv[src] * dinv[dst]
    h = x @ W
    msg = h[src] * norm[:, None]
    out = jnp.zeros((n, W.shape[1]), jnp.float32).at[dst].add(msg)
    return out + b


def reference(x, edge_index, node_ids, label_inds, W1, b1, W2, b2):
    # layer 1: GCNConv + relu
    h = _gcn_conv(x, edge_index, W1, b1)
    h = jax.nn.relu(h)
    # layer 2: GCNConv + identity
    out = _gcn_conv(h, edge_index, W2, b2)
    # softmax pred head: gather logits at node_ids, cross-entropy vs labels
    y_preds = out[node_ids]
    y_true = label_inds[node_ids]
    logp = jax.nn.log_softmax(y_preds, axis=-1)
    nll = -jnp.take_along_axis(logp, y_true[:, None].astype(jnp.int32), axis=1)[:, 0]
    loss = jnp.mean(nll)
    return (loss, y_preds)

if __name__ == "__main__":
    import jax
    _d = setup_inputs()
    print(jax.jit(kernel)(*tuple(_d.values())))

</pallas_src>

<mosaic_0001>
#map = affine_map<(d0, d1) -> (0, 0)>
#map1 = affine_map<(d0, d1) -> (0, 0, 0)>
module attributes {stable_mosaic.version = 14 : i64} {
  func.func @_deg_kernel(%arg0: i32, %arg1: i32, %arg2: memref<2560x128xi32, #tpu.memory_space<hbm>>, %arg3: memref<640x16xf32, #tpu.memory_space<hbm>>, %arg4: memref<128x16xf32, #tpu.memory_space<hbm>>, %arg5: memref<2x10240x16xf32, #tpu.memory_space<hbm>>, %arg6: memref<80x128xi32, #tpu.memory_space<vmem>>, %arg7: memref<128x16xf32, #tpu.memory_space<vmem>>, %arg8: memref<10240x16xf32, #tpu.memory_space<vmem_shared>>, %arg9: memref<!tpu.dma_semaphore, #tpu.memory_space<semaphore_mem>>, %arg10: memref<!tpu.dma_semaphore, #tpu.memory_space<semaphore_mem>>, %arg11: memref<!tpu.dma_semaphore, #tpu.memory_space<semaphore_mem>>, %arg12: memref<!tpu.dma_semaphore, #tpu.memory_space<semaphore_mem>>, %arg13: memref<!tpu.dma_semaphore, #tpu.memory_space<semaphore_mem>>, %arg14: memref<!tpu.dma_semaphore, #tpu.memory_space<semaphore_mem>>, %arg15: memref<!tpu.dma_semaphore, #tpu.memory_space<semaphore_mem>>, %arg16: memref<!tpu.dma_semaphore, #tpu.memory_space<semaphore_mem>>) attributes {dimension_semantics = [#tpu.dimension_semantics<core_parallel>, #tpu.dimension_semantics<subcore_parallel>], iteration_bounds = array<i64: 2, 16>, scalar_prefetch = 0 : i64, scratch_operands = 11 : i64, tpu.core_type = #tpu.core_type<sc_vector_subcore>, window_params = [{transform_indices = #map}, {transform_indices = #map}, {transform_indices = #map}, {transform_indices = #map1}]} {
    %mul3A = arith.constant 16 : i32
    %mul3A_0 = arith.muli %arg0, %mul3A : i32
    %add3A = arith.addi %mul3A_0, %arg1 : i32
    %mul3A_1 = arith.constant 640 : i32
    %mul3A_2 = arith.muli %arg1, %mul3A_1 : i32
    %multiple_of3A = tpu.assume_multiple %mul3A_2, 8 : i32
    "tpu.region"() ({
      %run_scoped3A = tpu.sem_alloc : memref<!tpu.dma_semaphore, #tpu.memory_space<semaphore_mem>>
      %dma_start3A = arith.constant 0 : i32
      %dma_start3A_11 = tpu.memref_slice %arg8[%multiple_of3A, %dma_start3A] : memref<10240x16xf32, #tpu.memory_space<vmem_shared>> -> memref<640x16xf32, #tpu.memory_space<vmem_shared>>
      tpu.enqueue_dma source(%arg3 : memref<640x16xf32, #tpu.memory_space<hbm>>) target(%dma_start3A_11 : memref<640x16xf32, #tpu.memory_space<vmem_shared>>) target_semaphore(%run_scoped3A : memref<!tpu.dma_semaphore, #tpu.memory_space<semaphore_mem>>)
      %dma_wait3A = arith.constant 0 : i32
      %dma_wait3A_12 = tpu.memref_slice %arg8[%multiple_of3A, %dma_wait3A] : memref<10240x16xf32, #tpu.memory_space<vmem_shared>> -> memref<640x16xf32, #tpu.memory_space<vmem_shared>>
      tpu.wait_dma2 semaphore(%run_scoped3A : memref<!tpu.dma_semaphore, #tpu.memory_space<semaphore_mem>>) src(%arg3 : memref<640x16xf32, #tpu.memory_space<hbm>>) dst(%dma_wait3A_12 : memref<640x16xf32, #tpu.memory_space<vmem_shared>>)
      tpu.yield
    }) : () -> ()
    "tpu.region"() ({
      %run_scoped3A = tpu.sem_alloc : memref<!tpu.dma_semaphore, #tpu.memory_space<semaphore_mem>>
      tpu.enqueue_dma source(%arg4 : memref<128x16xf32, #tpu.memory_space<hbm>>) target(%arg7 : memref<128x16xf32, #tpu.memory_space<vmem>>) target_semaphore(%run_scoped3A : memref<!tpu.dma_semaphore, #tpu.memory_space<semaphore_mem>>)
      tpu.wait_dma2 semaphore(%run_scoped3A : memref<!tpu.dma_semaphore, #tpu.memory_space<semaphore_mem>>) src(%arg4 : memref<128x16xf32, #tpu.memory_space<hbm>>) dst(%arg7 : memref<128x16xf32, #tpu.memory_space<vmem>>)
      tpu.yield
    }) : () -> ()
    %mul3A_3 = arith.constant 80 : i32
    %mul3A_4 = arith.muli %add3A, %mul3A_3 : i32
    "tpu.region"() ({
      %run_scoped3A = tpu.sem_alloc : memref<!tpu.dma_semaphore, #tpu.memory_space<semaphore_mem>>
      %dma_start3A = arith.constant 0 : i32
      %dma_start3A_11 = tpu.memref_slice %arg2[%mul3A_4, %dma_start3A] : memref<2560x128xi32, #tpu.memory_space<hbm>> -> memref<80x128xi32, #tpu.memory_space<hbm>>
      %dma_start3A_12 = arith.constant 0 : i32
      %dma_start3A_13 = tpu.memref_slice %arg2[%mul3A_4, %dma_start3A_12] : memref<2560x128xi32, #tpu.memory_space<hbm>> -> memref<80x128xi32, #tpu.memory_space<hbm>>
      tpu.enqueue_dma source(%dma_start3A_13 : memref<80x128xi32, #tpu.memory_space<hbm>>) target(%arg6 : memref<80x128xi32, #tpu.memory_space<vmem>>) target_semaphore(%run_scoped3A : memref<!tpu.dma_semaphore, #tpu.memory_space<semaphore_mem>>)
      %dma_wait3A = arith.constant 0 : i32
      %dma_wait3A_14 = tpu.memref_slice %arg2[%mul3A_4, %dma_wait3A] : memref<2560x128xi32, #tpu.memory_space<hbm>> -> memref<80x128xi32, #tpu.memory_space<hbm>>
      %dma_wait3A_15 = arith.constant 0 : i32
      %dma_wait3A_16 = tpu.memref_slice %arg2[%mul3A_4, %dma_wait3A_15] : memref<2560x128xi32, #tpu.memory_space<hbm>> -> memref<80x128xi32, #tpu.memory_space<hbm>>
      tpu.wait_dma2 semaphore(%run_scoped3A : memref<!tpu.dma_semaphore, #tpu.memory_space<semaphore_mem>>) src(%dma_wait3A_16 : memref<80x128xi32, #tpu.memory_space<hbm>>) dst(%arg6 : memref<80x128xi32, #tpu.memory_space<vmem>>)
      tpu.yield
    }) : () -> ()
    %barrier3A = arith.constant 0 : index
    tpu.barrier barrier_id(%barrier3A)
    %scan3A = arith.constant 0 : i32
    %scan3A_5 = arith.constant 0 : i32
    %scan3A_6 = arith.constant 10 : i32
    %scan3A_7 = arith.addi %scan3A_5, %scan3A_6 : i32
    %scan3A_8 = arith.constant 1 : i32
    scf.for %scan3A_11 = %scan3A_5 to %scan3A_7 step %scan3A_8  : i32 {
      %mul3A_12 = arith.constant 8 : i32
      %mul3A_13 = arith.muli %scan3A_11, %mul3A_12 : i32
      %add3A_14 = arith.constant 0 : i32
      %add3A_15 = arith.addi %mul3A_13, %add3A_14 : i32
      %dma_start3A = arith.constant 0 : i32
      %dma_start3A_16 = tpu.memref_slice %arg6[%add3A_15, %dma_start3A] : memref<80x128xi32, #tpu.memory_space<vmem>> -> memref<1x128xi32, #tpu.memory_space<vmem>>
      %dma_start3A_17 = tpu.memref_squeeze %dma_start3A_16 : memref<1x128xi32, #tpu.memory_space<vmem>> -> memref<128xi32, #tpu.memory_space<vmem>>
      %dma_start3A_18 = arith.constant 0 : i32
      %dma_start3A_19 = arith.constant 0 : i32
      %dma_start3A_20 = tpu.memref_slice %arg8[%dma_start3A_18, %dma_start3A_19] : memref<10240x16xf32, #tpu.memory_space<vmem_shared>> -> memref<10240x16xf32, #tpu.memory_space<vmem_shared>>
      tpu.enqueue_indirect_dma source(%arg7 : memref<128x16xf32, #tpu.memory_space<vmem>>) target(%dma_start3A_20 : memref<10240x16xf32, #tpu.memory_space<vmem_shared>>) offsets(%dma_start3A_17 : memref<128xi32, #tpu.memory_space<vmem>>) semaphore(%arg9 : memref<!tpu.dma_semaphore, #tpu.memory_space<semaphore_mem>>) {add = true}
      %mul3A_21 = arith.constant 8 : i32
      %mul3A_22 = arith.muli %scan3A_11, %mul3A_21 : i32
      %add3A_23 = arith.constant 1 : i32
      %add3A_24 = arith.addi %mul3A_22, %add3A_23 : i32
      %dma_start3A_25 = arith.constant 0 : i32
      %dma_start3A_26 = tpu.memref_slice %arg6[%add3A_24, %dma_start3A_25] : memref<80x128xi32, #tpu.memory_space<vmem>> -> memref<1x128xi32, #tpu.memory_space<vmem>>
      %dma_start3A_27 = tpu.memref_squeeze %dma_start3A_26 : memref<1x128xi32, #tpu.memory_space<vmem>> -> memref<128xi32, #tpu.memory_space<vmem>>
      %dma_start3A_28 = arith.constant 0 : i32
      %dma_start3A_29 = arith.constant 0 : i32
      %dma_start3A_30 = tpu.memref_slice %arg8[%dma_start3A_28, %dma_start3A_29] : memref<10240x16xf32, #tpu.memory_space<vmem_shared>> -> memref<10240x16xf32, #tpu.memory_space<vmem_shared>>
      tpu.enqueue_indirect_dma source(%arg7 : memref<128x16xf32, #tpu.memory_space<vmem>>) target(%dma_start3A_30 : memref<10240x16xf32, #tpu.memory_space<vmem_shared>>) offsets(%dma_start3A_27 : memref<128xi32, #tpu.memory_space<vmem>>) semaphore(%arg10 : memref<!tpu.dma_semaphore, #tpu.memory_space<semaphore_mem>>) {add = true}
      %mul3A_31 = arith.constant 8 : i32
      %mul3A_32 = arith.muli %scan3A_11, %mul3A_31 : i32
      %add3A_33 = arith.constant 2 : i32
      %add3A_34 = arith.addi %mul3A_32, %add3A_33 : i32
      %dma_start3A_35 = arith.constant 0 : i32
      %dma_start3A_36 = tpu.memref_slice %arg6[%add3A_34, %dma_start3A_35] : memref<80x128xi32, #tpu.memory_space<vmem>> -> memref<1x128xi32, #tpu.memory_space<vmem>>
      %dma_start3A_37 = tpu.memref_squeeze %dma_start3A_36 : memref<1x128xi32, #tpu.memory_space<vmem>> -> memref<128xi32, #tpu.memory_space<vmem>>
      %dma_start3A_38 = arith.constant 0 : i32
      %dma_start3A_39 = arith.constant 0 : i32
      %dma_start3A_40 = tpu.memref_slice %arg8[%dma_start3A_38, %dma_start3A_39] : memref<10240x16xf32, #tpu.memory_space<vmem_shared>> -> memref<10240x16xf32, #tpu.memory_space<vmem_shared>>
      tpu.enqueue_indirect_dma source(%arg7 : memref<128x16xf32, #tpu.memory_space<vmem>>) target(%dma_start3A_40 : memref<10240x16xf32, #tpu.memory_space<vmem_shared>>) offsets(%dma_start3A_37 : memref<128xi32, #tpu.memory_space<vmem>>) semaphore(%arg11 : memref<!tpu.dma_semaphore, #tpu.memory_space<semaphore_mem>>) {add = true}
      %mul3A_41 = arith.constant 8 : i32
      %mul3A_42 = arith.muli %scan3A_11, %mul3A_41 : i32
      %add3A_43 = arith.constant 3 : i32
      %add3A_44 = arith.addi %mul3A_42, %add3A_43 : i32
      %dma_start3A_45 = arith.constant 0 : i32
      %dma_start3A_46 = tpu.memref_slice %arg6[%add3A_44, %dma_start3A_45] : memref<80x128xi32, #tpu.memory_space<vmem>> -> memref<1x128xi32, #tpu.memory_space<vmem>>
      %dma_start3A_47 = tpu.memref_squeeze %dma_start3A_46 : memref<1x128xi32, #tpu.memory_space<vmem>> -> memref<128xi32, #tpu.memory_space<vmem>>
      %dma_start3A_48 = arith.constant 0 : i32
      %dma_start3A_49 = arith.constant 0 : i32
      %dma_start3A_50 = tpu.memref_slice %arg8[%dma_start3A_48, %dma_start3A_49] : memref<10240x16xf32, #tpu.memory_space<vmem_shared>> -> memref<10240x16xf32, #tpu.memory_space<vmem_shared>>
      tpu.enqueue_indirect_dma source(%arg7 : memref<128x16xf32, #tpu.memory_space<vmem>>) target(%dma_start3A_50 : memref<10240x16xf32, #tpu.memory_space<vmem_shared>>) offsets(%dma_start3A_47 : memref<128xi32, #tpu.memory_space<vmem>>) semaphore(%arg12 : memref<!tpu.dma_semaphore, #tpu.memory_space<semaphore_mem>>) {add = true}
      %mul3A_51 = arith.constant 8 : i32
      %mul3A_52 = arith.muli %scan3A_11, %mul3A_51 : i32
      %add3A_53 = arith.constant 4 : i32
      %add3A_54 = arith.addi %mul3A_52, %add3A_53 : i32
      %dma_start3A_55 = arith.constant 0 : i32
      %dma_start3A_56 = tpu.memref_slice %arg6[%add3A_54, %dma_start3A_55] : memref<80x128xi32, #tpu.memory_space<vmem>> -> memref<1x128xi32, #tpu.memory_space<vmem>>
      %dma_start3A_57 = tpu.memref_squeeze %dma_start3A_56 : memref<1x128xi32, #tpu.memory_space<vmem>> -> memref<128xi32, #tpu.memory_space<vmem>>
      %dma_start3A_58 = arith.constant 0 : i32
      %dma_start3A_59 = arith.constant 0 : i32
      %dma_start3A_60 = tpu.memref_slice %arg8[%dma_start3A_58, %dma_start3A_59] : memref<10240x16xf32, #tpu.memory_space<vmem_shared>> -> memref<10240x16xf32, #tpu.memory_space<vmem_shared>>
      tpu.enqueue_indirect_dma source(%arg7 : memref<128x16xf32, #tpu.memory_space<vmem>>) target(%dma_start3A_60 : memref<10240x16xf32, #tpu.memory_space<vmem_shared>>) offsets(%dma_start3A_57 : memref<128xi32, #tpu.memory_space<vmem>>) semaphore(%arg13 : memref<!tpu.dma_semaphore, #tpu.memory_space<semaphore_mem>>) {add = true}
      %mul3A_61 = arith.constant 8 : i32
      %mul3A_62 = arith.muli %scan3A_11, %mul3A_61 : i32
      %add3A_63 = arith.constant 5 : i32
      %add3A_64 = arith.addi %mul3A_62, %add3A_63 : i32
      %dma_start3A_65 = arith.constant 0 : i32
      %dma_start3A_66 = tpu.memref_slice %arg6[%add3A_64, %dma_start3A_65] : memref<80x128xi32, #tpu.memory_space<vmem>> -> memref<1x128xi32, #tpu.memory_space<vmem>>
      %dma_start3A_67 = tpu.memref_squeeze %dma_start3A_66 : memref<1x128xi32, #tpu.memory_space<vmem>> -> memref<128xi32, #tpu.memory_space<vmem>>
      %dma_start3A_68 = arith.constant 0 : i32
      %dma_start3A_69 = arith.constant 0 : i32
      %dma_start3A_70 = tpu.memref_slice %arg8[%dma_start3A_68, %dma_start3A_69] : memref<10240x16xf32, #tpu.memory_space<vmem_shared>> -> memref<10240x16xf32, #tpu.memory_space<vmem_shared>>
      tpu.enqueue_indirect_dma source(%arg7 : memref<128x16xf32, #tpu.memory_space<vmem>>) target(%dma_start3A_70 : memref<10240x16xf32, #tpu.memory_space<vmem_shared>>) offsets(%dma_start3A_67 : memref<128xi32, #tpu.memory_space<vmem>>) semaphore(%arg14 : memref<!tpu.dma_semaphore, #tpu.memory_space<semaphore_mem>>) {add = true}
      %mul3A_71 = arith.constant 8 : i32
      %mul3A_72 = arith.muli %scan3A_11, %mul3A_71 : i32
      %add3A_73 = arith.constant 6 : i32
      %add3A_74 = arith.addi %mul3A_72, %add3A_73 : i32
      %dma_start3A_75 = arith.constant 0 : i32
      %dma_start3A_76 = tpu.memref_slice %arg6[%add3A_74, %dma_start3A_75] : memref<80x128xi32, #tpu.memory_space<vmem>> -> memref<1x128xi32, #tpu.memory_space<vmem>>
      %dma_start3A_77 = tpu.memref_squeeze %dma_start3A_76 : memref<1x128xi32, #tpu.memory_space<vmem>> -> memref<128xi32, #tpu.memory_space<vmem>>
      %dma_start3A_78 = arith.constant 0 : i32
      %dma_start3A_79 = arith.constant 0 : i32
      %dma_start3A_80 = tpu.memref_slice %arg8[%dma_start3A_78, %dma_start3A_79] : memref<10240x16xf32, #tpu.memory_space<vmem_shared>> -> memref<10240x16xf32, #tpu.memory_space<vmem_shared>>
      tpu.enqueue_indirect_dma source(%arg7 : memref<128x16xf32, #tpu.memory_space<vmem>>) target(%dma_start3A_80 : memref<10240x16xf32, #tpu.memory_space<vmem_shared>>) offsets(%dma_start3A_77 : memref<128xi32, #tpu.memory_space<vmem>>) semaphore(%arg15 : memref<!tpu.dma_semaphore, #tpu.memory_space<semaphore_mem>>) {add = true}
      %mul3A_81 = arith.constant 8 : i32
      %mul3A_82 = arith.muli %scan3A_11, %mul3A_81 : i32
      %add3A_83 = arith.constant 7 : i32
      %add3A_84 = arith.addi %mul3A_82, %add3A_83 : i32
      %dma_start3A_85 = arith.constant 0 : i32
      %dma_start3A_86 = tpu.memref_slice %arg6[%add3A_84, %dma_start3A_85] : memref<80x128xi32, #tpu.memory_space<vmem>> -> memref<1x128xi32, #tpu.memory_space<vmem>>
      %dma_start3A_87 = tpu.memref_squeeze %dma_start3A_86 : memref<1x128xi32, #tpu.memory_space<vmem>> -> memref<128xi32, #tpu.memory_space<vmem>>
      %dma_start3A_88 = arith.constant 0 : i32
      %dma_start3A_89 = arith.constant 0 : i32
      %dma_start3A_90 = tpu.memref_slice %arg8[%dma_start3A_88, %dma_start3A_89] : memref<10240x16xf32, #tpu.memory_space<vmem_shared>> -> memref<10240x16xf32, #tpu.memory_space<vmem_shared>>
      tpu.enqueue_indirect_dma source(%arg7 : memref<128x16xf32, #tpu.memory_space<vmem>>) target(%dma_start3A_90 : memref<10240x16xf32, #tpu.memory_space<vmem_shared>>) offsets(%dma_start3A_87 : memref<128xi32, #tpu.memory_space<vmem>>) semaphore(%arg16 : memref<!tpu.dma_semaphore, #tpu.memory_space<semaphore_mem>>) {add = true}
      %mul3A_91 = arith.constant 8 : i32
      %mul3A_92 = arith.muli %scan3A_11, %mul3A_91 : i32
      %add3A_93 = arith.constant 0 : i32
      %add3A_94 = arith.addi %mul3A_92, %add3A_93 : i32
      %dma_wait3A = arith.constant 0 : i32
      %dma_wait3A_95 = tpu.memref_slice %arg6[%add3A_94, %dma_wait3A] : memref<80x128xi32, #tpu.memory_space<vmem>> -> memref<1x128xi32, #tpu.memory_space<vmem>>
      %dma_wait3A_96 = tpu.memref_squeeze %dma_wait3A_95 : memref<1x128xi32, #tpu.memory_space<vmem>> -> memref<128xi32, #tpu.memory_space<vmem>>
      %dma_wait3A_97 = arith.constant 0 : i32
      %dma_wait3A_98 = arith.constant 0 : i32
      %dma_wait3A_99 = tpu.memref_slice %arg8[%dma_wait3A_97, %dma_wait3A_98] : memref<10240x16xf32, #tpu.memory_space<vmem_shared>> -> memref<10240x16xf32, #tpu.memory_space<vmem_shared>>
      tpu.wait_indirect_dma semaphore(%arg9 : memref<!tpu.dma_semaphore, #tpu.memory_space<semaphore_mem>>) src(%arg7 : memref<128x16xf32, #tpu.memory_space<vmem>>) dst(%dma_wait3A_99 : memref<10240x16xf32, #tpu.memory_space<vmem_shared>>)
      %mul3A_100 = arith.constant 8 : i32
      %mul3A_101 = arith.muli %scan3A_11, %mul3A_100 : i32
      %add3A_102 = arith.constant 1 : i32
      %add3A_103 = arith.addi %mul3A_101, %add3A_102 : i32
      %dma_wait3A_104 = arith.constant 0 : i32
      %dma_wait3A_105 = tpu.memref_slice %arg6[%add3A_103, %dma_wait3A_104] : memref<80x128xi32, #tpu.memory_space<vmem>> -> memref<1x128xi32, #tpu.memory_space<vmem>>
      %dma_wait3A_106 = tpu.memref_squeeze %dma_wait3A_105 : memref<1x128xi32, #tpu.memory_space<vmem>> -> memref<128xi32, #tpu.memory_space<vmem>>
      %dma_wait3A_107 = arith.constant 0 : i32
      %dma_wait3A_108 = arith.constant 0 : i32
      %dma_wait3A_109 = tpu.memref_slice %arg8[%dma_wait3A_107, %dma_wait3A_108] : memref<10240x16xf32, #tpu.memory_space<vmem_shared>> -> memref<10240x16xf32, #tpu.memory_space<vmem_shared>>
      tpu.wait_indirect_dma semaphore(%arg10 : memref<!tpu.dma_semaphore, #tpu.memory_space<semaphore_mem>>) src(%arg7 : memref<128x16xf32, #tpu.memory_space<vmem>>) dst(%dma_wait3A_109 : memref<10240x16xf32, #tpu.memory_space<vmem_shared>>)
      %mul3A_110 = arith.constant 8 : i32
      %mul3A_111 = arith.muli %scan3A_11, %mul3A_110 : i32
      %add3A_112 = arith.constant 2 : i32
      %add3A_113 = arith.addi %mul3A_111, %add3A_112 : i32
      %dma_wait3A_114 = arith.constant 0 : i32
      %dma_wait3A_115 = tpu.memref_slice %arg6[%add3A_113, %dma_wait3A_114] : memref<80x128xi32, #tpu.memory_space<vmem>> -> memref<1x128xi32, #tpu.memory_space<vmem>>
      %dma_wait3A_116 = tpu.memref_squeeze %dma_wait3A_115 : memref<1x128xi32, #tpu.memory_space<vmem>> -> memref<128xi32, #tpu.memory_space<vmem>>
      %dma_wait3A_117 = arith.constant 0 : i32
      %dma_wait3A_118 = arith.constant 0 : i32
      %dma_wait3A_119 = tpu.memref_slice %arg8[%dma_wait3A_117, %dma_wait3A_118] : memref<10240x16xf32, #tpu.memory_space<vmem_shared>> -> memref<10240x16xf32, #tpu.memory_space<vmem_shared>>
      tpu.wait_indirect_dma semaphore(%arg11 : memref<!tpu.dma_semaphore, #tpu.memory_space<semaphore_mem>>) src(%arg7 : memref<128x16xf32, #tpu.memory_space<vmem>>) dst(%dma_wait3A_119 : memref<10240x16xf32, #tpu.memory_space<vmem_shared>>)
      %mul3A_120 = arith.constant 8 : i32
      %mul3A_121 = arith.muli %scan3A_11, %mul3A_120 : i32
      %add3A_122 = arith.constant 3 : i32
      %add3A_123 = arith.addi %mul3A_121, %add3A_122 : i32
      %dma_wait3A_124 = arith.constant 0 : i32
      %dma_wait3A_125 = tpu.memref_slice %arg6[%add3A_123, %dma_wait3A_124] : memref<80x128xi32, #tpu.memory_space<vmem>> -> memref<1x128xi32, #tpu.memory_space<vmem>>
      %dma_wait3A_126 = tpu.memref_squeeze %dma_wait3A_125 : memref<1x128xi32, #tpu.memory_space<vmem>> -> memref<128xi32, #tpu.memory_space<vmem>>
      %dma_wait3A_127 = arith.constant 0 : i32
      %dma_wait3A_128 = arith.constant 0 : i32
      %dma_wait3A_129 = tpu.memref_slice %arg8[%dma_wait3A_127, %dma_wait3A_128] : memref<10240x16xf32, #tpu.memory_space<vmem_shared>> -> memref<10240x16xf32, #tpu.memory_space<vmem_shared>>
      tpu.wait_indirect_dma semaphore(%arg12 : memref<!tpu.dma_semaphore, #tpu.memory_space<semaphore_mem>>) src(%arg7 : memref<128x16xf32, #tpu.memory_space<vmem>>) dst(%dma_wait3A_129 : memref<10240x16xf32, #tpu.memory_space<vmem_shared>>)
      %mul3A_130 = arith.constant 8 : i32
      %mul3A_131 = arith.muli %scan3A_11, %mul3A_130 : i32
      %add3A_132 = arith.constant 4 : i32
      %add3A_133 = arith.addi %mul3A_131, %add3A_132 : i32
      %dma_wait3A_134 = arith.constant 0 : i32
      %dma_wait3A_135 = tpu.memref_slice %arg6[%add3A_133, %dma_wait3A_134] : memref<80x128xi32, #tpu.memory_space<vmem>> -> memref<1x128xi32, #tpu.memory_space<vmem>>
      %dma_wait3A_136 = tpu.memref_squeeze %dma_wait3A_135 : memref<1x128xi32, #tpu.memory_space<vmem>> -> memref<128xi32, #tpu.memory_space<vmem>>
      %dma_wait3A_137 = arith.constant 0 : i32
      %dma_wait3A_138 = arith.constant 0 : i32
      %dma_wait3A_139 = tpu.memref_slice %arg8[%dma_wait3A_137, %dma_wait3A_138] : memref<10240x16xf32, #tpu.memory_space<vmem_shared>> -> memref<10240x16xf32, #tpu.memory_space<vmem_shared>>
      tpu.wait_indirect_dma semaphore(%arg13 : memref<!tpu.dma_semaphore, #tpu.memory_space<semaphore_mem>>) src(%arg7 : memref<128x16xf32, #tpu.memory_space<vmem>>) dst(%dma_wait3A_139 : memref<10240x16xf32, #tpu.memory_space<vmem_shared>>)
      %mul3A_140 = arith.constant 8 : i32
      %mul3A_141 = arith.muli %scan3A_11, %mul3A_140 : i32
      %add3A_142 = arith.constant 5 : i32
      %add3A_143 = arith.addi %mul3A_141, %add3A_142 : i32
      %dma_wait3A_144 = arith.constant 0 : i32
      %dma_wait3A_145 = tpu.memref_slice %arg6[%add3A_143, %dma_wait3A_144] : memref<80x128xi32, #tpu.memory_space<vmem>> -> memref<1x128xi32, #tpu.memory_space<vmem>>
      %dma_wait3A_146 = tpu.memref_squeeze %dma_wait3A_145 : memref<1x128xi32, #tpu.memory_space<vmem>> -> memref<128xi32, #tpu.memory_space<vmem>>
      %dma_wait3A_147 = arith.constant 0 : i32
      %dma_wait3A_148 = arith.constant 0 : i32
      %dma_wait3A_149 = tpu.memref_slice %arg8[%dma_wait3A_147, %dma_wait3A_148] : memref<10240x16xf32, #tpu.memory_space<vmem_shared>> -> memref<10240x16xf32, #tpu.memory_space<vmem_shared>>
      tpu.wait_indirect_dma semaphore(%arg14 : memref<!tpu.dma_semaphore, #tpu.memory_space<semaphore_mem>>) src(%arg7 : memref<128x16xf32, #tpu.memory_space<vmem>>) dst(%dma_wait3A_149 : memref<10240x16xf32, #tpu.memory_space<vmem_shared>>)
      %mul3A_150 = arith.constant 8 : i32
      %mul3A_151 = arith.muli %scan3A_11, %mul3A_150 : i32
      %add3A_152 = arith.constant 6 : i32
      %add3A_153 = arith.addi %mul3A_151, %add3A_152 : i32
      %dma_wait3A_154 = arith.constant 0 : i32
      %dma_wait3A_155 = tpu.memref_slice %arg6[%add3A_153, %dma_wait3A_154] : memref<80x128xi32, #tpu.memory_space<vmem>> -> memref<1x128xi32, #tpu.memory_space<vmem>>
      %dma_wait3A_156 = tpu.memref_squeeze %dma_wait3A_155 : memref<1x128xi32, #tpu.memory_space<vmem>> -> memref<128xi32, #tpu.memory_space<vmem>>
      %dma_wait3A_157 = arith.constant 0 : i32
      %dma_wait3A_158 = arith.constant 0 : i32
      %dma_wait3A_159 = tpu.memref_slice %arg8[%dma_wait3A_157, %dma_wait3A_158] : memref<10240x16xf32, #tpu.memory_space<vmem_shared>> -> memref<10240x16xf32, #tpu.memory_space<vmem_shared>>
      tpu.wait_indirect_dma semaphore(%arg15 : memref<!tpu.dma_semaphore, #tpu.memory_space<semaphore_mem>>) src(%arg7 : memref<128x16xf32, #tpu.memory_space<vmem>>) dst(%dma_wait3A_159 : memref<10240x16xf32, #tpu.memory_space<vmem_shared>>)
      %mul3A_160 = arith.constant 8 : i32
      %mul3A_161 = arith.muli %scan3A_11, %mul3A_160 : i32
      %add3A_162 = arith.constant 7 : i32
      %add3A_163 = arith.addi %mul3A_161, %add3A_162 : i32
      %dma_wait3A_164 = arith.constant 0 : i32
      %dma_wait3A_165 = tpu.memref_slice %arg6[%add3A_163, %dma_wait3A_164] : memref<80x128xi32, #tpu.memory_space<vmem>> -> memref<1x128xi32, #tpu.memory_space<vmem>>
      %dma_wait3A_166 = tpu.memref_squeeze %dma_wait3A_165 : memref<1x128xi32, #tpu.memory_space<vmem>> -> memref<128xi32, #tpu.memory_space<vmem>>
      %dma_wait3A_167 = arith.constant 0 : i32
      %dma_wait3A_168 = arith.constant 0 : i32
      %dma_wait3A_169 = tpu.memref_slice %arg8[%dma_wait3A_167, %dma_wait3A_168] : memref<10240x16xf32, #tpu.memory_space<vmem_shared>> -> memref<10240x16xf32, #tpu.memory_space<vmem_shared>>
      tpu.wait_indirect_dma semaphore(%arg16 : memref<!tpu.dma_semaphore, #tpu.memory_space<semaphore_mem>>) src(%arg7 : memref<128x16xf32, #tpu.memory_space<vmem>>) dst(%dma_wait3A_169 : memref<10240x16xf32, #tpu.memory_space<vmem_shared>>)
    }
    %scan3A_9 = arith.constant 10 : i32
    %barrier3A_10 = arith.constant 0 : index
    tpu.barrier barrier_id(%barrier3A_10)
    "tpu.region"() ({
      %run_scoped3A = tpu.sem_alloc : memref<!tpu.dma_semaphore, #tpu.memory_space<semaphore_mem>>
      %dma_start3A = arith.constant 0 : i32
      %dma_start3A_11 = tpu.memref_slice %arg5[%arg0, %multiple_of3A, %dma_start3A] : memref<2x10240x16xf32, #tpu.memory_space<hbm>> -> memref<1x640x16xf32, #tpu.memory_space<hbm>>
      %dma_start3A_12 = tpu.memref_squeeze %dma_start3A_11 : memref<1x640x16xf32, #tpu.memory_space<hbm>> -> memref<640x16xf32, #tpu.memory_space<hbm>>
      %dma_start3A_13 = arith.constant 0 : i32
      %dma_start3A_14 = tpu.memref_slice %arg8[%multiple_of3A, %dma_start3A_13] : memref<10240x16xf32, #tpu.memory_space<vmem_shared>> -> memref<640x16xf32, #tpu.memory_space<vmem_shared>>
      tpu.enqueue_dma source(%dma_start3A_14 : memref<640x16xf32, #tpu.memory_space<vmem_shared>>) target(%dma_start3A_12 : memref<640x16xf32, #tpu.memory_space<hbm>>) target_semaphore(%run_scoped3A : memref<!tpu.dma_semaphore, #tpu.memory_space<semaphore_mem>>)
      %dma_wait3A = arith.constant 0 : i32
      %dma_wait3A_15 = tpu.memref_slice %arg5[%arg0, %multiple_of3A, %dma_wait3A] : memref<2x10240x16xf32, #tpu.memory_space<hbm>> -> memref<1x640x16xf32, #tpu.memory_space<hbm>>
      %dma_wait3A_16 = tpu.memref_squeeze %dma_wait3A_15 : memref<1x640x16xf32, #tpu.memory_space<hbm>> -> memref<640x16xf32, #tpu.memory_space<hbm>>
      %dma_wait3A_17 = arith.constant 0 : i32
      %dma_wait3A_18 = tpu.memref_slice %arg8[%multiple_of3A, %dma_wait3A_17] : memref<10240x16xf32, #tpu.memory_space<vmem_shared>> -> memref<640x16xf32, #tpu.memory_space<vmem_shared>>
      tpu.wait_dma2 semaphore(%run_scoped3A : memref<!tpu.dma_semaphore, #tpu.memory_space<semaphore_mem>>) src(%dma_wait3A_18 : memref<640x16xf32, #tpu.memory_space<vmem_shared>>) dst(%dma_wait3A_16 : memref<640x16xf32, #tpu.memory_space<hbm>>)
      tpu.yield
    }) : () -> ()
    return
  }
}

#map = affine_map<(d0, d1) -> (0, 0)>
module attributes {stable_mosaic.version = 14 : i64} {
  func.func @_gather_kernel(%arg0: i32, %arg1: i32, %arg2: memref<10240x32xf32, #tpu.memory_space<hbm>>, %arg3: memref<32x64xi32, #tpu.memory_space<hbm>>, %arg4: memref<2048x32xf32, #tpu.memory_space<hbm>>, %arg5: memref<64xi32, #tpu.memory_space<vmem>>, %arg6: memref<64x32xf32, #tpu.memory_space<vmem>>, %arg7: memref<!tpu.dma_semaphore, #tpu.memory_space<semaphore_mem>>) attributes {dimension_semantics = [#tpu.dimension_semantics<core_parallel>, #tpu.dimension_semantics<subcore_parallel>], iteration_bounds = array<i64: 2, 16>, scalar_prefetch = 0 : i64, scratch_operands = 3 : i64, tpu.core_type = #tpu.core_type<sc_vector_subcore>, window_params = [{transform_indices = #map}, {transform_indices = #map}, {transform_indices = #map}]} {
    %mul3A = arith.constant 16 : i32
    %mul3A_0 = arith.muli %arg0, %mul3A : i32
    %add3A = arith.addi %mul3A_0, %arg1 : i32
    "tpu.region"() ({
      %run_scoped3A = tpu.sem_alloc : memref<!tpu.dma_semaphore, #tpu.memory_space<semaphore_mem>>
      %dma_start3A_7 = arith.constant 0 : i32
      %dma_start3A_8 = tpu.memref_slice %arg3[%add3A, %dma_start3A_7] : memref<32x64xi32, #tpu.memory_space<hbm>> -> memref<1x64xi32, #tpu.memory_space<hbm>>
      %dma_start3A_9 = tpu.memref_squeeze %dma_start3A_8 : memref<1x64xi32, #tpu.memory_space<hbm>> -> memref<64xi32, #tpu.memory_space<hbm>>
      %dma_start3A_10 = arith.constant 0 : i32
      %dma_start3A_11 = tpu.memref_slice %arg3[%add3A, %dma_start3A_10] : memref<32x64xi32, #tpu.memory_space<hbm>> -> memref<1x64xi32, #tpu.memory_space<hbm>>
      %dma_start3A_12 = tpu.memref_squeeze %dma_start3A_11 : memref<1x64xi32, #tpu.memory_space<hbm>> -> memref<64xi32, #tpu.memory_space<hbm>>
      tpu.enqueue_dma source(%dma_start3A_12 : memref<64xi32, #tpu.memory_space<hbm>>) target(%arg5 : memref<64xi32, #tpu.memory_space<vmem>>) target_semaphore(%run_scoped3A : memref<!tpu.dma_semaphore, #tpu.memory_space<semaphore_mem>>)
      %dma_wait3A_13 = arith.constant 0 : i32
      %dma_wait3A_14 = tpu.memref_slice %arg3[%add3A, %dma_wait3A_13] : memref<32x64xi32, #tpu.memory_space<hbm>> -> memref<1x64xi32, #tpu.memory_space<hbm>>
      %dma_wait3A_15 = tpu.memref_squeeze %dma_wait3A_14 : memref<1x64xi32, #tpu.memory_space<hbm>> -> memref<64xi32, #tpu.memory_space<hbm>>
      %dma_wait3A_16 = arith.constant 0 : i32
      %dma_wait3A_17 = tpu.memref_slice %arg3[%add3A, %dma_wait3A_16] : memref<32x64xi32, #tpu.memory_space<hbm>> -> memref<1x64xi32, #tpu.memory_space<hbm>>
      %dma_wait3A_18 = tpu.memref_squeeze %dma_wait3A_17 : memref<1x64xi32, #tpu.memory_space<hbm>> -> memref<64xi32, #tpu.memory_space<hbm>>
      tpu.wait_dma2 semaphore(%run_scoped3A : memref<!tpu.dma_semaphore, #tpu.memory_space<semaphore_mem>>) src(%dma_wait3A_18 : memref<64xi32, #tpu.memory_space<hbm>>) dst(%arg5 : memref<64xi32, #tpu.memory_space<vmem>>)
      tpu.yield
    }) : () -> ()
    %dma_start3A = arith.constant 0 : i32
    %dma_start3A_1 = arith.constant 0 : i32
    %dma_start3A_2 = tpu.memref_slice %arg2[%dma_start3A, %dma_start3A_1] : memref<10240x32xf32, #tpu.memory_space<hbm>> -> memref<10240x32xf32, #tpu.memory_space<hbm>>
    tpu.enqueue_indirect_dma source(%dma_start3A_2 : memref<10240x32xf32, #tpu.memory_space<hbm>>) target(%arg6 : memref<64x32xf32, #tpu.memory_space<vmem>>) offsets(%arg5 : memref<64xi32, #tpu.memory_space<vmem>>) semaphore(%arg7 : memref<!tpu.dma_semaphore, #tpu.memory_space<semaphore_mem>>)
    %dma_wait3A = arith.constant 0 : i32
    %dma_wait3A_3 = arith.constant 0 : i32
    %dma_wait3A_4 = tpu.memref_slice %arg2[%dma_wait3A, %dma_wait3A_3] : memref<10240x32xf32, #tpu.memory_space<hbm>> -> memref<10240x32xf32, #tpu.memory_space<hbm>>
    tpu.wait_indirect_dma semaphore(%arg7 : memref<!tpu.dma_semaphore, #tpu.memory_space<semaphore_mem>>) src(%dma_wait3A_4 : memref<10240x32xf32, #tpu.memory_space<hbm>>) dst(%arg6 : memref<64x32xf32, #tpu.memory_space<vmem>>)
    %mul3A_5 = arith.constant 64 : i32
    %mul3A_6 = arith.muli %add3A, %mul3A_5 : i32
    %multiple_of3A = tpu.assume_multiple %mul3A_6, 8 : i32
    "tpu.region"() ({
      %run_scoped3A = tpu.sem_alloc : memref<!tpu.dma_semaphore, #tpu.memory_space<semaphore_mem>>
      %dma_start3A_7 = arith.constant 0 : i32
      %dma_start3A_8 = tpu.memref_slice %arg4[%multiple_of3A, %dma_start3A_7] : memref<2048x32xf32, #tpu.memory_space<hbm>> -> memref<64x32xf32, #tpu.memory_space<hbm>>
      %dma_start3A_9 = arith.constant 0 : i32
      %dma_start3A_10 = tpu.memref_slice %arg4[%multiple_of3A, %dma_start3A_9] : memref<2048x32xf32, #tpu.memory_space<hbm>> -> memref<64x32xf32, #tpu.memory_space<hbm>>
      tpu.enqueue_dma source(%arg6 : memref<64x32xf32, #tpu.memory_space<vmem>>) target(%dma_start3A_10 : memref<64x32xf32, #tpu.memory_space<hbm>>) target_semaphore(%run_scoped3A : memref<!tpu.dma_semaphore, #tpu.memory_space<semaphore_mem>>)
      %dma_wait3A_11 = arith.constant 0 : i32
      %dma_wait3A_12 = tpu.memref_slice %arg4[%multiple_of3A, %dma_wait3A_11] : memref<2048x32xf32, #tpu.memory_space<hbm>> -> memref<64x32xf32, #tpu.memory_space<hbm>>
      %dma_wait3A_13 = arith.constant 0 : i32
      %dma_wait3A_14 = tpu.memref_slice %arg4[%multiple_of3A, %dma_wait3A_13] : memref<2048x32xf32, #tpu.memory_space<hbm>> -> memref<64x32xf32, #tpu.memory_space<hbm>>
      tpu.wait_dma2 semaphore(%run_scoped3A : memref<!tpu.dma_semaphore, #tpu.memory_space<semaphore_mem>>) src(%arg6 : memref<64x32xf32, #tpu.memory_space<vmem>>) dst(%dma_wait3A_14 : memref<64x32xf32, #tpu.memory_space<hbm>>)
      tpu.yield
    }) : () -> ()
    return
  }
}

#map = affine_map<(d0, d1) -> (0, 0)>
#map1 = affine_map<(d0, d1) -> (0, 0, 0)>
module attributes {stable_mosaic.version = 14 : i64} {
  func.func @prop(%arg0: i32, %arg1: i32, %arg2: memref<10240x128xf32, #tpu.memory_space<hbm>>, %arg3: memref<2560x128xi32, #tpu.memory_space<hbm>>, %arg4: memref<2560x128xi32, #tpu.memory_space<hbm>>, %arg5: memref<640x64xf32, #tpu.memory_space<hbm>>, %arg6: memref<2x10240x64xf32, #tpu.memory_space<hbm>>, %arg7: memref<4x2x128xi32, #tpu.memory_space<vmem>>, %arg8: memref<128x64xf32, #tpu.memory_space<vmem>>, %arg9: memref<128x64xf32, #tpu.memory_space<vmem>>, %arg10: memref<10240x64xf32, #tpu.memory_space<vmem_shared>>, %arg11: memref<10240x64xf32, #tpu.memory_space<vmem_shared>>, %arg12: memref<!tpu.dma_semaphore, #tpu.memory_space<semaphore_mem>>, %arg13: memref<!tpu.dma_semaphore, #tpu.memory_space<semaphore_mem>>, %arg14: memref<!tpu.dma_semaphore, #tpu.memory_space<semaphore_mem>>, %arg15: memref<!tpu.dma_semaphore, #tpu.memory_space<semaphore_mem>>, %arg16: memref<!tpu.dma_semaphore, #tpu.memory_space<semaphore_mem>>, %arg17: memref<!tpu.dma_semaphore, #tpu.memory_space<semaphore_mem>>, %arg18: memref<!tpu.dma_semaphore, #tpu.memory_space<semaphore_mem>>, %arg19: memref<!tpu.dma_semaphore, #tpu.memory_space<semaphore_mem>>) attributes {dimension_semantics = [#tpu.dimension_semantics<core_parallel>, #tpu.dimension_semantics<subcore_parallel>], iteration_bounds = array<i64: 2, 16>, scalar_prefetch = 0 : i64, scratch_operands = 13 : i64, tpu.core_type = #tpu.core_type<sc_vector_subcore>, window_params = [{transform_indices = #map}, {transform_indices = #map}, {transform_indices = #map}, {transform_indices = #map}, {transform_indices = #map1}]} {
    %mul3A = arith.constant 640 : i32
    %mul3A_0 = arith.muli %arg1, %mul3A : i32
    %multiple_of3A = tpu.assume_multiple %mul3A_0, 8 : i32
    %mul3A_1 = arith.constant 64 : i32
    %mul3A_2 = arith.muli %arg0, %mul3A_1 : i32
    %multiple_of3A_3 = tpu.assume_multiple %mul3A_2, 8 : i32
    %mul3A_4 = arith.constant 160 : i32
    %mul3A_5 = arith.muli %arg1, %mul3A_4 : i32
    "tpu.region"() ({
      %run_scoped3A = tpu.sem_alloc : memref<!tpu.dma_semaphore, #tpu.memory_space<semaphore_mem>>
      %dma_start3A_217 = arith.constant 0 : i32
      %dma_start3A_218 = tpu.memref_slice %arg11[%multiple_of3A, %dma_start3A_217] : memref<10240x64xf32, #tpu.memory_space<vmem_shared>> -> memref<640x64xf32, #tpu.memory_space<vmem_shared>>
      tpu.enqueue_dma source(%arg5 : memref<640x64xf32, #tpu.memory_space<hbm>>) target(%dma_start3A_218 : memref<640x64xf32, #tpu.memory_space<vmem_shared>>) target_semaphore(%run_scoped3A : memref<!tpu.dma_semaphore, #tpu.memory_space<semaphore_mem>>)
      %dma_wait3A_219 = arith.constant 0 : i32
      %dma_wait3A_220 = tpu.memref_slice %arg11[%multiple_of3A, %dma_wait3A_219] : memref<10240x64xf32, #tpu.memory_space<vmem_shared>> -> memref<640x64xf32, #tpu.memory_space<vmem_shared>>
      tpu.wait_dma2 semaphore(%run_scoped3A : memref<!tpu.dma_semaphore, #tpu.memory_space<semaphore_mem>>) src(%arg5 : memref<640x64xf32, #tpu.memory_space<hbm>>) dst(%dma_wait3A_220 : memref<640x64xf32, #tpu.memory_space<vmem_shared>>)
      tpu.yield
    }) : () -> ()
    "tpu.region"() ({
      %run_scoped3A = tpu.sem_alloc : memref<!tpu.dma_semaphore, #tpu.memory_space<semaphore_mem>>
      %dma_start3A_217 = arith.constant 0 : i32
      %dma_start3A_218 = tpu.memref_slice %arg10[%multiple_of3A, %dma_start3A_217] : memref<10240x64xf32, #tpu.memory_space<vmem_shared>> -> memref<640x64xf32, #tpu.memory_space<vmem_shared>>
      %dma_start3A_219 = tpu.memref_slice %arg2[%multiple_of3A, %multiple_of3A_3] : memref<10240x128xf32, #tpu.memory_space<hbm>> -> memref<640x64xf32, #tpu.memory_space<hbm>>
      tpu.enqueue_dma source(%dma_start3A_219 : memref<640x64xf32, #tpu.memory_space<hbm>>) target(%dma_start3A_218 : memref<640x64xf32, #tpu.memory_space<vmem_shared>>) target_semaphore(%run_scoped3A : memref<!tpu.dma_semaphore, #tpu.memory_space<semaphore_mem>>)
      %dma_wait3A_220 = arith.constant 0 : i32
      %dma_wait3A_221 = tpu.memref_slice %arg10[%multiple_of3A, %dma_wait3A_220] : memref<10240x64xf32, #tpu.memory_space<vmem_shared>> -> memref<640x64xf32, #tpu.memory_space<vmem_shared>>
      %dma_wait3A_222 = tpu.memref_slice %arg2[%multiple_of3A, %multiple_of3A_3] : memref<10240x128xf32, #tpu.memory_space<hbm>> -> memref<640x64xf32, #tpu.memory_space<hbm>>
      tpu.wait_dma2 semaphore(%run_scoped3A : memref<!tpu.dma_semaphore, #tpu.memory_space<semaphore_mem>>) src(%dma_wait3A_222 : memref<640x64xf32, #tpu.memory_space<hbm>>) dst(%dma_wait3A_221 : memref<640x64xf32, #tpu.memory_space<vmem_shared>>)
      tpu.yield
    }) : () -> ()
    %barrier3A = arith.constant 0 : index
    tpu.barrier barrier_id(%barrier3A)
    %add3A = arith.constant 0 : i32
    %add3A_6 = arith.addi %mul3A_5, %add3A : i32
    %dma_start3A = arith.constant 0 : i32
    %dma_start3A_7 = arith.constant 0 : i32
    %dma_start3A_8 = arith.constant 0 : i32
    %dma_start3A_9 = tpu.memref_slice %arg7[%dma_start3A, %dma_start3A_7, %dma_start3A_8] : memref<4x2x128xi32, #tpu.memory_space<vmem>> -> memref<1x1x128xi32, #tpu.memory_space<vmem>>
    %dma_start3A_10 = tpu.memref_squeeze %dma_start3A_9 : memref<1x1x128xi32, #tpu.memory_space<vmem>> -> memref<128xi32, #tpu.memory_space<vmem>>
    %dma_start3A_11 = arith.constant 0 : i32
    %dma_start3A_12 = tpu.memref_slice %arg3[%add3A_6, %dma_start3A_11] : memref<2560x128xi32, #tpu.memory_space<hbm>> -> memref<1x128xi32, #tpu.memory_space<hbm>>
    %dma_start3A_13 = tpu.memref_squeeze %dma_start3A_12 : memref<1x128xi32, #tpu.memory_space<hbm>> -> memref<128xi32, #tpu.memory_space<hbm>>
    %dma_start3A_14 = arith.constant 0 : i32
    %dma_start3A_15 = tpu.memref_slice %arg7[%dma_start3A, %dma_start3A_7, %dma_start3A_14] : memref<4x2x128xi32, #tpu.memory_space<vmem>> -> memref<1x1x128xi32, #tpu.memory_space<vmem>>
    %dma_start3A_16 = tpu.memref_squeeze %dma_start3A_15 : memref<1x1x128xi32, #tpu.memory_space<vmem>> -> memref<128xi32, #tpu.memory_space<vmem>>
    %dma_start3A_17 = arith.constant 0 : i32
    %dma_start3A_18 = tpu.memref_slice %arg3[%add3A_6, %dma_start3A_17] : memref<2560x128xi32, #tpu.memory_space<hbm>> -> memref<1x128xi32, #tpu.memory_space<hbm>>
    %dma_start3A_19 = tpu.memref_squeeze %dma_start3A_18 : memref<1x128xi32, #tpu.memory_space<hbm>> -> memref<128xi32, #tpu.memory_space<hbm>>
    tpu.enqueue_dma source(%dma_start3A_19 : memref<128xi32, #tpu.memory_space<hbm>>) target(%dma_start3A_16 : memref<128xi32, #tpu.memory_space<vmem>>) target_semaphore(%arg12 : memref<!tpu.dma_semaphore, #tpu.memory_space<semaphore_mem>>)
    %add3A_20 = arith.constant 0 : i32
    %add3A_21 = arith.addi %mul3A_5, %add3A_20 : i32
    %dma_start3A_22 = arith.constant 0 : i32
    %dma_start3A_23 = arith.constant 1 : i32
    %dma_start3A_24 = arith.constant 0 : i32
    %dma_start3A_25 = tpu.memref_slice %arg7[%dma_start3A_22, %dma_start3A_23, %dma_start3A_24] : memref<4x2x128xi32, #tpu.memory_space<vmem>> -> memref<1x1x128xi32, #tpu.memory_space<vmem>>
    %dma_start3A_26 = tpu.memref_squeeze %dma_start3A_25 : memref<1x1x128xi32, #tpu.memory_space<vmem>> -> memref<128xi32, #tpu.memory_space<vmem>>
    %dma_start3A_27 = arith.constant 0 : i32
    %dma_start3A_28 = tpu.memref_slice %arg4[%add3A_21, %dma_start3A_27] : memref<2560x128xi32, #tpu.memory_space<hbm>> -> memref<1x128xi32, #tpu.memory_space<hbm>>
    %dma_start3A_29 = tpu.memref_squeeze %dma_start3A_28 : memref<1x128xi32, #tpu.memory_space<hbm>> -> memref<128xi32, #tpu.memory_space<hbm>>
    %dma_start3A_30 = arith.constant 0 : i32
    %dma_start3A_31 = tpu.memref_slice %arg7[%dma_start3A_22, %dma_start3A_23, %dma_start3A_30] : memref<4x2x128xi32, #tpu.memory_space<vmem>> -> memref<1x1x128xi32, #tpu.memory_space<vmem>>
    %dma_start3A_32 = tpu.memref_squeeze %dma_start3A_31 : memref<1x1x128xi32, #tpu.memory_space<vmem>> -> memref<128xi32, #tpu.memory_space<vmem>>
    %dma_start3A_33 = arith.constant 0 : i32
    %dma_start3A_34 = tpu.memref_slice %arg4[%add3A_21, %dma_start3A_33] : memref<2560x128xi32, #tpu.memory_space<hbm>> -> memref<1x128xi32, #tpu.memory_space<hbm>>
    %dma_start3A_35 = tpu.memref_squeeze %dma_start3A_34 : memref<1x128xi32, #tpu.memory_space<hbm>> -> memref<128xi32, #tpu.memory_space<hbm>>
    tpu.enqueue_dma source(%dma_start3A_35 : memref<128xi32, #tpu.memory_space<hbm>>) target(%dma_start3A_32 : memref<128xi32, #tpu.memory_space<vmem>>) target_semaphore(%arg12 : memref<!tpu.dma_semaphore, #tpu.memory_space<semaphore_mem>>)
    %add3A_36 = arith.constant 1 : i32
    %add3A_37 = arith.addi %mul3A_5, %add3A_36 : i32
    %dma_start3A_38 = arith.constant 1 : i32
    %dma_start3A_39 = arith.constant 0 : i32
    %dma_start3A_40 = arith.constant 0 : i32
    %dma_start3A_41 = tpu.memref_slice %arg7[%dma_start3A_38, %dma_start3A_39, %dma_start3A_40] : memref<4x2x128xi32, #tpu.memory_space<vmem>> -> memref<1x1x128xi32, #tpu.memory_space<vmem>>
    %dma_start3A_42 = tpu.memref_squeeze %dma_start3A_41 : memref<1x1x128xi32, #tpu.memory_space<vmem>> -> memref<128xi32, #tpu.memory_space<vmem>>
    %dma_start3A_43 = arith.constant 0 : i32
    %dma_start3A_44 = tpu.memref_slice %arg3[%add3A_37, %dma_start3A_43] : memref<2560x128xi32, #tpu.memory_space<hbm>> -> memref<1x128xi32, #tpu.memory_space<hbm>>
    %dma_start3A_45 = tpu.memref_squeeze %dma_start3A_44 : memref<1x128xi32, #tpu.memory_space<hbm>> -> memref<128xi32, #tpu.memory_space<hbm>>
    %dma_start3A_46 = arith.constant 0 : i32
    %dma_start3A_47 = tpu.memref_slice %arg7[%dma_start3A_38, %dma_start3A_39, %dma_start3A_46] : memref<4x2x128xi32, #tpu.memory_space<vmem>> -> memref<1x1x128xi32, #tpu.memory_space<vmem>>
    %dma_start3A_48 = tpu.memref_squeeze %dma_start3A_47 : memref<1x1x128xi32, #tpu.memory_space<vmem>> -> memref<128xi32, #tpu.memory_space<vmem>>
    %dma_start3A_49 = arith.constant 0 : i32
    %dma_start3A_50 = tpu.memref_slice %arg3[%add3A_37, %dma_start3A_49] : memref<2560x128xi32, #tpu.memory_space<hbm>> -> memref<1x128xi32, #tpu.memory_space<hbm>>
    %dma_start3A_51 = tpu.memref_squeeze %dma_start3A_50 : memref<1x128xi32, #tpu.memory_space<hbm>> -> memref<128xi32, #tpu.memory_space<hbm>>
    tpu.enqueue_dma source(%dma_start3A_51 : memref<128xi32, #tpu.memory_space<hbm>>) target(%dma_start3A_48 : memref<128xi32, #tpu.memory_space<vmem>>) target_semaphore(%arg13 : memref<!tpu.dma_semaphore, #tpu.memory_space<semaphore_mem>>)
    %add3A_52 = arith.constant 1 : i32
    %add3A_53 = arith.addi %mul3A_5, %add3A_52 : i32
    %dma_start3A_54 = arith.constant 1 : i32
    %dma_start3A_55 = arith.constant 1 : i32
    %dma_start3A_56 = arith.constant 0 : i32
    %dma_start3A_57 = tpu.memref_slice %arg7[%dma_start3A_54, %dma_start3A_55, %dma_start3A_56] : memref<4x2x128xi32, #tpu.memory_space<vmem>> -> memref<1x1x128xi32, #tpu.memory_space<vmem>>
    %dma_start3A_58 = tpu.memref_squeeze %dma_start3A_57 : memref<1x1x128xi32, #tpu.memory_space<vmem>> -> memref<128xi32, #tpu.memory_space<vmem>>
    %dma_start3A_59 = arith.constant 0 : i32
    %dma_start3A_60 = tpu.memref_slice %arg4[%add3A_53, %dma_start3A_59] : memref<2560x128xi32, #tpu.memory_space<hbm>> -> memref<1x128xi32, #tpu.memory_space<hbm>>
    %dma_start3A_61 = tpu.memref_squeeze %dma_start3A_60 : memref<1x128xi32, #tpu.memory_space<hbm>> -> memref<128xi32, #tpu.memory_space<hbm>>
    %dma_start3A_62 = arith.constant 0 : i32
    %dma_start3A_63 = tpu.memref_slice %arg7[%dma_start3A_54, %dma_start3A_55, %dma_start3A_62] : memref<4x2x128xi32, #tpu.memory_space<vmem>> -> memref<1x1x128xi32, #tpu.memory_space<vmem>>
    %dma_start3A_64 = tpu.memref_squeeze %dma_start3A_63 : memref<1x1x128xi32, #tpu.memory_space<vmem>> -> memref<128xi32, #tpu.memory_space<vmem>>
    %dma_start3A_65 = arith.constant 0 : i32
    %dma_start3A_66 = tpu.memref_slice %arg4[%add3A_53, %dma_start3A_65] : memref<2560x128xi32, #tpu.memory_space<hbm>> -> memref<1x128xi32, #tpu.memory_space<hbm>>
    %dma_start3A_67 = tpu.memref_squeeze %dma_start3A_66 : memref<1x128xi32, #tpu.memory_space<hbm>> -> memref<128xi32, #tpu.memory_space<hbm>>
    tpu.enqueue_dma source(%dma_start3A_67 : memref<128xi32, #tpu.memory_space<hbm>>) target(%dma_start3A_64 : memref<128xi32, #tpu.memory_space<vmem>>) target_semaphore(%arg13 : memref<!tpu.dma_semaphore, #tpu.memory_space<semaphore_mem>>)
    %add3A_68 = arith.constant 2 : i32
    %add3A_69 = arith.addi %mul3A_5, %add3A_68 : i32
    %dma_start3A_70 = arith.constant 2 : i32
    %dma_start3A_71 = arith.constant 0 : i32
    %dma_start3A_72 = arith.constant 0 : i32
    %dma_start3A_73 = tpu.memref_slice %arg7[%dma_start3A_70, %dma_start3A_71, %dma_start3A_72] : memref<4x2x128xi32, #tpu.memory_space<vmem>> -> memref<1x1x128xi32, #tpu.memory_space<vmem>>
    %dma_start3A_74 = tpu.memref_squeeze %dma_start3A_73 : memref<1x1x128xi32, #tpu.memory_space<vmem>> -> memref<128xi32, #tpu.memory_space<vmem>>
    %dma_start3A_75 = arith.constant 0 : i32
    %dma_start3A_76 = tpu.memref_slice %arg3[%add3A_69, %dma_start3A_75] : memref<2560x128xi32, #tpu.memory_space<hbm>> -> memref<1x128xi32, #tpu.memory_space<hbm>>
    %dma_start3A_77 = tpu.memref_squeeze %dma_start3A_76 : memref<1x128xi32, #tpu.memory_space<hbm>> -> memref<128xi32, #tpu.memory_space<hbm>>
    %dma_start3A_78 = arith.constant 0 : i32
    %dma_start3A_79 = tpu.memref_slice %arg7[%dma_start3A_70, %dma_start3A_71, %dma_start3A_78] : memref<4x2x128xi32, #tpu.memory_space<vmem>> -> memref<1x1x128xi32, #tpu.memory_space<vmem>>
    %dma_start3A_80 = tpu.memref_squeeze %dma_start3A_79 : memref<1x1x128xi32, #tpu.memory_space<vmem>> -> memref<128xi32, #tpu.memory_space<vmem>>
    %dma_start3A_81 = arith.constant 0 : i32
    %dma_start3A_82 = tpu.memref_slice %arg3[%add3A_69, %dma_start3A_81] : memref<2560x128xi32, #tpu.memory_space<hbm>> -> memref<1x128xi32, #tpu.memory_space<hbm>>
    %dma_start3A_83 = tpu.memref_squeeze %dma_start3A_82 : memref<1x128xi32, #tpu.memory_space<hbm>> -> memref<128xi32, #tpu.memory_space<hbm>>
    tpu.enqueue_dma source(%dma_start3A_83 : memref<128xi32, #tpu.memory_space<hbm>>) target(%dma_start3A_80 : memref<128xi32, #tpu.memory_space<vmem>>) target_semaphore(%arg14 : memref<!tpu.dma_semaphore, #tpu.memory_space<semaphore_mem>>)
    %add3A_84 = arith.constant 2 : i32
    %add3A_85 = arith.addi %mul3A_5, %add3A_84 : i32
    %dma_start3A_86 = arith.constant 2 : i32
    %dma_start3A_87 = arith.constant 1 : i32
    %dma_start3A_88 = arith.constant 0 : i32
    %dma_start3A_89 = tpu.memref_slice %arg7[%dma_start3A_86, %dma_start3A_87, %dma_start3A_88] : memref<4x2x128xi32, #tpu.memory_space<vmem>> -> memref<1x1x128xi32, #tpu.memory_space<vmem>>
    %dma_start3A_90 = tpu.memref_squeeze %dma_start3A_89 : memref<1x1x128xi32, #tpu.memory_space<vmem>> -> memref<128xi32, #tpu.memory_space<vmem>>
    %dma_start3A_91 = arith.constant 0 : i32
    %dma_start3A_92 = tpu.memref_slice %arg4[%add3A_85, %dma_start3A_91] : memref<2560x128xi32, #tpu.memory_space<hbm>> -> memref<1x128xi32, #tpu.memory_space<hbm>>
    %dma_start3A_93 = tpu.memref_squeeze %dma_start3A_92 : memref<1x128xi32, #tpu.memory_space<hbm>> -> memref<128xi32, #tpu.memory_space<hbm>>
    %dma_start3A_94 = arith.constant 0 : i32
    %dma_start3A_95 = tpu.memref_slice %arg7[%dma_start3A_86, %dma_start3A_87, %dma_start3A_94] : memref<4x2x128xi32, #tpu.memory_space<vmem>> -> memref<1x1x128xi32, #tpu.memory_space<vmem>>
    %dma_start3A_96 = tpu.memref_squeeze %dma_start3A_95 : memref<1x1x128xi32, #tpu.memory_space<vmem>> -> memref<128xi32, #tpu.memory_space<vmem>>
    %dma_start3A_97 = arith.constant 0 : i32
    %dma_start3A_98 = tpu.memref_slice %arg4[%add3A_85, %dma_start3A_97] : memref<2560x128xi32, #tpu.memory_space<hbm>> -> memref<1x128xi32, #tpu.memory_space<hbm>>
    %dma_start3A_99 = tpu.memref_squeeze %dma_start3A_98 : memref<1x128xi32, #tpu.memory_space<hbm>> -> memref<128xi32, #tpu.memory_space<hbm>>
    tpu.enqueue_dma source(%dma_start3A_99 : memref<128xi32, #tpu.memory_space<hbm>>) target(%dma_start3A_96 : memref<128xi32, #tpu.memory_space<vmem>>) target_semaphore(%arg14 : memref<!tpu.dma_semaphore, #tpu.memory_space<semaphore_mem>>)
    %add3A_100 = arith.constant 3 : i32
    %add3A_101 = arith.addi %mul3A_5, %add3A_100 : i32
    %dma_start3A_102 = arith.constant 3 : i32
    %dma_start3A_103 = arith.constant 0 : i32
    %dma_start3A_104 = arith.constant 0 : i32
    %dma_start3A_105 = tpu.memref_slice %arg7[%dma_start3A_102, %dma_start3A_103, %dma_start3A_104] : memref<4x2x128xi32, #tpu.memory_space<vmem>> -> memref<1x1x128xi32, #tpu.memory_space<vmem>>
    %dma_start3A_106 = tpu.memref_squeeze %dma_start3A_105 : memref<1x1x128xi32, #tpu.memory_space<vmem>> -> memref<128xi32, #tpu.memory_space<vmem>>
    %dma_start3A_107 = arith.constant 0 : i32
    %dma_start3A_108 = tpu.memref_slice %arg3[%add3A_101, %dma_start3A_107] : memref<2560x128xi32, #tpu.memory_space<hbm>> -> memref<1x128xi32, #tpu.memory_space<hbm>>
    %dma_start3A_109 = tpu.memref_squeeze %dma_start3A_108 : memref<1x128xi32, #tpu.memory_space<hbm>> -> memref<128xi32, #tpu.memory_space<hbm>>
    %dma_start3A_110 = arith.constant 0 : i32
    %dma_start3A_111 = tpu.memref_slice %arg7[%dma_start3A_102, %dma_start3A_103, %dma_start3A_110] : memref<4x2x128xi32, #tpu.memory_space<vmem>> -> memref<1x1x128xi32, #tpu.memory_space<vmem>>
    %dma_start3A_112 = tpu.memref_squeeze %dma_start3A_111 : memref<1x1x128xi32, #tpu.memory_space<vmem>> -> memref<128xi32, #tpu.memory_space<vmem>>
    %dma_start3A_113 = arith.constant 0 : i32
    %dma_start3A_114 = tpu.memref_slice %arg3[%add3A_101, %dma_start3A_113] : memref<2560x128xi32, #tpu.memory_space<hbm>> -> memref<1x128xi32, #tpu.memory_space<hbm>>
    %dma_start3A_115 = tpu.memref_squeeze %dma_start3A_114 : memref<1x128xi32, #tpu.memory_space<hbm>> -> memref<128xi32, #tpu.memory_space<hbm>>
    tpu.enqueue_dma source(%dma_start3A_115 : memref<128xi32, #tpu.memory_space<hbm>>) target(%dma_start3A_112 : memref<128xi32, #tpu.memory_space<vmem>>) target_semaphore(%arg15 : memref<!tpu.dma_semaphore, #tpu.memory_space<semaphore_mem>>)
    %add3A_116 = arith.constant 3 : i32
    %add3A_117 = arith.addi %mul3A_5, %add3A_116 : i32
    %dma_start3A_118 = arith.constant 3 : i32
    %dma_start3A_119 = arith.constant 1 : i32
    %dma_start3A_120 = arith.constant 0 : i32
    %dma_start3A_121 = tpu.memref_slice %arg7[%dma_start3A_118, %dma_start3A_119, %dma_start3A_120] : memref<4x2x128xi32, #tpu.memory_space<vmem>> -> memref<1x1x128xi32, #tpu.memory_space<vmem>>
    %dma_start3A_122 = tpu.memref_squeeze %dma_start3A_121 : memref<1x1x128xi32, #tpu.memory_space<vmem>> -> memref<128xi32, #tpu.memory_space<vmem>>
    %dma_start3A_123 = arith.constant 0 : i32
    %dma_start3A_124 = tpu.memref_slice %arg4[%add3A_117, %dma_start3A_123] : memref<2560x128xi32, #tpu.memory_space<hbm>> -> memref<1x128xi32, #tpu.memory_space<hbm>>
    %dma_start3A_125 = tpu.memref_squeeze %dma_start3A_124 : memref<1x128xi32, #tpu.memory_space<hbm>> -> memref<128xi32, #tpu.memory_space<hbm>>
    %dma_start3A_126 = arith.constant 0 : i32
    %dma_start3A_127 = tpu.memref_slice %arg7[%dma_start3A_118, %dma_start3A_119, %dma_start3A_126] : memref<4x2x128xi32, #tpu.memory_space<vmem>> -> memref<1x1x128xi32, #tpu.memory_space<vmem>>
    %dma_start3A_128 = tpu.memref_squeeze %dma_start3A_127 : memref<1x1x128xi32, #tpu.memory_space<vmem>> -> memref<128xi32, #tpu.memory_space<vmem>>
    %dma_start3A_129 = arith.constant 0 : i32
    %dma_start3A_130 = tpu.memref_slice %arg4[%add3A_117, %dma_start3A_129] : memref<2560x128xi32, #tpu.memory_space<hbm>> -> memref<1x128xi32, #tpu.memory_space<hbm>>
    %dma_start3A_131 = tpu.memref_squeeze %dma_start3A_130 : memref<1x128xi32, #tpu.memory_space<hbm>> -> memref<128xi32, #tpu.memory_space<hbm>>
    tpu.enqueue_dma source(%dma_start3A_131 : memref<128xi32, #tpu.memory_space<hbm>>) target(%dma_start3A_128 : memref<128xi32, #tpu.memory_space<vmem>>) target_semaphore(%arg15 : memref<!tpu.dma_semaphore, #tpu.memory_space<semaphore_mem>>)
    %add3A_132 = arith.constant 0 : i32
    %add3A_133 = arith.addi %mul3A_5, %add3A_132 : i32
    %dma_wait3A = arith.constant 0 : i32
    %dma_wait3A_134 = arith.constant 0 : i32
    %dma_wait3A_135 = arith.constant 0 : i32
    %dma_wait3A_136 = tpu.memref_slice %arg7[%dma_wait3A, %dma_wait3A_134, %dma_wait3A_135] : memref<4x2x128xi32, #tpu.memory_space<vmem>> -> memref<1x1x128xi32, #tpu.memory_space<vmem>>
    %dma_wait3A_137 = tpu.memref_squeeze %dma_wait3A_136 : memref<1x1x128xi32, #tpu.memory_space<vmem>> -> memref<128xi32, #tpu.memory_space<vmem>>
    %dma_wait3A_138 = arith.constant 0 : i32
    %dma_wait3A_139 = tpu.memref_slice %arg3[%add3A_133, %dma_wait3A_138] : memref<2560x128xi32, #tpu.memory_space<hbm>> -> memref<1x128xi32, #tpu.memory_space<hbm>>
    %dma_wait3A_140 = tpu.memref_squeeze %dma_wait3A_139 : memref<1x128xi32, #tpu.memory_space<hbm>> -> memref<128xi32, #tpu.memory_space<hbm>>
    %dma_wait3A_141 = arith.constant 0 : i32
    %dma_wait3A_142 = tpu.memref_slice %arg7[%dma_wait3A, %dma_wait3A_134, %dma_wait3A_141] : memref<4x2x128xi32, #tpu.memory_space<vmem>> -> memref<1x1x128xi32, #tpu.memory_space<vmem>>
    %dma_wait3A_143 = tpu.memref_squeeze %dma_wait3A_142 : memref<1x1x128xi32, #tpu.memory_space<vmem>> -> memref<128xi32, #tpu.memory_space<vmem>>
    %dma_wait3A_144 = arith.constant 0 : i32
    %dma_wait3A_145 = tpu.memref_slice %arg3[%add3A_133, %dma_wait3A_144] : memref<2560x128xi32, #tpu.memory_space<hbm>> -> memref<1x128xi32, #tpu.memory_space<hbm>>
    %dma_wait3A_146 = tpu.memref_squeeze %dma_wait3A_145 : memref<1x128xi32, #tpu.memory_space<hbm>> -> memref<128xi32, #tpu.memory_space<hbm>>
    tpu.wait_dma2 semaphore(%arg12 : memref<!tpu.dma_semaphore, #tpu.memory_space<semaphore_mem>>) src(%dma_wait3A_146 : memref<128xi32, #tpu.memory_space<hbm>>) dst(%dma_wait3A_143 : memref<128xi32, #tpu.memory_space<vmem>>)
    %add3A_147 = arith.constant 0 : i32
    %add3A_148 = arith.addi %mul3A_5, %add3A_147 : i32
    %dma_wait3A_149 = arith.constant 0 : i32
    %dma_wait3A_150 = arith.constant 1 : i32
    %dma_wait3A_151 = arith.constant 0 : i32
    %dma_wait3A_152 = tpu.memref_slice %arg7[%dma_wait3A_149, %dma_wait3A_150, %dma_wait3A_151] : memref<4x2x128xi32, #tpu.memory_space<vmem>> -> memref<1x1x128xi32, #tpu.memory_space<vmem>>
    %dma_wait3A_153 = tpu.memref_squeeze %dma_wait3A_152 : memref<1x1x128xi32, #tpu.memory_space<vmem>> -> memref<128xi32, #tpu.memory_space<vmem>>
    %dma_wait3A_154 = arith.constant 0 : i32
    %dma_wait3A_155 = tpu.memref_slice %arg4[%add3A_148, %dma_wait3A_154] : memref<2560x128xi32, #tpu.memory_space<hbm>> -> memref<1x128xi32, #tpu.memory_space<hbm>>
    %dma_wait3A_156 = tpu.memref_squeeze %dma_wait3A_155 : memref<1x128xi32, #tpu.memory_space<hbm>> -> memref<128xi32, #tpu.memory_space<hbm>>
    %dma_wait3A_157 = arith.constant 0 : i32
    %dma_wait3A_158 = tpu.memref_slice %arg7[%dma_wait3A_149, %dma_wait3A_150, %dma_wait3A_157] : memref<4x2x128xi32, #tpu.memory_space<vmem>> -> memref<1x1x128xi32, #tpu.memory_space<vmem>>
    %dma_wait3A_159 = tpu.memref_squeeze %dma_wait3A_158 : memref<1x1x128xi32, #tpu.memory_space<vmem>> -> memref<128xi32, #tpu.memory_space<vmem>>
    %dma_wait3A_160 = arith.constant 0 : i32
    %dma_wait3A_161 = tpu.memref_slice %arg4[%add3A_148, %dma_wait3A_160] : memref<2560x128xi32, #tpu.memory_space<hbm>> -> memref<1x128xi32, #tpu.memory_space<hbm>>
    %dma_wait3A_162 = tpu.memref_squeeze %dma_wait3A_161 : memref<1x128xi32, #tpu.memory_space<hbm>> -> memref<128xi32, #tpu.memory_space<hbm>>
    tpu.wait_dma2 semaphore(%arg12 : memref<!tpu.dma_semaphore, #tpu.memory_space<semaphore_mem>>) src(%dma_wait3A_162 : memref<128xi32, #tpu.memory_space<hbm>>) dst(%dma_wait3A_159 : memref<128xi32, #tpu.memory_space<vmem>>)
    %dma_start3A_163 = arith.constant 0 : i32
    %dma_start3A_164 = arith.constant 0 : i32
    %dma_start3A_165 = arith.constant 0 : i32
    %dma_start3A_166 = tpu.memref_slice %arg7[%dma_start3A_163, %dma_start3A_164, %dma_start3A_165] : memref<4x2x128xi32, #tpu.memory_space<vmem>> -> memref<1x1x128xi32, #tpu.memory_space<vmem>>
    %dma_start3A_167 = tpu.memref_squeeze %dma_start3A_166 : memref<1x1x128xi32, #tpu.memory_space<vmem>> -> memref<128xi32, #tpu.memory_space<vmem>>
    %dma_start3A_168 = arith.constant 0 : i32
    %dma_start3A_169 = arith.constant 0 : i32
    %dma_start3A_170 = tpu.memref_slice %arg10[%dma_start3A_168, %dma_start3A_169] : memref<10240x64xf32, #tpu.memory_space<vmem_shared>> -> memref<10240x64xf32, #tpu.memory_space<vmem_shared>>
    tpu.enqueue_indirect_dma source(%dma_start3A_170 : memref<10240x64xf32, #tpu.memory_space<vmem_shared>>) target(%arg8 : memref<128x64xf32, #tpu.memory_space<vmem>>) offsets(%dma_start3A_167 : memref<128xi32, #tpu.memory_space<vmem>>) semaphore(%arg16 : memref<!tpu.dma_semaphore, #tpu.memory_space<semaphore_mem>>)
    %add3A_171 = arith.constant 1 : i32
    %add3A_172 = arith.addi %mul3A_5, %add3A_171 : i32
    %dma_wait3A_173 = arith.constant 1 : i32
    %dma_wait3A_174 = arith.constant 0 : i32
    %dma_wait3A_175 = arith.constant 0 : i32
    %dma_wait3A_176 = tpu.memref_slice %arg7[%dma_wait3A_173, %dma_wait3A_174, %dma_wait3A_175] : memref<4x2x128xi32, #tpu.memory_space<vmem>> -> memref<1x1x128xi32, #tpu.memory_space<vmem>>
    %dma_wait3A_177 = tpu.memref_squeeze %dma_wait3A_176 : memref<1x1x128xi32, #tpu.memory_space<vmem>> -> memref<128xi32, #tpu.memory_space<vmem>>
    %dma_wait3A_178 = arith.constant 0 : i32
    %dma_wait3A_179 = tpu.memref_slice %arg3[%add3A_172, %dma_wait3A_178] : memref<2560x128xi32, #tpu.memory_space<hbm>> -> memref<1x128xi32, #tpu.memory_space<hbm>>
    %dma_wait3A_180 = tpu.memref_squeeze %dma_wait3A_179 : memref<1x128xi32, #tpu.memory_space<hbm>> -> memref<128xi32, #tpu.memory_space<hbm>>
    %dma_wait3A_181 = arith.constant 0 : i32
    %dma_wait3A_182 = tpu.memref_slice %arg7[%dma_wait3A_173, %dma_wait3A_174, %dma_wait3A_181] : memref<4x2x128xi32, #tpu.memory_space<vmem>> -> memref<1x1x128xi32, #tpu.memory_space<vmem>>
    %dma_wait3A_183 = tpu.memref_squeeze %dma_wait3A_182 : memref<1x1x128xi32, #tpu.memory_space<vmem>> -> memref<128xi32, #tpu.memory_space<vmem>>
    %dma_wait3A_184 = arith.constant 0 : i32
    %dma_wait3A_185 = tpu.memref_slice %arg3[%add3A_172, %dma_wait3A_184] : memref<2560x128xi32, #tpu.memory_space<hbm>> -> memref<1x128xi32, #tpu.memory_space<hbm>>
    %dma_wait3A_186 = tpu.memref_squeeze %dma_wait3A_185 : memref<1x128xi32, #tpu.memory_space<hbm>> -> memref<128xi32, #tpu.memory_space<hbm>>
    tpu.wait_dma2 semaphore(%arg13 : memref<!tpu.dma_semaphore, #tpu.memory_space<semaphore_mem>>) src(%dma_wait3A_186 : memref<128xi32, #tpu.memory_space<hbm>>) dst(%dma_wait3A_183 : memref<128xi32, #tpu.memory_space<vmem>>)
    %add3A_187 = arith.constant 1 : i32
    %add3A_188 = arith.addi %mul3A_5, %add3A_187 : i32
    %dma_wait3A_189 = arith.constant 1 : i32
    %dma_wait3A_190 = arith.constant 1 : i32
    %dma_wait3A_191 = arith.constant 0 : i32
    %dma_wait3A_192 = tpu.memref_slice %arg7[%dma_wait3A_189, %dma_wait3A_190, %dma_wait3A_191] : memref<4x2x128xi32, #tpu.memory_space<vmem>> -> memref<1x1x128xi32, #tpu.memory_space<vmem>>
    %dma_wait3A_193 = tpu.memref_squeeze %dma_wait3A_192 : memref<1x1x128xi32, #tpu.memory_space<vmem>> -> memref<128xi32, #tpu.memory_space<vmem>>
    %dma_wait3A_194 = arith.constant 0 : i32
    %dma_wait3A_195 = tpu.memref_slice %arg4[%add3A_188, %dma_wait3A_194] : memref<2560x128xi32, #tpu.memory_space<hbm>> -> memref<1x128xi32, #tpu.memory_space<hbm>>
    %dma_wait3A_196 = tpu.memref_squeeze %dma_wait3A_195 : memref<1x128xi32, #tpu.memory_space<hbm>> -> memref<128xi32, #tpu.memory_space<hbm>>
    %dma_wait3A_197 = arith.constant 0 : i32
    %dma_wait3A_198 = tpu.memref_slice %arg7[%dma_wait3A_189, %dma_wait3A_190, %dma_wait3A_197] : memref<4x2x128xi32, #tpu.memory_space<vmem>> -> memref<1x1x128xi32, #tpu.memory_space<vmem>>
    %dma_wait3A_199 = tpu.memref_squeeze %dma_wait3A_198 : memref<1x1x128xi32, #tpu.memory_space<vmem>> -> memref<128xi32, #tpu.memory_space<vmem>>
    %dma_wait3A_200 = arith.constant 0 : i32
    %dma_wait3A_201 = tpu.memref_slice %arg4[%add3A_188, %dma_wait3A_200] : memref<2560x128xi32, #tpu.memory_space<hbm>> -> memref<1x128xi32, #tpu.memory_space<hbm>>
    %dma_wait3A_202 = tpu.memref_squeeze %dma_wait3A_201 : memref<1x128xi32, #tpu.memory_space<hbm>> -> memref<128xi32, #tpu.memory_space<hbm>>
    tpu.wait_dma2 semaphore(%arg13 : memref<!tpu.dma_semaphore, #tpu.memory_space<semaphore_mem>>) src(%dma_wait3A_202 : memref<128xi32, #tpu.memory_space<hbm>>) dst(%dma_wait3A_199 : memref<128xi32, #tpu.memory_space<vmem>>)
    %dma_start3A_203 = arith.constant 1 : i32
    %dma_start3A_204 = arith.constant 0 : i32
    %dma_start3A_205 = arith.constant 0 : i32
    %dma_start3A_206 = tpu.memref_slice %arg7[%dma_start3A_203, %dma_start3A_204, %dma_start3A_205] : memref<4x2x128xi32, #tpu.memory_space<vmem>> -> memref<1x1x128xi32, #tpu.memory_space<vmem>>
    %dma_start3A_207 = tpu.memref_squeeze %dma_start3A_206 : memref<1x1x128xi32, #tpu.memory_space<vmem>> -> memref<128xi32, #tpu.memory_space<vmem>>
    %dma_start3A_208 = arith.constant 0 : i32
    %dma_start3A_209 = arith.constant 0 : i32
    %dma_start3A_210 = tpu.memref_slice %arg10[%dma_start3A_208, %dma_start3A_209] : memref<10240x64xf32, #tpu.memory_space<vmem_shared>> -> memref<10240x64xf32, #tpu.memory_space<vmem_shared>>
    tpu.enqueue_indirect_dma source(%dma_start3A_210 : memref<10240x64xf32, #tpu.memory_space<vmem_shared>>) target(%arg9 : memref<128x64xf32, #tpu.memory_space<vmem>>) offsets(%dma_start3A_207 : memref<128xi32, #tpu.memory_space<vmem>>) semaphore(%arg17 : memref<!tpu.dma_semaphore, #tpu.memory_space<semaphore_mem>>)
    %scan3A = arith.constant 0 : i32
    %scan3A_211 = arith.constant 0 : i32
    %scan3A_212 = arith.constant 40 : i32
    %scan3A_213 = arith.addi %scan3A_211, %scan3A_212 : i32
    %scan3A_214 = arith.constant 1 : i32
    scf.for %scan3A_217 = %scan3A_211 to %scan3A_213 step %scan3A_214  : i32 {
      %mul3A_218 = arith.constant 4 : i32
      %mul3A_219 = arith.muli %scan3A_217, %mul3A_218 : i32
      %dma_wait3A_220 = arith.constant 0 : i32
      %dma_wait3A_221 = arith.constant 0 : i32
      %dma_wait3A_222 = arith.constant 0 : i32
      %dma_wait3A_223 = tpu.memref_slice %arg7[%dma_wait3A_220, %dma_wait3A_221, %dma_wait3A_222] : memref<4x2x128xi32, #tpu.memory_space<vmem>> -> memref<1x1x128xi32, #tpu.memory_space<vmem>>
      %dma_wait3A_224 = tpu.memref_squeeze %dma_wait3A_223 : memref<1x1x128xi32, #tpu.memory_space<vmem>> -> memref<128xi32, #tpu.memory_space<vmem>>
      %dma_wait3A_225 = arith.constant 0 : i32
      %dma_wait3A_226 = arith.constant 0 : i32
      %dma_wait3A_227 = tpu.memref_slice %arg10[%dma_wait3A_225, %dma_wait3A_226] : memref<10240x64xf32, #tpu.memory_space<vmem_shared>> -> memref<10240x64xf32, #tpu.memory_space<vmem_shared>>
      tpu.wait_indirect_dma semaphore(%arg16 : memref<!tpu.dma_semaphore, #tpu.memory_space<semaphore_mem>>) src(%dma_wait3A_227 : memref<10240x64xf32, #tpu.memory_space<vmem_shared>>) dst(%arg8 : memref<128x64xf32, #tpu.memory_space<vmem>>)
      %dma_start3A_228 = arith.constant 0 : i32
      %dma_start3A_229 = arith.constant 1 : i32
      %dma_start3A_230 = arith.constant 0 : i32
      %dma_start3A_231 = tpu.memref_slice %arg7[%dma_start3A_228, %dma_start3A_229, %dma_start3A_230] : memref<4x2x128xi32, #tpu.memory_space<vmem>> -> memref<1x1x128xi32, #tpu.memory_space<vmem>>
      %dma_start3A_232 = tpu.memref_squeeze %dma_start3A_231 : memref<1x1x128xi32, #tpu.memory_space<vmem>> -> memref<128xi32, #tpu.memory_space<vmem>>
      %dma_start3A_233 = arith.constant 0 : i32
      %dma_start3A_234 = arith.constant 0 : i32
      %dma_start3A_235 = tpu.memref_slice %arg11[%dma_start3A_233, %dma_start3A_234] : memref<10240x64xf32, #tpu.memory_space<vmem_shared>> -> memref<10240x64xf32, #tpu.memory_space<vmem_shared>>
      tpu.enqueue_indirect_dma source(%arg8 : memref<128x64xf32, #tpu.memory_space<vmem>>) target(%dma_start3A_235 : memref<10240x64xf32, #tpu.memory_space<vmem_shared>>) offsets(%dma_start3A_232 : memref<128xi32, #tpu.memory_space<vmem>>) semaphore(%arg18 : memref<!tpu.dma_semaphore, #tpu.memory_space<semaphore_mem>>) {add = true}
      %dma_wait3A_236 = arith.constant 1 : i32
      %dma_wait3A_237 = arith.constant 0 : i32
      %dma_wait3A_238 = arith.constant 0 : i32
      %dma_wait3A_239 = tpu.memref_slice %arg7[%dma_wait3A_236, %dma_wait3A_237, %dma_wait3A_238] : memref<4x2x128xi32, #tpu.memory_space<vmem>> -> memref<1x1x128xi32, #tpu.memory_space<vmem>>
      %dma_wait3A_240 = tpu.memref_squeeze %dma_wait3A_239 : memref<1x1x128xi32, #tpu.memory_space<vmem>> -> memref<128xi32, #tpu.memory_space<vmem>>
      %dma_wait3A_241 = arith.constant 0 : i32
      %dma_wait3A_242 = arith.constant 0 : i32
      %dma_wait3A_243 = tpu.memref_slice %arg10[%dma_wait3A_241, %dma_wait3A_242] : memref<10240x64xf32, #tpu.memory_space<vmem_shared>> -> memref<10240x64xf32, #tpu.memory_space<vmem_shared>>
      tpu.wait_indirect_dma semaphore(%arg17 : memref<!tpu.dma_semaphore, #tpu.memory_space<semaphore_mem>>) src(%dma_wait3A_243 : memref<10240x64xf32, #tpu.memory_space<vmem_shared>>) dst(%arg9 : memref<128x64xf32, #tpu.memory_space<vmem>>)
      %dma_start3A_244 = arith.constant 1 : i32
      %dma_start3A_245 = arith.constant 1 : i32
      %dma_start3A_246 = arith.constant 0 : i32
      %dma_start3A_247 = tpu.memref_slice %arg7[%dma_start3A_244, %dma_start3A_245, %dma_start3A_246] : memref<4x2x128xi32, #tpu.memory_space<vmem>> -> memref<1x1x128xi32, #tpu.memory_space<vmem>>
      %dma_start3A_248 = tpu.memref_squeeze %dma_start3A_247 : memref<1x1x128xi32, #tpu.memory_space<vmem>> -> memref<128xi32, #tpu.memory_space<vmem>>
      %dma_start3A_249 = arith.constant 0 : i32
      %dma_start3A_250 = arith.constant 0 : i32
      %dma_start3A_251 = tpu.memref_slice %arg11[%dma_start3A_249, %dma_start3A_250] : memref<10240x64xf32, #tpu.memory_space<vmem_shared>> -> memref<10240x64xf32, #tpu.memory_space<vmem_shared>>
      tpu.enqueue_indirect_dma source(%arg9 : memref<128x64xf32, #tpu.memory_space<vmem>>) target(%dma_start3A_251 : memref<10240x64xf32, #tpu.memory_space<vmem_shared>>) offsets(%dma_start3A_248 : memref<128xi32, #tpu.memory_space<vmem>>) semaphore(%arg19 : memref<!tpu.dma_semaphore, #tpu.memory_space<semaphore_mem>>) {add = true}
      %add3A_252 = arith.constant 0 : i32
      %add3A_253 = arith.addi %mul3A_219, %add3A_252 : i32
      %dma_wait3A_254 = arith.constant 0 : i32
      %dma_wait3A_255 = arith.constant 1 : i32
      %dma_wait3A_256 = arith.constant 0 : i32
      %dma_wait3A_257 = tpu.memref_slice %arg7[%dma_wait3A_254, %dma_wait3A_255, %dma_wait3A_256] : memref<4x2x128xi32, #tpu.memory_space<vmem>> -> memref<1x1x128xi32, #tpu.memory_space<vmem>>
      %dma_wait3A_258 = tpu.memref_squeeze %dma_wait3A_257 : memref<1x1x128xi32, #tpu.memory_space<vmem>> -> memref<128xi32, #tpu.memory_space<vmem>>
      %dma_wait3A_259 = arith.constant 0 : i32
      %dma_wait3A_260 = arith.constant 0 : i32
      %dma_wait3A_261 = tpu.memref_slice %arg11[%dma_wait3A_259, %dma_wait3A_260] : memref<10240x64xf32, #tpu.memory_space<vmem_shared>> -> memref<10240x64xf32, #tpu.memory_space<vmem_shared>>
      tpu.wait_indirect_dma semaphore(%arg18 : memref<!tpu.dma_semaphore, #tpu.memory_space<semaphore_mem>>) src(%arg8 : memref<128x64xf32, #tpu.memory_space<vmem>>) dst(%dma_wait3A_261 : memref<10240x64xf32, #tpu.memory_space<vmem_shared>>)
      %add3A_262 = arith.constant 4 : i32
      %add3A_263 = arith.addi %add3A_253, %add3A_262 : i32
      %lt3A = arith.constant 160 : i32
      %lt3A_264 = arith.cmpi slt, %add3A_263, %lt3A : i32
      %convert_element_type3A = arith.extui %lt3A_264 : i1 to i32
      %cond3A = arith.constant 0 : i32
      %cond3A_265 = arith.cmpi ne, %convert_element_type3A, %cond3A : i32
      scf.if %cond3A_265 {
        %add3A_377 = arith.constant 4 : i32
        %add3A_378 = arith.addi %add3A_253, %add3A_377 : i32
        %add3A_379 = arith.addi %mul3A_5, %add3A_378 : i32
        %dma_start3A_380 = arith.constant 0 : i32
        %dma_start3A_381 = arith.constant 0 : i32
        %dma_start3A_382 = arith.constant 0 : i32
        %dma_start3A_383 = tpu.memref_slice %arg7[%dma_start3A_380, %dma_start3A_381, %dma_start3A_382] : memref<4x2x128xi32, #tpu.memory_space<vmem>> -> memref<1x1x128xi32, #tpu.memory_space<vmem>>
        %dma_start3A_384 = tpu.memref_squeeze %dma_start3A_383 : memref<1x1x128xi32, #tpu.memory_space<vmem>> -> memref<128xi32, #tpu.memory_space<vmem>>
        %dma_start3A_385 = arith.constant 0 : i32
        %dma_start3A_386 = tpu.memref_slice %arg3[%add3A_379, %dma_start3A_385] : memref<2560x128xi32, #tpu.memory_space<hbm>> -> memref<1x128xi32, #tpu.memory_space<hbm>>
        %dma_start3A_387 = tpu.memref_squeeze %dma_start3A_386 : memref<1x128xi32, #tpu.memory_space<hbm>> -> memref<128xi32, #tpu.memory_space<hbm>>
        %dma_start3A_388 = arith.constant 0 : i32
        %dma_start3A_389 = tpu.memref_slice %arg7[%dma_start3A_380, %dma_start3A_381, %dma_start3A_388] : memref<4x2x128xi32, #tpu.memory_space<vmem>> -> memref<1x1x128xi32, #tpu.memory_space<vmem>>
        %dma_start3A_390 = tpu.memref_squeeze %dma_start3A_389 : memref<1x1x128xi32, #tpu.memory_space<vmem>> -> memref<128xi32, #tpu.memory_space<vmem>>
        %dma_start3A_391 = arith.constant 0 : i32
        %dma_start3A_392 = tpu.memref_slice %arg3[%add3A_379, %dma_start3A_391] : memref<2560x128xi32, #tpu.memory_space<hbm>> -> memref<1x128xi32, #tpu.memory_space<hbm>>
        %dma_start3A_393 = tpu.memref_squeeze %dma_start3A_392 : memref<1x128xi32, #tpu.memory_space<hbm>> -> memref<128xi32, #tpu.memory_space<hbm>>
        tpu.enqueue_dma source(%dma_start3A_393 : memref<128xi32, #tpu.memory_space<hbm>>) target(%dma_start3A_390 : memref<128xi32, #tpu.memory_space<vmem>>) target_semaphore(%arg12 : memref<!tpu.dma_semaphore, #tpu.memory_space<semaphore_mem>>)
        %add3A_394 = arith.addi %mul3A_5, %add3A_378 : i32
        %dma_start3A_395 = arith.constant 0 : i32
        %dma_start3A_396 = arith.constant 1 : i32
        %dma_start3A_397 = arith.constant 0 : i32
        %dma_start3A_398 = tpu.memref_slice %arg7[%dma_start3A_395, %dma_start3A_396, %dma_start3A_397] : memref<4x2x128xi32, #tpu.memory_space<vmem>> -> memref<1x1x128xi32, #tpu.memory_space<vmem>>
        %dma_start3A_399 = tpu.memref_squeeze %dma_start3A_398 : memref<1x1x128xi32, #tpu.memory_space<vmem>> -> memref<128xi32, #tpu.memory_space<vmem>>
        %dma_start3A_400 = arith.constant 0 : i32
        %dma_start3A_401 = tpu.memref_slice %arg4[%add3A_394, %dma_start3A_400] : memref<2560x128xi32, #tpu.memory_space<hbm>> -> memref<1x128xi32, #tpu.memory_space<hbm>>
        %dma_start3A_402 = tpu.memref_squeeze %dma_start3A_401 : memref<1x128xi32, #tpu.memory_space<hbm>> -> memref<128xi32, #tpu.memory_space<hbm>>
        %dma_start3A_403 = arith.constant 0 : i32
        %dma_start3A_404 = tpu.memref_slice %arg7[%dma_start3A_395, %dma_start3A_396, %dma_start3A_403] : memref<4x2x128xi32, #tpu.memory_space<vmem>> -> memref<1x1x128xi32, #tpu.memory_space<vmem>>
        %dma_start3A_405 = tpu.memref_squeeze %dma_start3A_404 : memref<1x1x128xi32, #tpu.memory_space<vmem>> -> memref<128xi32, #tpu.memory_space<vmem>>
        %dma_start3A_406 = arith.constant 0 : i32
        %dma_start3A_407 = tpu.memref_slice %arg4[%add3A_394, %dma_start3A_406] : memref<2560x128xi32, #tpu.memory_space<hbm>> -> memref<1x128xi32, #tpu.memory_space<hbm>>
        %dma_start3A_408 = tpu.memref_squeeze %dma_start3A_407 : memref<1x128xi32, #tpu.memory_space<hbm>> -> memref<128xi32, #tpu.memory_space<hbm>>
        tpu.enqueue_dma source(%dma_start3A_408 : memref<128xi32, #tpu.memory_space<hbm>>) target(%dma_start3A_405 : memref<128xi32, #tpu.memory_space<vmem>>) target_semaphore(%arg12 : memref<!tpu.dma_semaphore, #tpu.memory_space<semaphore_mem>>)
      } else {
      }
      %add3A_266 = arith.constant 2 : i32
      %add3A_267 = arith.addi %add3A_253, %add3A_266 : i32
      %lt3A_268 = arith.constant 160 : i32
      %lt3A_269 = arith.cmpi slt, %add3A_267, %lt3A_268 : i32
      %convert_element_type3A_270 = arith.extui %lt3A_269 : i1 to i32
      %cond3A_271 = arith.constant 0 : i32
      %cond3A_272 = arith.cmpi ne, %convert_element_type3A_270, %cond3A_271 : i32
      scf.if %cond3A_272 {
        %add3A_377 = arith.constant 2 : i32
        %add3A_378 = arith.addi %add3A_253, %add3A_377 : i32
        %add3A_379 = arith.addi %mul3A_5, %add3A_378 : i32
        %dma_wait3A_380 = arith.constant 2 : i32
        %dma_wait3A_381 = arith.constant 0 : i32
        %dma_wait3A_382 = arith.constant 0 : i32
        %dma_wait3A_383 = tpu.memref_slice %arg7[%dma_wait3A_380, %dma_wait3A_381, %dma_wait3A_382] : memref<4x2x128xi32, #tpu.memory_space<vmem>> -> memref<1x1x128xi32, #tpu.memory_space<vmem>>
        %dma_wait3A_384 = tpu.memref_squeeze %dma_wait3A_383 : memref<1x1x128xi32, #tpu.memory_space<vmem>> -> memref<128xi32, #tpu.memory_space<vmem>>
        %dma_wait3A_385 = arith.constant 0 : i32
        %dma_wait3A_386 = tpu.memref_slice %arg3[%add3A_379, %dma_wait3A_385] : memref<2560x128xi32, #tpu.memory_space<hbm>> -> memref<1x128xi32, #tpu.memory_space<hbm>>
        %dma_wait3A_387 = tpu.memref_squeeze %dma_wait3A_386 : memref<1x128xi32, #tpu.memory_space<hbm>> -> memref<128xi32, #tpu.memory_space<hbm>>
        %dma_wait3A_388 = arith.constant 0 : i32
        %dma_wait3A_389 = tpu.memref_slice %arg7[%dma_wait3A_380, %dma_wait3A_381, %dma_wait3A_388] : memref<4x2x128xi32, #tpu.memory_space<vmem>> -> memref<1x1x128xi32, #tpu.memory_space<vmem>>
        %dma_wait3A_390 = tpu.memref_squeeze %dma_wait3A_389 : memref<1x1x128xi32, #tpu.memory_space<vmem>> -> memref<128xi32, #tpu.memory_space<vmem>>
        %dma_wait3A_391 = arith.constant 0 : i32
        %dma_wait3A_392 = tpu.memref_slice %arg3[%add3A_379, %dma_wait3A_391] : memref<2560x128xi32, #tpu.memory_space<hbm>> -> memref<1x128xi32, #tpu.memory_space<hbm>>
        %dma_wait3A_393 = tpu.memref_squeeze %dma_wait3A_392 : memref<1x128xi32, #tpu.memory_space<hbm>> -> memref<128xi32, #tpu.memory_space<hbm>>
        tpu.wait_dma2 semaphore(%arg14 : memref<!tpu.dma_semaphore, #tpu.memory_space<semaphore_mem>>) src(%dma_wait3A_393 : memref<128xi32, #tpu.memory_space<hbm>>) dst(%dma_wait3A_390 : memref<128xi32, #tpu.memory_space<vmem>>)
        %add3A_394 = arith.addi %mul3A_5, %add3A_378 : i32
        %dma_wait3A_395 = arith.constant 2 : i32
        %dma_wait3A_396 = arith.constant 1 : i32
        %dma_wait3A_397 = arith.constant 0 : i32
        %dma_wait3A_398 = tpu.memref_slice %arg7[%dma_wait3A_395, %dma_wait3A_396, %dma_wait3A_397] : memref<4x2x128xi32, #tpu.memory_space<vmem>> -> memref<1x1x128xi32, #tpu.memory_space<vmem>>
        %dma_wait3A_399 = tpu.memref_squeeze %dma_wait3A_398 : memref<1x1x128xi32, #tpu.memory_space<vmem>> -> memref<128xi32, #tpu.memory_space<vmem>>
        %dma_wait3A_400 = arith.constant 0 : i32
        %dma_wait3A_401 = tpu.memref_slice %arg4[%add3A_394, %dma_wait3A_400] : memref<2560x128xi32, #tpu.memory_space<hbm>> -> memref<1x128xi32, #tpu.memory_space<hbm>>
        %dma_wait3A_402 = tpu.memref_squeeze %dma_wait3A_401 : memref<1x128xi32, #tpu.memory_space<hbm>> -> memref<128xi32, #tpu.memory_space<hbm>>
        %dma_wait3A_403 = arith.constant 0 : i32
        %dma_wait3A_404 = tpu.memref_slice %arg7[%dma_wait3A_395, %dma_wait3A_396, %dma_wait3A_403] : memref<4x2x128xi32, #tpu.memory_space<vmem>> -> memref<1x1x128xi32, #tpu.memory_space<vmem>>
        %dma_wait3A_405 = tpu.memref_squeeze %dma_wait3A_404 : memref<1x1x128xi32, #tpu.memory_space<vmem>> -> memref<128xi32, #tpu.memory_space<vmem>>
        %dma_wait3A_406 = arith.constant 0 : i32
        %dma_wait3A_407 = tpu.memref_slice %arg4[%add3A_394, %dma_wait3A_406] : memref<2560x128xi32, #tpu.memory_space<hbm>> -> memref<1x128xi32, #tpu.memory_space<hbm>>
        %dma_wait3A_408 = tpu.memref_squeeze %dma_wait3A_407 : memref<1x128xi32, #tpu.memory_space<hbm>> -> memref<128xi32, #tpu.memory_space<hbm>>
        tpu.wait_dma2 semaphore(%arg14 : memref<!tpu.dma_semaphore, #tpu.memory_space<semaphore_mem>>) src(%dma_wait3A_408 : memref<128xi32, #tpu.memory_space<hbm>>) dst(%dma_wait3A_405 : memref<128xi32, #tpu.memory_space<vmem>>)
        %dma_start3A_409 = arith.constant 2 : i32
        %dma_start3A_410 = arith.constant 0 : i32
        %dma_start3A_411 = arith.constant 0 : i32
        %dma_start3A_412 = tpu.memref_slice %arg7[%dma_start3A_409, %dma_start3A_410, %dma_start3A_411] : memref<4x2x128xi32, #tpu.memory_space<vmem>> -> memref<1x1x128xi32, #tpu.memory_space<vmem>>
        %dma_start3A_413 = tpu.memref_squeeze %dma_start3A_412 : memref<1x1x128xi32, #tpu.memory_space<vmem>> -> memref<128xi32, #tpu.memory_space<vmem>>
        %dma_start3A_414 = arith.constant 0 : i32
        %dma_start3A_415 = arith.constant 0 : i32
        %dma_start3A_416 = tpu.memref_slice %arg10[%dma_start3A_414, %dma_start3A_415] : memref<10240x64xf32, #tpu.memory_space<vmem_shared>> -> memref<10240x64xf32, #tpu.memory_space<vmem_shared>>
        tpu.enqueue_indirect_dma source(%dma_start3A_416 : memref<10240x64xf32, #tpu.memory_space<vmem_shared>>) target(%arg8 : memref<128x64xf32, #tpu.memory_space<vmem>>) offsets(%dma_start3A_413 : memref<128xi32, #tpu.memory_space<vmem>>) semaphore(%arg16 : memref<!tpu.dma_semaphore, #tpu.memory_space<semaphore_mem>>)
      } else {
      }
      %add3A_273 = arith.constant 1 : i32
      %add3A_274 = arith.addi %mul3A_219, %add3A_273 : i32
      %dma_wait3A_275 = arith.constant 1 : i32
      %dma_wait3A_276 = arith.constant 1 : i32
      %dma_wait3A_277 = arith.constant 0 : i32
      %dma_wait3A_278 = tpu.memref_slice %arg7[%dma_wait3A_275, %dma_wait3A_276, %dma_wait3A_277] : memref<4x2x128xi32, #tpu.memory_space<vmem>> -> memref<1x1x128xi32, #tpu.memory_space<vmem>>
      %dma_wait3A_279 = tpu.memref_squeeze %dma_wait3A_278 : memref<1x1x128xi32, #tpu.memory_space<vmem>> -> memref<128xi32, #tpu.memory_space<vmem>>
      %dma_wait3A_280 = arith.constant 0 : i32
      %dma_wait3A_281 = arith.constant 0 : i32
      %dma_wait3A_282 = tpu.memref_slice %arg11[%dma_wait3A_280, %dma_wait3A_281] : memref<10240x64xf32, #tpu.memory_space<vmem_shared>> -> memref<10240x64xf32, #tpu.memory_space<vmem_shared>>
      tpu.wait_indirect_dma semaphore(%arg19 : memref<!tpu.dma_semaphore, #tpu.memory_space<semaphore_mem>>) src(%arg9 : memref<128x64xf32, #tpu.memory_space<vmem>>) dst(%dma_wait3A_282 : memref<10240x64xf32, #tpu.memory_space<vmem_shared>>)
      %add3A_283 = arith.constant 4 : i32
      %add3A_284 = arith.addi %add3A_274, %add3A_283 : i32
      %lt3A_285 = arith.constant 160 : i32
      %lt3A_286 = arith.cmpi slt, %add3A_284, %lt3A_285 : i32
      %convert_element_type3A_287 = arith.extui %lt3A_286 : i1 to i32
      %cond3A_288 = arith.constant 0 : i32
      %cond3A_289 = arith.cmpi ne, %convert_element_type3A_287, %cond3A_288 : i32
      scf.if %cond3A_289 {
        %add3A_377 = arith.constant 4 : i32
        %add3A_378 = arith.addi %add3A_274, %add3A_377 : i32
        %add3A_379 = arith.addi %mul3A_5, %add3A_378 : i32
        %dma_start3A_380 = arith.constant 1 : i32
        %dma_start3A_381 = arith.constant 0 : i32
        %dma_start3A_382 = arith.constant 0 : i32
        %dma_start3A_383 = tpu.memref_slice %arg7[%dma_start3A_380, %dma_start3A_381, %dma_start3A_382] : memref<4x2x128xi32, #tpu.memory_space<vmem>> -> memref<1x1x128xi32, #tpu.memory_space<vmem>>
        %dma_start3A_384 = tpu.memref_squeeze %dma_start3A_383 : memref<1x1x128xi32, #tpu.memory_space<vmem>> -> memref<128xi32, #tpu.memory_space<vmem>>
        %dma_start3A_385 = arith.constant 0 : i32
        %dma_start3A_386 = tpu.memref_slice %arg3[%add3A_379, %dma_start3A_385] : memref<2560x128xi32, #tpu.memory_space<hbm>> -> memref<1x128xi32, #tpu.memory_space<hbm>>
        %dma_start3A_387 = tpu.memref_squeeze %dma_start3A_386 : memref<1x128xi32, #tpu.memory_space<hbm>> -> memref<128xi32, #tpu.memory_space<hbm>>
        %dma_start3A_388 = arith.constant 0 : i32
        %dma_start3A_389 = tpu.memref_slice %arg7[%dma_start3A_380, %dma_start3A_381, %dma_start3A_388] : memref<4x2x128xi32, #tpu.memory_space<vmem>> -> memref<1x1x128xi32, #tpu.memory_space<vmem>>
        %dma_start3A_390 = tpu.memref_squeeze %dma_start3A_389 : memref<1x1x128xi32, #tpu.memory_space<vmem>> -> memref<128xi32, #tpu.memory_space<vmem>>
        %dma_start3A_391 = arith.constant 0 : i32
        %dma_start3A_392 = tpu.memref_slice %arg3[%add3A_379, %dma_start3A_391] : memref<2560x128xi32, #tpu.memory_space<hbm>> -> memref<1x128xi32, #tpu.memory_space<hbm>>
        %dma_start3A_393 = tpu.memref_squeeze %dma_start3A_392 : memref<1x128xi32, #tpu.memory_space<hbm>> -> memref<128xi32, #tpu.memory_space<hbm>>
        tpu.enqueue_dma source(%dma_start3A_393 : memref<128xi32, #tpu.memory_space<hbm>>) target(%dma_start3A_390 : memref<128xi32, #tpu.memory_space<vmem>>) target_semaphore(%arg13 : memref<!tpu.dma_semaphore, #tpu.memory_space<semaphore_mem>>)
        %add3A_394 = arith.addi %mul3A_5, %add3A_378 : i32
        %dma_start3A_395 = arith.constant 1 : i32
        %dma_start3A_396 = arith.constant 1 : i32
        %dma_start3A_397 = arith.constant 0 : i32
        %dma_start3A_398 = tpu.memref_slice %arg7[%dma_start3A_395, %dma_start3A_396, %dma_start3A_397] : memref<4x2x128xi32, #tpu.memory_space<vmem>> -> memref<1x1x128xi32, #tpu.memory_space<vmem>>
        %dma_start3A_399 = tpu.memref_squeeze %dma_start3A_398 : memref<1x1x128xi32, #tpu.memory_space<vmem>> -> memref<128xi32, #tpu.memory_space<vmem>>
        %dma_start3A_400 = arith.constant 0 : i32
        %dma_start3A_401 = tpu.memref_slice %arg4[%add3A_394, %dma_start3A_400] : memref<2560x128xi32, #tpu.memory_space<hbm>> -> memref<1x128xi32, #tpu.memory_space<hbm>>
        %dma_start3A_402 = tpu.memref_squeeze %dma_start3A_401 : memref<1x128xi32, #tpu.memory_space<hbm>> -> memref<128xi32, #tpu.memory_space<hbm>>
        %dma_start3A_403 = arith.constant 0 : i32
        %dma_start3A_404 = tpu.memref_slice %arg7[%dma_start3A_395, %dma_start3A_396, %dma_start3A_403] : memref<4x2x128xi32, #tpu.memory_space<vmem>> -> memref<1x1x128xi32, #tpu.memory_space<vmem>>
        %dma_start3A_405 = tpu.memref_squeeze %dma_start3A_404 : memref<1x1x128xi32, #tpu.memory_space<vmem>> -> memref<128xi32, #tpu.memory_space<vmem>>
        %dma_start3A_406 = arith.constant 0 : i32
        %dma_start3A_407 = tpu.memref_slice %arg4[%add3A_394, %dma_start3A_406] : memref<2560x128xi32, #tpu.memory_space<hbm>> -> memref<1x128xi32, #tpu.memory_space<hbm>>
        %dma_start3A_408 = tpu.memref_squeeze %dma_start3A_407 : memref<1x128xi32, #tpu.memory_space<hbm>> -> memref<128xi32, #tpu.memory_space<hbm>>
        tpu.enqueue_dma source(%dma_start3A_408 : memref<128xi32, #tpu.memory_space<hbm>>) target(%dma_start3A_405 : memref<128xi32, #tpu.memory_space<vmem>>) target_semaphore(%arg13 : memref<!tpu.dma_semaphore, #tpu.memory_space<semaphore_mem>>)
      } else {
      }
      %add3A_290 = arith.constant 2 : i32
      %add3A_291 = arith.addi %add3A_274, %add3A_290 : i32
      %lt3A_292 = arith.constant 160 : i32
      %lt3A_293 = arith.cmpi slt, %add3A_291, %lt3A_292 : i32
      %convert_element_type3A_294 = arith.extui %lt3A_293 : i1 to i32
      %cond3A_295 = arith.constant 0 : i32
      %cond3A_296 = arith.cmpi ne, %convert_element_type3A_294, %cond3A_295 : i32
      scf.if %cond3A_296 {
        %add3A_377 = arith.constant 2 : i32
        %add3A_378 = arith.addi %add3A_274, %add3A_377 : i32
        %add3A_379 = arith.addi %mul3A_5, %add3A_378 : i32
        %dma_wait3A_380 = arith.constant 3 : i32
        %dma_wait3A_381 = arith.constant 0 : i32
        %dma_wait3A_382 = arith.constant 0 : i32
        %dma_wait3A_383 = tpu.memref_slice %arg7[%dma_wait3A_380, %dma_wait3A_381, %dma_wait3A_382] : memref<4x2x128xi32, #tpu.memory_space<vmem>> -> memref<1x1x128xi32, #tpu.memory_space<vmem>>
        %dma_wait3A_384 = tpu.memref_squeeze %dma_wait3A_383 : memref<1x1x128xi32, #tpu.memory_space<vmem>> -> memref<128xi32, #tpu.memory_space<vmem>>
        %dma_wait3A_385 = arith.constant 0 : i32
        %dma_wait3A_386 = tpu.memref_slice %arg3[%add3A_379, %dma_wait3A_385] : memref<2560x128xi32, #tpu.memory_space<hbm>> -> memref<1x128xi32, #tpu.memory_space<hbm>>
        %dma_wait3A_387 = tpu.memref_squeeze %dma_wait3A_386 : memref<1x128xi32, #tpu.memory_space<hbm>> -> memref<128xi32, #tpu.memory_space<hbm>>
        %dma_wait3A_388 = arith.constant 0 : i32
        %dma_wait3A_389 = tpu.memref_slice %arg7[%dma_wait3A_380, %dma_wait3A_381, %dma_wait3A_388] : memref<4x2x128xi32, #tpu.memory_space<vmem>> -> memref<1x1x128xi32, #tpu.memory_space<vmem>>
        %dma_wait3A_390 = tpu.memref_squeeze %dma_wait3A_389 : memref<1x1x128xi32, #tpu.memory_space<vmem>> -> memref<128xi32, #tpu.memory_space<vmem>>
        %dma_wait3A_391 = arith.constant 0 : i32
        %dma_wait3A_392 = tpu.memref_slice %arg3[%add3A_379, %dma_wait3A_391] : memref<2560x128xi32, #tpu.memory_space<hbm>> -> memref<1x128xi32, #tpu.memory_space<hbm>>
        %dma_wait3A_393 = tpu.memref_squeeze %dma_wait3A_392 : memref<1x128xi32, #tpu.memory_space<hbm>> -> memref<128xi32, #tpu.memory_space<hbm>>
        tpu.wait_dma2 semaphore(%arg15 : memref<!tpu.dma_semaphore, #tpu.memory_space<semaphore_mem>>) src(%dma_wait3A_393 : memref<128xi32, #tpu.memory_space<hbm>>) dst(%dma_wait3A_390 : memref<128xi32, #tpu.memory_space<vmem>>)
        %add3A_394 = arith.addi %mul3A_5, %add3A_378 : i32
        %dma_wait3A_395 = arith.constant 3 : i32
        %dma_wait3A_396 = arith.constant 1 : i32
        %dma_wait3A_397 = arith.constant 0 : i32
        %dma_wait3A_398 = tpu.memref_slice %arg7[%dma_wait3A_395, %dma_wait3A_396, %dma_wait3A_397] : memref<4x2x128xi32, #tpu.memory_space<vmem>> -> memref<1x1x128xi32, #tpu.memory_space<vmem>>
        %dma_wait3A_399 = tpu.memref_squeeze %dma_wait3A_398 : memref<1x1x128xi32, #tpu.memory_space<vmem>> -> memref<128xi32, #tpu.memory_space<vmem>>
        %dma_wait3A_400 = arith.constant 0 : i32
        %dma_wait3A_401 = tpu.memref_slice %arg4[%add3A_394, %dma_wait3A_400] : memref<2560x128xi32, #tpu.memory_space<hbm>> -> memref<1x128xi32, #tpu.memory_space<hbm>>
        %dma_wait3A_402 = tpu.memref_squeeze %dma_wait3A_401 : memref<1x128xi32, #tpu.memory_space<hbm>> -> memref<128xi32, #tpu.memory_space<hbm>>
        %dma_wait3A_403 = arith.constant 0 : i32
        %dma_wait3A_404 = tpu.memref_slice %arg7[%dma_wait3A_395, %dma_wait3A_396, %dma_wait3A_403] : memref<4x2x128xi32, #tpu.memory_space<vmem>> -> memref<1x1x128xi32, #tpu.memory_space<vmem>>
        %dma_wait3A_405 = tpu.memref_squeeze %dma_wait3A_404 : memref<1x1x128xi32, #tpu.memory_space<vmem>> -> memref<128xi32, #tpu.memory_space<vmem>>
        %dma_wait3A_406 = arith.constant 0 : i32
        %dma_wait3A_407 = tpu.memref_slice %arg4[%add3A_394, %dma_wait3A_406] : memref<2560x128xi32, #tpu.memory_space<hbm>> -> memref<1x128xi32, #tpu.memory_space<hbm>>
        %dma_wait3A_408 = tpu.memref_squeeze %dma_wait3A_407 : memref<1x128xi32, #tpu.memory_space<hbm>> -> memref<128xi32, #tpu.memory_space<hbm>>
        tpu.wait_dma2 semaphore(%arg15 : memref<!tpu.dma_semaphore, #tpu.memory_space<semaphore_mem>>) src(%dma_wait3A_408 : memref<128xi32, #tpu.memory_space<hbm>>) dst(%dma_wait3A_405 : memref<128xi32, #tpu.memory_space<vmem>>)
        %dma_start3A_409 = arith.constant 3 : i32
        %dma_start3A_410 = arith.constant 0 : i32
        %dma_start3A_411 = arith.constant 0 : i32
        %dma_start3A_412 = tpu.memref_slice %arg7[%dma_start3A_409, %dma_start3A_410, %dma_start3A_411] : memref<4x2x128xi32, #tpu.memory_space<vmem>> -> memref<1x1x128xi32, #tpu.memory_space<vmem>>
        %dma_start3A_413 = tpu.memref_squeeze %dma_start3A_412 : memref<1x1x128xi32, #tpu.memory_space<vmem>> -> memref<128xi32, #tpu.memory_space<vmem>>
        %dma_start3A_414 = arith.constant 0 : i32
        %dma_start3A_415 = arith.constant 0 : i32
        %dma_start3A_416 = tpu.memref_slice %arg10[%dma_start3A_414, %dma_start3A_415] : memref<10240x64xf32, #tpu.memory_space<vmem_shared>> -> memref<10240x64xf32, #tpu.memory_space<vmem_shared>>
        tpu.enqueue_indirect_dma source(%dma_start3A_416 : memref<10240x64xf32, #tpu.memory_space<vmem_shared>>) target(%arg9 : memref<128x64xf32, #tpu.memory_space<vmem>>) offsets(%dma_start3A_413 : memref<128xi32, #tpu.memory_space<vmem>>) semaphore(%arg17 : memref<!tpu.dma_semaphore, #tpu.memory_space<semaphore_mem>>)
      } else {
      }
      %dma_wait3A_297 = arith.constant 2 : i32
      %dma_wait3A_298 = arith.constant 0 : i32
      %dma_wait3A_299 = arith.constant 0 : i32
      %dma_wait3A_300 = tpu.memref_slice %arg7[%dma_wait3A_297, %dma_wait3A_298, %dma_wait3A_299] : memref<4x2x128xi32, #tpu.memory_space<vmem>> -> memref<1x1x128xi32, #tpu.memory_space<vmem>>
      %dma_wait3A_301 = tpu.memref_squeeze %dma_wait3A_300 : memref<1x1x128xi32, #tpu.memory_space<vmem>> -> memref<128xi32, #tpu.memory_space<vmem>>
      %dma_wait3A_302 = arith.constant 0 : i32
      %dma_wait3A_303 = arith.constant 0 : i32
      %dma_wait3A_304 = tpu.memref_slice %arg10[%dma_wait3A_302, %dma_wait3A_303] : memref<10240x64xf32, #tpu.memory_space<vmem_shared>> -> memref<10240x64xf32, #tpu.memory_space<vmem_shared>>
      tpu.wait_indirect_dma semaphore(%arg16 : memref<!tpu.dma_semaphore, #tpu.memory_space<semaphore_mem>>) src(%dma_wait3A_304 : memref<10240x64xf32, #tpu.memory_space<vmem_shared>>) dst(%arg8 : memref<128x64xf32, #tpu.memory_space<vmem>>)
      %dma_start3A_305 = arith.constant 2 : i32
      %dma_start3A_306 = arith.constant 1 : i32
      %dma_start3A_307 = arith.constant 0 : i32
      %dma_start3A_308 = tpu.memref_slice %arg7[%dma_start3A_305, %dma_start3A_306, %dma_start3A_307] : memref<4x2x128xi32, #tpu.memory_space<vmem>> -> memref<1x1x128xi32, #tpu.memory_space<vmem>>
      %dma_start3A_309 = tpu.memref_squeeze %dma_start3A_308 : memref<1x1x128xi32, #tpu.memory_space<vmem>> -> memref<128xi32, #tpu.memory_space<vmem>>
      %dma_start3A_310 = arith.constant 0 : i32
      %dma_start3A_311 = arith.constant 0 : i32
      %dma_start3A_312 = tpu.memref_slice %arg11[%dma_start3A_310, %dma_start3A_311] : memref<10240x64xf32, #tpu.memory_space<vmem_shared>> -> memref<10240x64xf32, #tpu.memory_space<vmem_shared>>
      tpu.enqueue_indirect_dma source(%arg8 : memref<128x64xf32, #tpu.memory_space<vmem>>) target(%dma_start3A_312 : memref<10240x64xf32, #tpu.memory_space<vmem_shared>>) offsets(%dma_start3A_309 : memref<128xi32, #tpu.memory_space<vmem>>) semaphore(%arg18 : memref<!tpu.dma_semaphore, #tpu.memory_space<semaphore_mem>>) {add = true}
      %dma_wait3A_313 = arith.constant 3 : i32
      %dma_wait3A_314 = arith.constant 0 : i32
      %dma_wait3A_315 = arith.constant 0 : i32
      %dma_wait3A_316 = tpu.memref_slice %arg7[%dma_wait3A_313, %dma_wait3A_314, %dma_wait3A_315] : memref<4x2x128xi32, #tpu.memory_space<vmem>> -> memref<1x1x128xi32, #tpu.memory_space<vmem>>
      %dma_wait3A_317 = tpu.memref_squeeze %dma_wait3A_316 : memref<1x1x128xi32, #tpu.memory_space<vmem>> -> memref<128xi32, #tpu.memory_space<vmem>>
      %dma_wait3A_318 = arith.constant 0 : i32
      %dma_wait3A_319 = arith.constant 0 : i32
      %dma_wait3A_320 = tpu.memref_slice %arg10[%dma_wait3A_318, %dma_wait3A_319] : memref<10240x64xf32, #tpu.memory_space<vmem_shared>> -> memref<10240x64xf32, #tpu.memory_space<vmem_shared>>
      tpu.wait_indirect_dma semaphore(%arg17 : memref<!tpu.dma_semaphore, #tpu.memory_space<semaphore_mem>>) src(%dma_wait3A_320 : memref<10240x64xf32, #tpu.memory_space<vmem_shared>>) dst(%arg9 : memref<128x64xf32, #tpu.memory_space<vmem>>)
      %dma_start3A_321 = arith.constant 3 : i32
      %dma_start3A_322 = arith.constant 1 : i32
      %dma_start3A_323 = arith.constant 0 : i32
      %dma_start3A_324 = tpu.memref_slice %arg7[%dma_start3A_321, %dma_start3A_322, %dma_start3A_323] : memref<4x2x128xi32, #tpu.memory_space<vmem>> -> memref<1x1x128xi32, #tpu.memory_space<vmem>>
      %dma_start3A_325 = tpu.memref_squeeze %dma_start3A_324 : memref<1x1x128xi32, #tpu.memory_space<vmem>> -> memref<128xi32, #tpu.memory_space<vmem>>
      %dma_start3A_326 = arith.constant 0 : i32
      %dma_start3A_327 = arith.constant 0 : i32
      %dma_start3A_328 = tpu.memref_slice %arg11[%dma_start3A_326, %dma_start3A_327] : memref<10240x64xf32, #tpu.memory_space<vmem_shared>> -> memref<10240x64xf32, #tpu.memory_space<vmem_shared>>
      tpu.enqueue_indirect_dma source(%arg9 : memref<128x64xf32, #tpu.memory_space<vmem>>) target(%dma_start3A_328 : memref<10240x64xf32, #tpu.memory_space<vmem_shared>>) offsets(%dma_start3A_325 : memref<128xi32, #tpu.memory_space<vmem>>) semaphore(%arg19 : memref<!tpu.dma_semaphore, #tpu.memory_space<semaphore_mem>>) {add = true}
      %add3A_329 = arith.constant 2 : i32
      %add3A_330 = arith.addi %mul3A_219, %add3A_329 : i32
      %dma_wait3A_331 = arith.constant 2 : i32
      %dma_wait3A_332 = arith.constant 1 : i32
      %dma_wait3A_333 = arith.constant 0 : i32
      %dma_wait3A_334 = tpu.memref_slice %arg7[%dma_wait3A_331, %dma_wait3A_332, %dma_wait3A_333] : memref<4x2x128xi32, #tpu.memory_space<vmem>> -> memref<1x1x128xi32, #tpu.memory_space<vmem>>
      %dma_wait3A_335 = tpu.memref_squeeze %dma_wait3A_334 : memref<1x1x128xi32, #tpu.memory_space<vmem>> -> memref<128xi32, #tpu.memory_space<vmem>>
      %dma_wait3A_336 = arith.constant 0 : i32
      %dma_wait3A_337 = arith.constant 0 : i32
      %dma_wait3A_338 = tpu.memref_slice %arg11[%dma_wait3A_336, %dma_wait3A_337] : memref<10240x64xf32, #tpu.memory_space<vmem_shared>> -> memref<10240x64xf32, #tpu.memory_space<vmem_shared>>
      tpu.wait_indirect_dma semaphore(%arg18 : memref<!tpu.dma_semaphore, #tpu.memory_space<semaphore_mem>>) src(%arg8 : memref<128x64xf32, #tpu.memory_space<vmem>>) dst(%dma_wait3A_338 : memref<10240x64xf32, #tpu.memory_space<vmem_shared>>)
      %add3A_339 = arith.constant 4 : i32
      %add3A_340 = arith.addi %add3A_330, %add3A_339 : i32
      %lt3A_341 = arith.constant 160 : i32
      %lt3A_342 = arith.cmpi slt, %add3A_340, %lt3A_341 : i32
      %convert_element_type3A_343 = arith.extui %lt3A_342 : i1 to i32
      %cond3A_344 = arith.constant 0 : i32
      %cond3A_345 = arith.cmpi ne, %convert_element_type3A_343, %cond3A_344 : i32
      scf.if %cond3A_345 {
        %add3A_377 = arith.constant 4 : i32
        %add3A_378 = arith.addi %add3A_330, %add3A_377 : i32
        %add3A_379 = arith.addi %mul3A_5, %add3A_378 : i32
        %dma_start3A_380 = arith.constant 2 : i32
        %dma_start3A_381 = arith.constant 0 : i32
        %dma_start3A_382 = arith.constant 0 : i32
        %dma_start3A_383 = tpu.memref_slice %arg7[%dma_start3A_380, %dma_start3A_381, %dma_start3A_382] : memref<4x2x128xi32, #tpu.memory_space<vmem>> -> memref<1x1x128xi32, #tpu.memory_space<vmem>>
        %dma_start3A_384 = tpu.memref_squeeze %dma_start3A_383 : memref<1x1x128xi32, #tpu.memory_space<vmem>> -> memref<128xi32, #tpu.memory_space<vmem>>
        %dma_start3A_385 = arith.constant 0 : i32
        %dma_start3A_386 = tpu.memref_slice %arg3[%add3A_379, %dma_start3A_385] : memref<2560x128xi32, #tpu.memory_space<hbm>> -> memref<1x128xi32, #tpu.memory_space<hbm>>
        %dma_start3A_387 = tpu.memref_squeeze %dma_start3A_386 : memref<1x128xi32, #tpu.memory_space<hbm>> -> memref<128xi32, #tpu.memory_space<hbm>>
        %dma_start3A_388 = arith.constant 0 : i32
        %dma_start3A_389 = tpu.memref_slice %arg7[%dma_start3A_380, %dma_start3A_381, %dma_start3A_388] : memref<4x2x128xi32, #tpu.memory_space<vmem>> -> memref<1x1x128xi32, #tpu.memory_space<vmem>>
        %dma_start3A_390 = tpu.memref_squeeze %dma_start3A_389 : memref<1x1x128xi32, #tpu.memory_space<vmem>> -> memref<128xi32, #tpu.memory_space<vmem>>
        %dma_start3A_391 = arith.constant 0 : i32
        %dma_start3A_392 = tpu.memref_slice %arg3[%add3A_379, %dma_start3A_391] : memref<2560x128xi32, #tpu.memory_space<hbm>> -> memref<1x128xi32, #tpu.memory_space<hbm>>
        %dma_start3A_393 = tpu.memref_squeeze %dma_start3A_392 : memref<1x128xi32, #tpu.memory_space<hbm>> -> memref<128xi32, #tpu.memory_space<hbm>>
        tpu.enqueue_dma source(%dma_start3A_393 : memref<128xi32, #tpu.memory_space<hbm>>) target(%dma_start3A_390 : memref<128xi32, #tpu.memory_space<vmem>>) target_semaphore(%arg14 : memref<!tpu.dma_semaphore, #tpu.memory_space<semaphore_mem>>)
        %add3A_394 = arith.addi %mul3A_5, %add3A_378 : i32
        %dma_start3A_395 = arith.constant 2 : i32
        %dma_start3A_396 = arith.constant 1 : i32
        %dma_start3A_397 = arith.constant 0 : i32
        %dma_start3A_398 = tpu.memref_slice %arg7[%dma_start3A_395, %dma_start3A_396, %dma_start3A_397] : memref<4x2x128xi32, #tpu.memory_space<vmem>> -> memref<1x1x128xi32, #tpu.memory_space<vmem>>
        %dma_start3A_399 = tpu.memref_squeeze %dma_start3A_398 : memref<1x1x128xi32, #tpu.memory_space<vmem>> -> memref<128xi32, #tpu.memory_space<vmem>>
        %dma_start3A_400 = arith.constant 0 : i32
        %dma_start3A_401 = tpu.memref_slice %arg4[%add3A_394, %dma_start3A_400] : memref<2560x128xi32, #tpu.memory_space<hbm>> -> memref<1x128xi32, #tpu.memory_space<hbm>>
        %dma_start3A_402 = tpu.memref_squeeze %dma_start3A_401 : memref<1x128xi32, #tpu.memory_space<hbm>> -> memref<128xi32, #tpu.memory_space<hbm>>
        %dma_start3A_403 = arith.constant 0 : i32
        %dma_start3A_404 = tpu.memref_slice %arg7[%dma_start3A_395, %dma_start3A_396, %dma_start3A_403] : memref<4x2x128xi32, #tpu.memory_space<vmem>> -> memref<1x1x128xi32, #tpu.memory_space<vmem>>
        %dma_start3A_405 = tpu.memref_squeeze %dma_start3A_404 : memref<1x1x128xi32, #tpu.memory_space<vmem>> -> memref<128xi32, #tpu.memory_space<vmem>>
        %dma_start3A_406 = arith.constant 0 : i32
        %dma_start3A_407 = tpu.memref_slice %arg4[%add3A_394, %dma_start3A_406] : memref<2560x128xi32, #tpu.memory_space<hbm>> -> memref<1x128xi32, #tpu.memory_space<hbm>>
        %dma_start3A_408 = tpu.memref_squeeze %dma_start3A_407 : memref<1x128xi32, #tpu.memory_space<hbm>> -> memref<128xi32, #tpu.memory_space<hbm>>
        tpu.enqueue_dma source(%dma_start3A_408 : memref<128xi32, #tpu.memory_space<hbm>>) target(%dma_start3A_405 : memref<128xi32, #tpu.memory_space<vmem>>) target_semaphore(%arg14 : memref<!tpu.dma_semaphore, #tpu.memory_space<semaphore_mem>>)
      } else {
      }
      %add3A_346 = arith.constant 2 : i32
      %add3A_347 = arith.addi %add3A_330, %add3A_346 : i32
      %lt3A_348 = arith.constant 160 : i32
      %lt3A_349 = arith.cmpi slt, %add3A_347, %lt3A_348 : i32
      %convert_element_type3A_350 = arith.extui %lt3A_349 : i1 to i32
      %cond3A_351 = arith.constant 0 : i32
      %cond3A_352 = arith.cmpi ne, %convert_element_type3A_350, %cond3A_351 : i32
      scf.if %cond3A_352 {
        %add3A_377 = arith.constant 2 : i32
        %add3A_378 = arith.addi %add3A_330, %add3A_377 : i32
        %add3A_379 = arith.addi %mul3A_5, %add3A_378 : i32
        %dma_wait3A_380 = arith.constant 0 : i32
        %dma_wait3A_381 = arith.constant 0 : i32
        %dma_wait3A_382 = arith.constant 0 : i32
        %dma_wait3A_383 = tpu.memref_slice %arg7[%dma_wait3A_380, %dma_wait3A_381, %dma_wait3A_382] : memref<4x2x128xi32, #tpu.memory_space<vmem>> -> memref<1x1x128xi32, #tpu.memory_space<vmem>>
        %dma_wait3A_384 = tpu.memref_squeeze %dma_wait3A_383 : memref<1x1x128xi32, #tpu.memory_space<vmem>> -> memref<128xi32, #tpu.memory_space<vmem>>
        %dma_wait3A_385 = arith.constant 0 : i32
        %dma_wait3A_386 = tpu.memref_slice %arg3[%add3A_379, %dma_wait3A_385] : memref<2560x128xi32, #tpu.memory_space<hbm>> -> memref<1x128xi32, #tpu.memory_space<hbm>>
        %dma_wait3A_387 = tpu.memref_squeeze %dma_wait3A_386 : memref<1x128xi32, #tpu.memory_space<hbm>> -> memref<128xi32, #tpu.memory_space<hbm>>
        %dma_wait3A_388 = arith.constant 0 : i32
        %dma_wait3A_389 = tpu.memref_slice %arg7[%dma_wait3A_380, %dma_wait3A_381, %dma_wait3A_388] : memref<4x2x128xi32, #tpu.memory_space<vmem>> -> memref<1x1x128xi32, #tpu.memory_space<vmem>>
        %dma_wait3A_390 = tpu.memref_squeeze %dma_wait3A_389 : memref<1x1x128xi32, #tpu.memory_space<vmem>> -> memref<128xi32, #tpu.memory_space<vmem>>
        %dma_wait3A_391 = arith.constant 0 : i32
        %dma_wait3A_392 = tpu.memref_slice %arg3[%add3A_379, %dma_wait3A_391] : memref<2560x128xi32, #tpu.memory_space<hbm>> -> memref<1x128xi32, #tpu.memory_space<hbm>>
        %dma_wait3A_393 = tpu.memref_squeeze %dma_wait3A_392 : memref<1x128xi32, #tpu.memory_space<hbm>> -> memref<128xi32, #tpu.memory_space<hbm>>
        tpu.wait_dma2 semaphore(%arg12 : memref<!tpu.dma_semaphore, #tpu.memory_space<semaphore_mem>>) src(%dma_wait3A_393 : memref<128xi32, #tpu.memory_space<hbm>>) dst(%dma_wait3A_390 : memref<128xi32, #tpu.memory_space<vmem>>)
        %add3A_394 = arith.addi %mul3A_5, %add3A_378 : i32
        %dma_wait3A_395 = arith.constant 0 : i32
        %dma_wait3A_396 = arith.constant 1 : i32
        %dma_wait3A_397 = arith.constant 0 : i32
        %dma_wait3A_398 = tpu.memref_slice %arg7[%dma_wait3A_395, %dma_wait3A_396, %dma_wait3A_397] : memref<4x2x128xi32, #tpu.memory_space<vmem>> -> memref<1x1x128xi32, #tpu.memory_space<vmem>>
        %dma_wait3A_399 = tpu.memref_squeeze %dma_wait3A_398 : memref<1x1x128xi32, #tpu.memory_space<vmem>> -> memref<128xi32, #tpu.memory_space<vmem>>
        %dma_wait3A_400 = arith.constant 0 : i32
        %dma_wait3A_401 = tpu.memref_slice %arg4[%add3A_394, %dma_wait3A_400] : memref<2560x128xi32, #tpu.memory_space<hbm>> -> memref<1x128xi32, #tpu.memory_space<hbm>>
        %dma_wait3A_402 = tpu.memref_squeeze %dma_wait3A_401 : memref<1x128xi32, #tpu.memory_space<hbm>> -> memref<128xi32, #tpu.memory_space<hbm>>
        %dma_wait3A_403 = arith.constant 0 : i32
        %dma_wait3A_404 = tpu.memref_slice %arg7[%dma_wait3A_395, %dma_wait3A_396, %dma_wait3A_403] : memref<4x2x128xi32, #tpu.memory_space<vmem>> -> memref<1x1x128xi32, #tpu.memory_space<vmem>>
        %dma_wait3A_405 = tpu.memref_squeeze %dma_wait3A_404 : memref<1x1x128xi32, #tpu.memory_space<vmem>> -> memref<128xi32, #tpu.memory_space<vmem>>
        %dma_wait3A_406 = arith.constant 0 : i32
        %dma_wait3A_407 = tpu.memref_slice %arg4[%add3A_394, %dma_wait3A_406] : memref<2560x128xi32, #tpu.memory_space<hbm>> -> memref<1x128xi32, #tpu.memory_space<hbm>>
        %dma_wait3A_408 = tpu.memref_squeeze %dma_wait3A_407 : memref<1x128xi32, #tpu.memory_space<hbm>> -> memref<128xi32, #tpu.memory_space<hbm>>
        tpu.wait_dma2 semaphore(%arg12 : memref<!tpu.dma_semaphore, #tpu.memory_space<semaphore_mem>>) src(%dma_wait3A_408 : memref<128xi32, #tpu.memory_space<hbm>>) dst(%dma_wait3A_405 : memref<128xi32, #tpu.memory_space<vmem>>)
        %dma_start3A_409 = arith.constant 0 : i32
        %dma_start3A_410 = arith.constant 0 : i32
        %dma_start3A_411 = arith.constant 0 : i32
        %dma_start3A_412 = tpu.memref_slice %arg7[%dma_start3A_409, %dma_start3A_410, %dma_start3A_411] : memref<4x2x128xi32, #tpu.memory_space<vmem>> -> memref<1x1x128xi32, #tpu.memory_space<vmem>>
        %dma_start3A_413 = tpu.memref_squeeze %dma_start3A_412 : memref<1x1x128xi32, #tpu.memory_space<vmem>> -> memref<128xi32, #tpu.memory_space<vmem>>
        %dma_start3A_414 = arith.constant 0 : i32
        %dma_start3A_415 = arith.constant 0 : i32
        %dma_start3A_416 = tpu.memref_slice %arg10[%dma_start3A_414, %dma_start3A_415] : memref<10240x64xf32, #tpu.memory_space<vmem_shared>> -> memref<10240x64xf32, #tpu.memory_space<vmem_shared>>
        tpu.enqueue_indirect_dma source(%dma_start3A_416 : memref<10240x64xf32, #tpu.memory_space<vmem_shared>>) target(%arg8 : memref<128x64xf32, #tpu.memory_space<vmem>>) offsets(%dma_start3A_413 : memref<128xi32, #tpu.memory_space<vmem>>) semaphore(%arg16 : memref<!tpu.dma_semaphore, #tpu.memory_space<semaphore_mem>>)
      } else {
      }
      %add3A_353 = arith.constant 3 : i32
      %add3A_354 = arith.addi %mul3A_219, %add3A_353 : i32
      %dma_wait3A_355 = arith.constant 3 : i32
      %dma_wait3A_356 = arith.constant 1 : i32
      %dma_wait3A_357 = arith.constant 0 : i32
      %dma_wait3A_358 = tpu.memref_slice %arg7[%dma_wait3A_355, %dma_wait3A_356, %dma_wait3A_357] : memref<4x2x128xi32, #tpu.memory_space<vmem>> -> memref<1x1x128xi32, #tpu.memory_space<vmem>>
      %dma_wait3A_359 = tpu.memref_squeeze %dma_wait3A_358 : memref<1x1x128xi32, #tpu.memory_space<vmem>> -> memref<128xi32, #tpu.memory_space<vmem>>
      %dma_wait3A_360 = arith.constant 0 : i32
      %dma_wait3A_361 = arith.constant 0 : i32
      %dma_wait3A_362 = tpu.memref_slice %arg11[%dma_wait3A_360, %dma_wait3A_361] : memref<10240x64xf32, #tpu.memory_space<vmem_shared>> -> memref<10240x64xf32, #tpu.memory_space<vmem_shared>>
      tpu.wait_indirect_dma semaphore(%arg19 : memref<!tpu.dma_semaphore, #tpu.memory_space<semaphore_mem>>) src(%arg9 : memref<128x64xf32, #tpu.memory_space<vmem>>) dst(%dma_wait3A_362 : memref<10240x64xf32, #tpu.memory_space<vmem_shared>>)
      %add3A_363 = arith.constant 4 : i32
      %add3A_364 = arith.addi %add3A_354, %add3A_363 : i32
      %lt3A_365 = arith.constant 160 : i32
      %lt3A_366 = arith.cmpi slt, %add3A_364, %lt3A_365 : i32
      %convert_element_type3A_367 = arith.extui %lt3A_366 : i1 to i32
      %cond3A_368 = arith.constant 0 : i32
      %cond3A_369 = arith.cmpi ne, %convert_element_type3A_367, %cond3A_368 : i32
      scf.if %cond3A_369 {
        %add3A_377 = arith.constant 4 : i32
        %add3A_378 = arith.addi %add3A_354, %add3A_377 : i32
        %add3A_379 = arith.addi %mul3A_5, %add3A_378 : i32
        %dma_start3A_380 = arith.constant 3 : i32
        %dma_start3A_381 = arith.constant 0 : i32
        %dma_start3A_382 = arith.constant 0 : i32
        %dma_start3A_383 = tpu.memref_slice %arg7[%dma_start3A_380, %dma_start3A_381, %dma_start3A_382] : memref<4x2x128xi32, #tpu.memory_space<vmem>> -> memref<1x1x128xi32, #tpu.memory_space<vmem>>
        %dma_start3A_384 = tpu.memref_squeeze %dma_start3A_383 : memref<1x1x128xi32, #tpu.memory_space<vmem>> -> memref<128xi32, #tpu.memory_space<vmem>>
        %dma_start3A_385 = arith.constant 0 : i32
        %dma_start3A_386 = tpu.memref_slice %arg3[%add3A_379, %dma_start3A_385] : memref<2560x128xi32, #tpu.memory_space<hbm>> -> memref<1x128xi32, #tpu.memory_space<hbm>>
        %dma_start3A_387 = tpu.memref_squeeze %dma_start3A_386 : memref<1x128xi32, #tpu.memory_space<hbm>> -> memref<128xi32, #tpu.memory_space<hbm>>
        %dma_start3A_388 = arith.constant 0 : i32
        %dma_start3A_389 = tpu.memref_slice %arg7[%dma_start3A_380, %dma_start3A_381, %dma_start3A_388] : memref<4x2x128xi32, #tpu.memory_space<vmem>> -> memref<1x1x128xi32, #tpu.memory_space<vmem>>
        %dma_start3A_390 = tpu.memref_squeeze %dma_start3A_389 : memref<1x1x128xi32, #tpu.memory_space<vmem>> -> memref<128xi32, #tpu.memory_space<vmem>>
        %dma_start3A_391 = arith.constant 0 : i32
        %dma_start3A_392 = tpu.memref_slice %arg3[%add3A_379, %dma_start3A_391] : memref<2560x128xi32, #tpu.memory_space<hbm>> -> memref<1x128xi32, #tpu.memory_space<hbm>>
        %dma_start3A_393 = tpu.memref_squeeze %dma_start3A_392 : memref<1x128xi32, #tpu.memory_space<hbm>> -> memref<128xi32, #tpu.memory_space<hbm>>
        tpu.enqueue_dma source(%dma_start3A_393 : memref<128xi32, #tpu.memory_space<hbm>>) target(%dma_start3A_390 : memref<128xi32, #tpu.memory_space<vmem>>) target_semaphore(%arg15 : memref<!tpu.dma_semaphore, #tpu.memory_space<semaphore_mem>>)
        %add3A_394 = arith.addi %mul3A_5, %add3A_378 : i32
        %dma_start3A_395 = arith.constant 3 : i32
        %dma_start3A_396 = arith.constant 1 : i32
        %dma_start3A_397 = arith.constant 0 : i32
        %dma_start3A_398 = tpu.memref_slice %arg7[%dma_start3A_395, %dma_start3A_396, %dma_start3A_397] : memref<4x2x128xi32, #tpu.memory_space<vmem>> -> memref<1x1x128xi32, #tpu.memory_space<vmem>>
        %dma_start3A_399 = tpu.memref_squeeze %dma_start3A_398 : memref<1x1x128xi32, #tpu.memory_space<vmem>> -> memref<128xi32, #tpu.memory_space<vmem>>
        %dma_start3A_400 = arith.constant 0 : i32
        %dma_start3A_401 = tpu.memref_slice %arg4[%add3A_394, %dma_start3A_400] : memref<2560x128xi32, #tpu.memory_space<hbm>> -> memref<1x128xi32, #tpu.memory_space<hbm>>
        %dma_start3A_402 = tpu.memref_squeeze %dma_start3A_401 : memref<1x128xi32, #tpu.memory_space<hbm>> -> memref<128xi32, #tpu.memory_space<hbm>>
        %dma_start3A_403 = arith.constant 0 : i32
        %dma_start3A_404 = tpu.memref_slice %arg7[%dma_start3A_395, %dma_start3A_396, %dma_start3A_403] : memref<4x2x128xi32, #tpu.memory_space<vmem>> -> memref<1x1x128xi32, #tpu.memory_space<vmem>>
        %dma_start3A_405 = tpu.memref_squeeze %dma_start3A_404 : memref<1x1x128xi32, #tpu.memory_space<vmem>> -> memref<128xi32, #tpu.memory_space<vmem>>
        %dma_start3A_406 = arith.constant 0 : i32
        %dma_start3A_407 = tpu.memref_slice %arg4[%add3A_394, %dma_start3A_406] : memref<2560x128xi32, #tpu.memory_space<hbm>> -> memref<1x128xi32, #tpu.memory_space<hbm>>
        %dma_start3A_408 = tpu.memref_squeeze %dma_start3A_407 : memref<1x128xi32, #tpu.memory_space<hbm>> -> memref<128xi32, #tpu.memory_space<hbm>>
        tpu.enqueue_dma source(%dma_start3A_408 : memref<128xi32, #tpu.memory_space<hbm>>) target(%dma_start3A_405 : memref<128xi32, #tpu.memory_space<vmem>>) target_semaphore(%arg15 : memref<!tpu.dma_semaphore, #tpu.memory_space<semaphore_mem>>)
      } else {
      }
      %add3A_370 = arith.constant 2 : i32
      %add3A_371 = arith.addi %add3A_354, %add3A_370 : i32
      %lt3A_372 = arith.constant 160 : i32
      %lt3A_373 = arith.cmpi slt, %add3A_371, %lt3A_372 : i32
      %convert_element_type3A_374 = arith.extui %lt3A_373 : i1 to i32
      %cond3A_375 = arith.constant 0 : i32
      %cond3A_376 = arith.cmpi ne, %convert_element_type3A_374, %cond3A_375 : i32
      scf.if %cond3A_376 {
        %add3A_377 = arith.constant 2 : i32
        %add3A_378 = arith.addi %add3A_354, %add3A_377 : i32
        %add3A_379 = arith.addi %mul3A_5, %add3A_378 : i32
        %dma_wait3A_380 = arith.constant 1 : i32
        %dma_wait3A_381 = arith.constant 0 : i32
        %dma_wait3A_382 = arith.constant 0 : i32
        %dma_wait3A_383 = tpu.memref_slice %arg7[%dma_wait3A_380, %dma_wait3A_381, %dma_wait3A_382] : memref<4x2x128xi32, #tpu.memory_space<vmem>> -> memref<1x1x128xi32, #tpu.memory_space<vmem>>
        %dma_wait3A_384 = tpu.memref_squeeze %dma_wait3A_383 : memref<1x1x128xi32, #tpu.memory_space<vmem>> -> memref<128xi32, #tpu.memory_space<vmem>>
        %dma_wait3A_385 = arith.constant 0 : i32
        %dma_wait3A_386 = tpu.memref_slice %arg3[%add3A_379, %dma_wait3A_385] : memref<2560x128xi32, #tpu.memory_space<hbm>> -> memref<1x128xi32, #tpu.memory_space<hbm>>
        %dma_wait3A_387 = tpu.memref_squeeze %dma_wait3A_386 : memref<1x128xi32, #tpu.memory_space<hbm>> -> memref<128xi32, #tpu.memory_space<hbm>>
        %dma_wait3A_388 = arith.constant 0 : i32
        %dma_wait3A_389 = tpu.memref_slice %arg7[%dma_wait3A_380, %dma_wait3A_381, %dma_wait3A_388] : memref<4x2x128xi32, #tpu.memory_space<vmem>> -> memref<1x1x128xi32, #tpu.memory_space<vmem>>
        %dma_wait3A_390 = tpu.memref_squeeze %dma_wait3A_389 : memref<1x1x128xi32, #tpu.memory_space<vmem>> -> memref<128xi32, #tpu.memory_space<vmem>>
        %dma_wait3A_391 = arith.constant 0 : i32
        %dma_wait3A_392 = tpu.memref_slice %arg3[%add3A_379, %dma_wait3A_391] : memref<2560x128xi32, #tpu.memory_space<hbm>> -> memref<1x128xi32, #tpu.memory_space<hbm>>
        %dma_wait3A_393 = tpu.memref_squeeze %dma_wait3A_392 : memref<1x128xi32, #tpu.memory_space<hbm>> -> memref<128xi32, #tpu.memory_space<hbm>>
        tpu.wait_dma2 semaphore(%arg13 : memref<!tpu.dma_semaphore, #tpu.memory_space<semaphore_mem>>) src(%dma_wait3A_393 : memref<128xi32, #tpu.memory_space<hbm>>) dst(%dma_wait3A_390 : memref<128xi32, #tpu.memory_space<vmem>>)
        %add3A_394 = arith.addi %mul3A_5, %add3A_378 : i32
        %dma_wait3A_395 = arith.constant 1 : i32
        %dma_wait3A_396 = arith.constant 1 : i32
        %dma_wait3A_397 = arith.constant 0 : i32
        %dma_wait3A_398 = tpu.memref_slice %arg7[%dma_wait3A_395, %dma_wait3A_396, %dma_wait3A_397] : memref<4x2x128xi32, #tpu.memory_space<vmem>> -> memref<1x1x128xi32, #tpu.memory_space<vmem>>
        %dma_wait3A_399 = tpu.memref_squeeze %dma_wait3A_398 : memref<1x1x128xi32, #tpu.memory_space<vmem>> -> memref<128xi32, #tpu.memory_space<vmem>>
        %dma_wait3A_400 = arith.constant 0 : i32
        %dma_wait3A_401 = tpu.memref_slice %arg4[%add3A_394, %dma_wait3A_400] : memref<2560x128xi32, #tpu.memory_space<hbm>> -> memref<1x128xi32, #tpu.memory_space<hbm>>
        %dma_wait3A_402 = tpu.memref_squeeze %dma_wait3A_401 : memref<1x128xi32, #tpu.memory_space<hbm>> -> memref<128xi32, #tpu.memory_space<hbm>>
        %dma_wait3A_403 = arith.constant 0 : i32
        %dma_wait3A_404 = tpu.memref_slice %arg7[%dma_wait3A_395, %dma_wait3A_396, %dma_wait3A_403] : memref<4x2x128xi32, #tpu.memory_space<vmem>> -> memref<1x1x128xi32, #tpu.memory_space<vmem>>
        %dma_wait3A_405 = tpu.memref_squeeze %dma_wait3A_404 : memref<1x1x128xi32, #tpu.memory_space<vmem>> -> memref<128xi32, #tpu.memory_space<vmem>>
        %dma_wait3A_406 = arith.constant 0 : i32
        %dma_wait3A_407 = tpu.memref_slice %arg4[%add3A_394, %dma_wait3A_406] : memref<2560x128xi32, #tpu.memory_space<hbm>> -> memref<1x128xi32, #tpu.memory_space<hbm>>
        %dma_wait3A_408 = tpu.memref_squeeze %dma_wait3A_407 : memref<1x128xi32, #tpu.memory_space<hbm>> -> memref<128xi32, #tpu.memory_space<hbm>>
        tpu.wait_dma2 semaphore(%arg13 : memref<!tpu.dma_semaphore, #tpu.memory_space<semaphore_mem>>) src(%dma_wait3A_408 : memref<128xi32, #tpu.memory_space<hbm>>) dst(%dma_wait3A_405 : memref<128xi32, #tpu.memory_space<vmem>>)
        %dma_start3A_409 = arith.constant 1 : i32
        %dma_start3A_410 = arith.constant 0 : i32
        %dma_start3A_411 = arith.constant 0 : i32
        %dma_start3A_412 = tpu.memref_slice %arg7[%dma_start3A_409, %dma_start3A_410, %dma_start3A_411] : memref<4x2x128xi32, #tpu.memory_space<vmem>> -> memref<1x1x128xi32, #tpu.memory_space<vmem>>
        %dma_start3A_413 = tpu.memref_squeeze %dma_start3A_412 : memref<1x1x128xi32, #tpu.memory_space<vmem>> -> memref<128xi32, #tpu.memory_space<vmem>>
        %dma_start3A_414 = arith.constant 0 : i32
        %dma_start3A_415 = arith.constant 0 : i32
        %dma_start3A_416 = tpu.memref_slice %arg10[%dma_start3A_414, %dma_start3A_415] : memref<10240x64xf32, #tpu.memory_space<vmem_shared>> -> memref<10240x64xf32, #tpu.memory_space<vmem_shared>>
        tpu.enqueue_indirect_dma source(%dma_start3A_416 : memref<10240x64xf32, #tpu.memory_space<vmem_shared>>) target(%arg9 : memref<128x64xf32, #tpu.memory_space<vmem>>) offsets(%dma_start3A_413 : memref<128xi32, #tpu.memory_space<vmem>>) semaphore(%arg17 : memref<!tpu.dma_semaphore, #tpu.memory_space<semaphore_mem>>)
      } else {
      }
    }
    %scan3A_215 = arith.constant 40 : i32
    %barrier3A_216 = arith.constant 0 : index
    tpu.barrier barrier_id(%barrier3A_216)
    "tpu.region"() ({
      %run_scoped3A = tpu.sem_alloc : memref<!tpu.dma_semaphore, #tpu.memory_space<semaphore_mem>>
      %dma_start3A_217 = arith.constant 0 : i32
      %dma_start3A_218 = tpu.memref_slice %arg6[%arg0, %multiple_of3A, %dma_start3A_217] : memref<2x10240x64xf32, #tpu.memory_space<hbm>> -> memref<1x640x64xf32, #tpu.memory_space<hbm>>
      %dma_start3A_219 = tpu.memref_squeeze %dma_start3A_218 : memref<1x640x64xf32, #tpu.memory_space<hbm>> -> memref<640x64xf32, #tpu.memory_space<hbm>>
      %dma_start3A_220 = arith.constant 0 : i32
      %dma_start3A_221 = tpu.memref_slice %arg11[%multiple_of3A, %dma_start3A_220] : memref<10240x64xf32, #tpu.memory_space<vmem_shared>> -> memref<640x64xf32, #tpu.memory_space<vmem_shared>>
      tpu.enqueue_dma source(%dma_start3A_221 : memref<640x64xf32, #tpu.memory_space<vmem_shared>>) target(%dma_start3A_219 : memref<640x64xf32, #tpu.memory_space<hbm>>) target_semaphore(%run_scoped3A : memref<!tpu.dma_semaphore, #tpu.memory_space<semaphore_mem>>)
      %dma_wait3A_222 = arith.constant 0 : i32
      %dma_wait3A_223 = tpu.memref_slice %arg6[%arg0, %multiple_of3A, %dma_wait3A_222] : memref<2x10240x64xf32, #tpu.memory_space<hbm>> -> memref<1x640x64xf32, #tpu.memory_space<hbm>>
      %dma_wait3A_224 = tpu.memref_squeeze %dma_wait3A_223 : memref<1x640x64xf32, #tpu.memory_space<hbm>> -> memref<640x64xf32, #tpu.memory_space<hbm>>
      %dma_wait3A_225 = arith.constant 0 : i32
      %dma_wait3A_226 = tpu.memref_slice %arg11[%multiple_of3A, %dma_wait3A_225] : memref<10240x64xf32, #tpu.memory_space<vmem_shared>> -> memref<640x64xf32, #tpu.memory_space<vmem_shared>>
      tpu.wait_dma2 semaphore(%run_scoped3A : memref<!tpu.dma_semaphore, #tpu.memory_space<semaphore_mem>>) src(%dma_wait3A_226 : memref<640x64xf32, #tpu.memory_space<vmem_shared>>) dst(%dma_wait3A_224 : memref<640x64xf32, #tpu.memory_space<hbm>>)
      tpu.yield
    }) : () -> ()
    return
  }
}

#map = affine_map<(d0, d1) -> (0, 0)>
#map1 = affine_map<(d0, d1) -> (0, 0, 0)>
module attributes {stable_mosaic.version = 14 : i64} {
  func.func @prop(%arg0: i32, %arg1: i32, %arg2: memref<10240x16xf32, #tpu.memory_space<hbm>>, %arg3: memref<2560x128xi32, #tpu.memory_space<hbm>>, %arg4: memref<2560x128xi32, #tpu.memory_space<hbm>>, %arg5: memref<640x16xf32, #tpu.memory_space<hbm>>, %arg6: memref<2x10240x16xf32, #tpu.memory_space<hbm>>, %arg7: memref<80x128xi32, #tpu.memory_space<vmem>>, %arg8: memref<80x128xi32, #tpu.memory_space<vmem>>, %arg9: memref<128x16xf32, #tpu.memory_space<vmem>>, %arg10: memref<128x16xf32, #tpu.memory_space<vmem>>, %arg11: memref<10240x16xf32, #tpu.memory_space<vmem_shared>>, %arg12: memref<10240x16xf32, #tpu.memory_space<vmem_shared>>, %arg13: memref<!tpu.dma_semaphore, #tpu.memory_space<semaphore_mem>>, %arg14: memref<!tpu.dma_semaphore, #tpu.memory_space<semaphore_mem>>, %arg15: memref<!tpu.dma_semaphore, #tpu.memory_space<semaphore_mem>>, %arg16: memref<!tpu.dma_semaphore, #tpu.memory_space<semaphore_mem>>) attributes {dimension_semantics = [#tpu.dimension_semantics<core_parallel>, #tpu.dimension_semantics<subcore_parallel>], iteration_bounds = array<i64: 2, 16>, scalar_prefetch = 0 : i64, scratch_operands = 10 : i64, tpu.core_type = #tpu.core_type<sc_vector_subcore>, window_params = [{transform_indices = #map}, {transform_indices = #map}, {transform_indices = #map}, {transform_indices = #map}, {transform_indices = #map1}]} {
    %mul3A = arith.constant 16 : i32
    %mul3A_0 = arith.muli %arg0, %mul3A : i32
    %add3A = arith.addi %mul3A_0, %arg1 : i32
    %mul3A_1 = arith.constant 640 : i32
    %mul3A_2 = arith.muli %arg1, %mul3A_1 : i32
    %multiple_of3A = tpu.assume_multiple %mul3A_2, 8 : i32
    "tpu.region"() ({
      %run_scoped3A = tpu.sem_alloc : memref<!tpu.dma_semaphore, #tpu.memory_space<semaphore_mem>>
      %dma_start3A_26 = arith.constant 0 : i32
      %dma_start3A_27 = tpu.memref_slice %arg12[%multiple_of3A, %dma_start3A_26] : memref<10240x16xf32, #tpu.memory_space<vmem_shared>> -> memref<640x16xf32, #tpu.memory_space<vmem_shared>>
      tpu.enqueue_dma source(%arg5 : memref<640x16xf32, #tpu.memory_space<hbm>>) target(%dma_start3A_27 : memref<640x16xf32, #tpu.memory_space<vmem_shared>>) target_semaphore(%run_scoped3A : memref<!tpu.dma_semaphore, #tpu.memory_space<semaphore_mem>>)
      %dma_wait3A = arith.constant 0 : i32
      %dma_wait3A_28 = tpu.memref_slice %arg12[%multiple_of3A, %dma_wait3A] : memref<10240x16xf32, #tpu.memory_space<vmem_shared>> -> memref<640x16xf32, #tpu.memory_space<vmem_shared>>
      tpu.wait_dma2 semaphore(%run_scoped3A : memref<!tpu.dma_semaphore, #tpu.memory_space<semaphore_mem>>) src(%arg5 : memref<640x16xf32, #tpu.memory_space<hbm>>) dst(%dma_wait3A_28 : memref<640x16xf32, #tpu.memory_space<vmem_shared>>)
      tpu.yield
    }) : () -> ()
    "tpu.region"() ({
      %run_scoped3A = tpu.sem_alloc : memref<!tpu.dma_semaphore, #tpu.memory_space<semaphore_mem>>
      %dma_start3A_26 = arith.constant 0 : i32
      %dma_start3A_27 = tpu.memref_slice %arg11[%multiple_of3A, %dma_start3A_26] : memref<10240x16xf32, #tpu.memory_space<vmem_shared>> -> memref<640x16xf32, #tpu.memory_space<vmem_shared>>
      %dma_start3A_28 = arith.constant 0 : i32
      %dma_start3A_29 = tpu.memref_slice %arg2[%multiple_of3A, %dma_start3A_28] : memref<10240x16xf32, #tpu.memory_space<hbm>> -> memref<640x16xf32, #tpu.memory_space<hbm>>
      tpu.enqueue_dma source(%dma_start3A_29 : memref<640x16xf32, #tpu.memory_space<hbm>>) target(%dma_start3A_27 : memref<640x16xf32, #tpu.memory_space<vmem_shared>>) target_semaphore(%run_scoped3A : memref<!tpu.dma_semaphore, #tpu.memory_space<semaphore_mem>>)
      %dma_wait3A = arith.constant 0 : i32
      %dma_wait3A_30 = tpu.memref_slice %arg11[%multiple_of3A, %dma_wait3A] : memref<10240x16xf32, #tpu.memory_space<vmem_shared>> -> memref<640x16xf32, #tpu.memory_space<vmem_shared>>
      %dma_wait3A_31 = arith.constant 0 : i32
      %dma_wait3A_32 = tpu.memref_slice %arg2[%multiple_of3A, %dma_wait3A_31] : memref<10240x16xf32, #tpu.memory_space<hbm>> -> memref<640x16xf32, #tpu.memory_space<hbm>>
      tpu.wait_dma2 semaphore(%run_scoped3A : memref<!tpu.dma_semaphore, #tpu.memory_space<semaphore_mem>>) src(%dma_wait3A_32 : memref<640x16xf32, #tpu.memory_space<hbm>>) dst(%dma_wait3A_30 : memref<640x16xf32, #tpu.memory_space<vmem_shared>>)
      tpu.yield
    }) : () -> ()
    %mul3A_3 = arith.constant 80 : i32
    %mul3A_4 = arith.muli %add3A, %mul3A_3 : i32
    "tpu.region"() ({
      %run_scoped3A = tpu.sem_alloc : memref<!tpu.dma_semaphore, #tpu.memory_space<semaphore_mem>>
      %dma_start3A_26 = arith.constant 0 : i32
      %dma_start3A_27 = tpu.memref_slice %arg3[%mul3A_4, %dma_start3A_26] : memref<2560x128xi32, #tpu.memory_space<hbm>> -> memref<80x128xi32, #tpu.memory_space<hbm>>
      %dma_start3A_28 = arith.constant 0 : i32
      %dma_start3A_29 = tpu.memref_slice %arg3[%mul3A_4, %dma_start3A_28] : memref<2560x128xi32, #tpu.memory_space<hbm>> -> memref<80x128xi32, #tpu.memory_space<hbm>>
      tpu.enqueue_dma source(%dma_start3A_29 : memref<80x128xi32, #tpu.memory_space<hbm>>) target(%arg7 : memref<80x128xi32, #tpu.memory_space<vmem>>) target_semaphore(%run_scoped3A : memref<!tpu.dma_semaphore, #tpu.memory_space<semaphore_mem>>)
      %dma_wait3A = arith.constant 0 : i32
      %dma_wait3A_30 = tpu.memref_slice %arg3[%mul3A_4, %dma_wait3A] : memref<2560x128xi32, #tpu.memory_space<hbm>> -> memref<80x128xi32, #tpu.memory_space<hbm>>
      %dma_wait3A_31 = arith.constant 0 : i32
      %dma_wait3A_32 = tpu.memref_slice %arg3[%mul3A_4, %dma_wait3A_31] : memref<2560x128xi32, #tpu.memory_space<hbm>> -> memref<80x128xi32, #tpu.memory_space<hbm>>
      tpu.wait_dma2 semaphore(%run_scoped3A : memref<!tpu.dma_semaphore, #tpu.memory_space<semaphore_mem>>) src(%dma_wait3A_32 : memref<80x128xi32, #tpu.memory_space<hbm>>) dst(%arg7 : memref<80x128xi32, #tpu.memory_space<vmem>>)
      tpu.yield
    }) : () -> ()
    %mul3A_5 = arith.constant 80 : i32
    %mul3A_6 = arith.muli %add3A, %mul3A_5 : i32
    "tpu.region"() ({
      %run_scoped3A = tpu.sem_alloc : memref<!tpu.dma_semaphore, #tpu.memory_space<semaphore_mem>>
      %dma_start3A_26 = arith.constant 0 : i32
      %dma_start3A_27 = tpu.memref_slice %arg4[%mul3A_6, %dma_start3A_26] : memref<2560x128xi32, #tpu.memory_space<hbm>> -> memref<80x128xi32, #tpu.memory_space<hbm>>
      %dma_start3A_28 = arith.constant 0 : i32
      %dma_start3A_29 = tpu.memref_slice %arg4[%mul3A_6, %dma_start3A_28] : memref<2560x128xi32, #tpu.memory_space<hbm>> -> memref<80x128xi32, #tpu.memory_space<hbm>>
      tpu.enqueue_dma source(%dma_start3A_29 : memref<80x128xi32, #tpu.memory_space<hbm>>) target(%arg8 : memref<80x128xi32, #tpu.memory_space<vmem>>) target_semaphore(%run_scoped3A : memref<!tpu.dma_semaphore, #tpu.memory_space<semaphore_mem>>)
      %dma_wait3A = arith.constant 0 : i32
      %dma_wait3A_30 = tpu.memref_slice %arg4[%mul3A_6, %dma_wait3A] : memref<2560x128xi32, #tpu.memory_space<hbm>> -> memref<80x128xi32, #tpu.memory_space<hbm>>
      %dma_wait3A_31 = arith.constant 0 : i32
      %dma_wait3A_32 = tpu.memref_slice %arg4[%mul3A_6, %dma_wait3A_31] : memref<2560x128xi32, #tpu.memory_space<hbm>> -> memref<80x128xi32, #tpu.memory_space<hbm>>
      tpu.wait_dma2 semaphore(%run_scoped3A : memref<!tpu.dma_semaphore, #tpu.memory_space<semaphore_mem>>) src(%dma_wait3A_32 : memref<80x128xi32, #tpu.memory_space<hbm>>) dst(%arg8 : memref<80x128xi32, #tpu.memory_space<vmem>>)
      tpu.yield
    }) : () -> ()
    %barrier3A = arith.constant 0 : index
    tpu.barrier barrier_id(%barrier3A)
    %dma_start3A = arith.constant 0 : i32
    %dma_start3A_7 = arith.constant 0 : i32
    %dma_start3A_8 = tpu.memref_slice %arg7[%dma_start3A, %dma_start3A_7] : memref<80x128xi32, #tpu.memory_space<vmem>> -> memref<1x128xi32, #tpu.memory_space<vmem>>
    %dma_start3A_9 = tpu.memref_squeeze %dma_start3A_8 : memref<1x128xi32, #tpu.memory_space<vmem>> -> memref<128xi32, #tpu.memory_space<vmem>>
    %dma_start3A_10 = arith.constant 0 : i32
    %dma_start3A_11 = arith.constant 0 : i32
    %dma_start3A_12 = tpu.memref_slice %arg11[%dma_start3A_10, %dma_start3A_11] : memref<10240x16xf32, #tpu.memory_space<vmem_shared>> -> memref<10240x16xf32, #tpu.memory_space<vmem_shared>>
    tpu.enqueue_indirect_dma source(%dma_start3A_12 : memref<10240x16xf32, #tpu.memory_space<vmem_shared>>) target(%arg9 : memref<128x16xf32, #tpu.memory_space<vmem>>) offsets(%dma_start3A_9 : memref<128xi32, #tpu.memory_space<vmem>>) semaphore(%arg13 : memref<!tpu.dma_semaphore, #tpu.memory_space<semaphore_mem>>)
    %dma_start3A_13 = arith.constant 1 : i32
    %dma_start3A_14 = arith.constant 0 : i32
    %dma_start3A_15 = tpu.memref_slice %arg7[%dma_start3A_13, %dma_start3A_14] : memref<80x128xi32, #tpu.memory_space<vmem>> -> memref<1x128xi32, #tpu.memory_space<vmem>>
    %dma_start3A_16 = tpu.memref_squeeze %dma_start3A_15 : memref<1x128xi32, #tpu.memory_space<vmem>> -> memref<128xi32, #tpu.memory_space<vmem>>
    %dma_start3A_17 = arith.constant 0 : i32
    %dma_start3A_18 = arith.constant 0 : i32
    %dma_start3A_19 = tpu.memref_slice %arg11[%dma_start3A_17, %dma_start3A_18] : memref<10240x16xf32, #tpu.memory_space<vmem_shared>> -> memref<10240x16xf32, #tpu.memory_space<vmem_shared>>
    tpu.enqueue_indirect_dma source(%dma_start3A_19 : memref<10240x16xf32, #tpu.memory_space<vmem_shared>>) target(%arg10 : memref<128x16xf32, #tpu.memory_space<vmem>>) offsets(%dma_start3A_16 : memref<128xi32, #tpu.memory_space<vmem>>) semaphore(%arg14 : memref<!tpu.dma_semaphore, #tpu.memory_space<semaphore_mem>>)
    %scan3A = arith.constant 0 : i32
    %scan3A_20 = arith.constant 0 : i32
    %scan3A_21 = arith.constant 40 : i32
    %scan3A_22 = arith.addi %scan3A_20, %scan3A_21 : i32
    %scan3A_23 = arith.constant 1 : i32
    scf.for %scan3A_26 = %scan3A_20 to %scan3A_22 step %scan3A_23  : i32 {
      %mul3A_27 = arith.constant 2 : i32
      %mul3A_28 = arith.muli %scan3A_26, %mul3A_27 : i32
      %add3A_29 = arith.constant 0 : i32
      %add3A_30 = arith.addi %mul3A_28, %add3A_29 : i32
      %dma_wait3A = arith.constant 0 : i32
      %dma_wait3A_31 = tpu.memref_slice %arg7[%add3A_30, %dma_wait3A] : memref<80x128xi32, #tpu.memory_space<vmem>> -> memref<1x128xi32, #tpu.memory_space<vmem>>
      %dma_wait3A_32 = tpu.memref_squeeze %dma_wait3A_31 : memref<1x128xi32, #tpu.memory_space<vmem>> -> memref<128xi32, #tpu.memory_space<vmem>>
      %dma_wait3A_33 = arith.constant 0 : i32
      %dma_wait3A_34 = arith.constant 0 : i32
      %dma_wait3A_35 = tpu.memref_slice %arg11[%dma_wait3A_33, %dma_wait3A_34] : memref<10240x16xf32, #tpu.memory_space<vmem_shared>> -> memref<10240x16xf32, #tpu.memory_space<vmem_shared>>
      tpu.wait_indirect_dma semaphore(%arg13 : memref<!tpu.dma_semaphore, #tpu.memory_space<semaphore_mem>>) src(%dma_wait3A_35 : memref<10240x16xf32, #tpu.memory_space<vmem_shared>>) dst(%arg9 : memref<128x16xf32, #tpu.memory_space<vmem>>)
      %dma_start3A_36 = arith.constant 0 : i32
      %dma_start3A_37 = tpu.memref_slice %arg8[%add3A_30, %dma_start3A_36] : memref<80x128xi32, #tpu.memory_space<vmem>> -> memref<1x128xi32, #tpu.memory_space<vmem>>
      %dma_start3A_38 = tpu.memref_squeeze %dma_start3A_37 : memref<1x128xi32, #tpu.memory_space<vmem>> -> memref<128xi32, #tpu.memory_space<vmem>>
      %dma_start3A_39 = arith.constant 0 : i32
      %dma_start3A_40 = arith.constant 0 : i32
      %dma_start3A_41 = tpu.memref_slice %arg12[%dma_start3A_39, %dma_start3A_40] : memref<10240x16xf32, #tpu.memory_space<vmem_shared>> -> memref<10240x16xf32, #tpu.memory_space<vmem_shared>>
      tpu.enqueue_indirect_dma source(%arg9 : memref<128x16xf32, #tpu.memory_space<vmem>>) target(%dma_start3A_41 : memref<10240x16xf32, #tpu.memory_space<vmem_shared>>) offsets(%dma_start3A_38 : memref<128xi32, #tpu.memory_space<vmem>>) semaphore(%arg15 : memref<!tpu.dma_semaphore, #tpu.memory_space<semaphore_mem>>) {add = true}
      %add3A_42 = arith.constant 1 : i32
      %add3A_43 = arith.addi %mul3A_28, %add3A_42 : i32
      %dma_wait3A_44 = arith.constant 0 : i32
      %dma_wait3A_45 = tpu.memref_slice %arg7[%add3A_43, %dma_wait3A_44] : memref<80x128xi32, #tpu.memory_space<vmem>> -> memref<1x128xi32, #tpu.memory_space<vmem>>
      %dma_wait3A_46 = tpu.memref_squeeze %dma_wait3A_45 : memref<1x128xi32, #tpu.memory_space<vmem>> -> memref<128xi32, #tpu.memory_space<vmem>>
      %dma_wait3A_47 = arith.constant 0 : i32
      %dma_wait3A_48 = arith.constant 0 : i32
      %dma_wait3A_49 = tpu.memref_slice %arg11[%dma_wait3A_47, %dma_wait3A_48] : memref<10240x16xf32, #tpu.memory_space<vmem_shared>> -> memref<10240x16xf32, #tpu.memory_space<vmem_shared>>
      tpu.wait_indirect_dma semaphore(%arg14 : memref<!tpu.dma_semaphore, #tpu.memory_space<semaphore_mem>>) src(%dma_wait3A_49 : memref<10240x16xf32, #tpu.memory_space<vmem_shared>>) dst(%arg10 : memref<128x16xf32, #tpu.memory_space<vmem>>)
      %dma_start3A_50 = arith.constant 0 : i32
      %dma_start3A_51 = tpu.memref_slice %arg8[%add3A_43, %dma_start3A_50] : memref<80x128xi32, #tpu.memory_space<vmem>> -> memref<1x128xi32, #tpu.memory_space<vmem>>
      %dma_start3A_52 = tpu.memref_squeeze %dma_start3A_51 : memref<1x128xi32, #tpu.memory_space<vmem>> -> memref<128xi32, #tpu.memory_space<vmem>>
      %dma_start3A_53 = arith.constant 0 : i32
      %dma_start3A_54 = arith.constant 0 : i32
      %dma_start3A_55 = tpu.memref_slice %arg12[%dma_start3A_53, %dma_start3A_54] : memref<10240x16xf32, #tpu.memory_space<vmem_shared>> -> memref<10240x16xf32, #tpu.memory_space<vmem_shared>>
      tpu.enqueue_indirect_dma source(%arg10 : memref<128x16xf32, #tpu.memory_space<vmem>>) target(%dma_start3A_55 : memref<10240x16xf32, #tpu.memory_space<vmem_shared>>) offsets(%dma_start3A_52 : memref<128xi32, #tpu.memory_space<vmem>>) semaphore(%arg16 : memref<!tpu.dma_semaphore, #tpu.memory_space<semaphore_mem>>) {add = true}
      %add3A_56 = arith.constant 0 : i32
      %add3A_57 = arith.addi %mul3A_28, %add3A_56 : i32
      %dma_wait3A_58 = arith.constant 0 : i32
      %dma_wait3A_59 = tpu.memref_slice %arg8[%add3A_57, %dma_wait3A_58] : memref<80x128xi32, #tpu.memory_space<vmem>> -> memref<1x128xi32, #tpu.memory_space<vmem>>
      %dma_wait3A_60 = tpu.memref_squeeze %dma_wait3A_59 : memref<1x128xi32, #tpu.memory_space<vmem>> -> memref<128xi32, #tpu.memory_space<vmem>>
      %dma_wait3A_61 = arith.constant 0 : i32
      %dma_wait3A_62 = arith.constant 0 : i32
      %dma_wait3A_63 = tpu.memref_slice %arg12[%dma_wait3A_61, %dma_wait3A_62] : memref<10240x16xf32, #tpu.memory_space<vmem_shared>> -> memref<10240x16xf32, #tpu.memory_space<vmem_shared>>
      tpu.wait_indirect_dma semaphore(%arg15 : memref<!tpu.dma_semaphore, #tpu.memory_space<semaphore_mem>>) src(%arg9 : memref<128x16xf32, #tpu.memory_space<vmem>>) dst(%dma_wait3A_63 : memref<10240x16xf32, #tpu.memory_space<vmem_shared>>)
      %add3A_64 = arith.constant 2 : i32
      %add3A_65 = arith.addi %add3A_57, %add3A_64 : i32
      %lt3A = arith.constant 80 : i32
      %lt3A_66 = arith.cmpi slt, %add3A_65, %lt3A : i32
      %convert_element_type3A = arith.extui %lt3A_66 : i1 to i32
      %cond3A = arith.constant 0 : i32
      %cond3A_67 = arith.cmpi ne, %convert_element_type3A, %cond3A : i32
      scf.if %cond3A_67 {
        %add3A_83 = arith.constant 2 : i32
        %add3A_84 = arith.addi %add3A_57, %add3A_83 : i32
        %dma_start3A_85 = arith.constant 0 : i32
        %dma_start3A_86 = tpu.memref_slice %arg7[%add3A_84, %dma_start3A_85] : memref<80x128xi32, #tpu.memory_space<vmem>> -> memref<1x128xi32, #tpu.memory_space<vmem>>
        %dma_start3A_87 = tpu.memref_squeeze %dma_start3A_86 : memref<1x128xi32, #tpu.memory_space<vmem>> -> memref<128xi32, #tpu.memory_space<vmem>>
        %dma_start3A_88 = arith.constant 0 : i32
        %dma_start3A_89 = arith.constant 0 : i32
        %dma_start3A_90 = tpu.memref_slice %arg11[%dma_start3A_88, %dma_start3A_89] : memref<10240x16xf32, #tpu.memory_space<vmem_shared>> -> memref<10240x16xf32, #tpu.memory_space<vmem_shared>>
        tpu.enqueue_indirect_dma source(%dma_start3A_90 : memref<10240x16xf32, #tpu.memory_space<vmem_shared>>) target(%arg9 : memref<128x16xf32, #tpu.memory_space<vmem>>) offsets(%dma_start3A_87 : memref<128xi32, #tpu.memory_space<vmem>>) semaphore(%arg13 : memref<!tpu.dma_semaphore, #tpu.memory_space<semaphore_mem>>)
      } else {
      }
      %add3A_68 = arith.constant 1 : i32
      %add3A_69 = arith.addi %mul3A_28, %add3A_68 : i32
      %dma_wait3A_70 = arith.constant 0 : i32
      %dma_wait3A_71 = tpu.memref_slice %arg8[%add3A_69, %dma_wait3A_70] : memref<80x128xi32, #tpu.memory_space<vmem>> -> memref<1x128xi32, #tpu.memory_space<vmem>>
      %dma_wait3A_72 = tpu.memref_squeeze %dma_wait3A_71 : memref<1x128xi32, #tpu.memory_space<vmem>> -> memref<128xi32, #tpu.memory_space<vmem>>
      %dma_wait3A_73 = arith.constant 0 : i32
      %dma_wait3A_74 = arith.constant 0 : i32
      %dma_wait3A_75 = tpu.memref_slice %arg12[%dma_wait3A_73, %dma_wait3A_74] : memref<10240x16xf32, #tpu.memory_space<vmem_shared>> -> memref<10240x16xf32, #tpu.memory_space<vmem_shared>>
      tpu.wait_indirect_dma semaphore(%arg16 : memref<!tpu.dma_semaphore, #tpu.memory_space<semaphore_mem>>) src(%arg10 : memref<128x16xf32, #tpu.memory_space<vmem>>) dst(%dma_wait3A_75 : memref<10240x16xf32, #tpu.memory_space<vmem_shared>>)
      %add3A_76 = arith.constant 2 : i32
      %add3A_77 = arith.addi %add3A_69, %add3A_76 : i32
      %lt3A_78 = arith.constant 80 : i32
      %lt3A_79 = arith.cmpi slt, %add3A_77, %lt3A_78 : i32
      %convert_element_type3A_80 = arith.extui %lt3A_79 : i1 to i32
      %cond3A_81 = arith.constant 0 : i32
      %cond3A_82 = arith.cmpi ne, %convert_element_type3A_80, %cond3A_81 : i32
      scf.if %cond3A_82 {
        %add3A_83 = arith.constant 2 : i32
        %add3A_84 = arith.addi %add3A_69, %add3A_83 : i32
        %dma_start3A_85 = arith.constant 0 : i32
        %dma_start3A_86 = tpu.memref_slice %arg7[%add3A_84, %dma_start3A_85] : memref<80x128xi32, #tpu.memory_space<vmem>> -> memref<1x128xi32, #tpu.memory_space<vmem>>
        %dma_start3A_87 = tpu.memref_squeeze %dma_start3A_86 : memref<1x128xi32, #tpu.memory_space<vmem>> -> memref<128xi32, #tpu.memory_space<vmem>>
        %dma_start3A_88 = arith.constant 0 : i32
        %dma_start3A_89 = arith.constant 0 : i32
        %dma_start3A_90 = tpu.memref_slice %arg11[%dma_start3A_88, %dma_start3A_89] : memref<10240x16xf32, #tpu.memory_space<vmem_shared>> -> memref<10240x16xf32, #tpu.memory_space<vmem_shared>>
        tpu.enqueue_indirect_dma source(%dma_start3A_90 : memref<10240x16xf32, #tpu.memory_space<vmem_shared>>) target(%arg10 : memref<128x16xf32, #tpu.memory_space<vmem>>) offsets(%dma_start3A_87 : memref<128xi32, #tpu.memory_space<vmem>>) semaphore(%arg14 : memref<!tpu.dma_semaphore, #tpu.memory_space<semaphore_mem>>)
      } else {
      }
    }
    %scan3A_24 = arith.constant 40 : i32
    %barrier3A_25 = arith.constant 0 : index
    tpu.barrier barrier_id(%barrier3A_25)
    "tpu.region"() ({
      %run_scoped3A = tpu.sem_alloc : memref<!tpu.dma_semaphore, #tpu.memory_space<semaphore_mem>>
      %dma_start3A_26 = arith.constant 0 : i32
      %dma_start3A_27 = tpu.memref_slice %arg6[%arg0, %multiple_of3A, %dma_start3A_26] : memref<2x10240x16xf32, #tpu.memory_space<hbm>> -> memref<1x640x16xf32, #tpu.memory_space<hbm>>
      %dma_start3A_28 = tpu.memref_squeeze %dma_start3A_27 : memref<1x640x16xf32, #tpu.memory_space<hbm>> -> memref<640x16xf32, #tpu.memory_space<hbm>>
      %dma_start3A_29 = arith.constant 0 : i32
      %dma_start3A_30 = tpu.memref_slice %arg12[%multiple_of3A, %dma_start3A_29] : memref<10240x16xf32, #tpu.memory_space<vmem_shared>> -> memref<640x16xf32, #tpu.memory_space<vmem_shared>>
      tpu.enqueue_dma source(%dma_start3A_30 : memref<640x16xf32, #tpu.memory_space<vmem_shared>>) target(%dma_start3A_28 : memref<640x16xf32, #tpu.memory_space<hbm>>) target_semaphore(%run_scoped3A : memref<!tpu.dma_semaphore, #tpu.memory_space<semaphore_mem>>)
      %dma_wait3A = arith.constant 0 : i32
      %dma_wait3A_31 = tpu.memref_slice %arg6[%arg0, %multiple_of3A, %dma_wait3A] : memref<2x10240x16xf32, #tpu.memory_space<hbm>> -> memref<1x640x16xf32, #tpu.memory_space<hbm>>
      %dma_wait3A_32 = tpu.memref_squeeze %dma_wait3A_31 : memref<1x640x16xf32, #tpu.memory_space<hbm>> -> memref<640x16xf32, #tpu.memory_space<hbm>>
      %dma_wait3A_33 = arith.constant 0 : i32
      %dma_wait3A_34 = tpu.memref_slice %arg12[%multiple_of3A, %dma_wait3A_33] : memref<10240x16xf32, #tpu.memory_space<vmem_shared>> -> memref<640x16xf32, #tpu.memory_space<vmem_shared>>
      tpu.wait_dma2 semaphore(%run_scoped3A : memref<!tpu.dma_semaphore, #tpu.memory_space<semaphore_mem>>) src(%dma_wait3A_34 : memref<640x16xf32, #tpu.memory_space<vmem_shared>>) dst(%dma_wait3A_32 : memref<640x16xf32, #tpu.memory_space<hbm>>)
      tpu.yield
    }) : () -> ()
    return
  }
}

module attributes {stable_mosaic.version = 14 : i64} {
  func.func @_mm1_body(%arg0: i32, %arg1: memref<640x128xf32, #tpu.memory_space<vmem>>, %arg2: memref<128x128xf32, #tpu.memory_space<vmem>>, %arg3: memref<2x640x16xf32, #tpu.memory_space<vmem>>, %arg4: memref<640x128xf32, #tpu.memory_space<vmem>>, %arg5: memref<640x16xf32, #tpu.memory_space<vmem>>) attributes {dimension_semantics = [#tpu.dimension_semantics<arbitrary>], iteration_bounds = array<i64: 16>, scalar_prefetch = 0 : i64, scratch_operands = 0 : i64, tpu.core_type = #tpu.core_type<tc>, window_params = [{transform_indices = @transform_0, window_bounds = array<i64: 640, 128>}, {pipeline_mode = #tpu.pipeline_mode<synchronous>, transform_indices = @transform_1, window_bounds = array<i64: 128, 128>}, {transform_indices = @transform_2, window_bounds = array<i64: 2, 640, 16>}, {transform_indices = @transform_3, window_bounds = array<i64: 640, 128>}, {transform_indices = @transform_4, window_bounds = array<i64: 640, 16>}]} {
    %get3A = arith.constant 0 : index
    %get3A_0 = arith.constant 0 : index
    %get3A_1 = arith.constant 0 : index
    %get3A_2 = vector.load %arg3[%get3A, %get3A_0, %get3A_1] : memref<2x640x16xf32, #tpu.memory_space<vmem>>, vector<1x640x16xf32>
    %get3A_3 = vector.shape_cast %get3A_2 : vector<1x640x16xf32> to vector<640x16xf32>
    %get3A_4 = arith.constant 1 : index
    %get3A_5 = arith.constant 0 : index
    %get3A_6 = arith.constant 0 : index
    %get3A_7 = vector.load %arg3[%get3A_4, %get3A_5, %get3A_6] : memref<2x640x16xf32, #tpu.memory_space<vmem>>, vector<1x640x16xf32>
    %get3A_8 = vector.shape_cast %get3A_7 : vector<1x640x16xf32> to vector<640x16xf32>
    %add3A = arith.addf %get3A_3, %get3A_8 : vector<640x16xf32>
    %add3A_9 = arith.constant 1.000000e+00 : f32
    %add3A_10 = vector.broadcast %add3A_9 : f32 to vector<640x16xf32>
    %add3A_11 = arith.addf %add3A, %add3A_10 : vector<640x16xf32>
    %max3A = arith.constant 1.000000e+00 : f32
    %max3A_12 = vector.broadcast %max3A : f32 to vector<640x16xf32>
    %max3A_13 = arith.maximumf %add3A_11, %max3A_12 : vector<640x16xf32>
    %rsqrt3A = math.rsqrt %max3A_13 : vector<640x16xf32>
    %get3A_14 = arith.constant 0 : index
    %get3A_15 = arith.constant 0 : index
    %get3A_16 = vector.load %arg1[%get3A_14, %get3A_15] : memref<640x128xf32, #tpu.memory_space<vmem>>, vector<640x128xf32>
    %get3A_17 = arith.constant 0 : index
    %get3A_18 = arith.constant 0 : index
    %get3A_19 = vector.load %arg2[%get3A_17, %get3A_18] : memref<128x128xf32, #tpu.memory_space<vmem>>, vector<128x128xf32>
    %dot_general3A = arith.constant dense<0.000000e+00> : vector<640x128xf32>
    %dot_general3A_20 = tpu.matmul %get3A_16, %get3A_19, %dot_general3A {dimension_numbers = #tpu.dot_dimension_numbers<[1], [0], [0], [1], [0, 0, 1, 1], [], []>, transpose_lhs_hint = false} : vector<640x128xf32>, vector<128x128xf32>, vector<640x128xf32> -> vector<640x128xf32>
    %slice3A = vector.extract_strided_slice %rsqrt3A {offsets = [0, 0], sizes = [640, 1], strides = [1, 1]} : vector<640x16xf32> to vector<640x1xf32>
    %mul3A = vector.broadcast %slice3A : vector<640x1xf32> to vector<640x128xf32>
    %mul3A_21 = arith.mulf %dot_general3A_20, %mul3A : vector<640x128xf32>
    %swap3A = arith.constant 0 : index
    %swap3A_22 = arith.constant 0 : index
    %swap3A_23 = vector.load %arg4[%swap3A, %swap3A_22] : memref<640x128xf32, #tpu.memory_space<vmem>>, vector<640x128xf32>
    tpu.vector_store %arg4[%swap3A, %swap3A_22], %mul3A_21 {strides = array<i32>} : memref<640x128xf32, #tpu.memory_space<vmem>>, vector<640x128xf32>,
    %swap3A_24 = arith.constant 0 : index
    %swap3A_25 = arith.constant 0 : index
    %swap3A_26 = vector.load %arg5[%swap3A_24, %swap3A_25] : memref<640x16xf32, #tpu.memory_space<vmem>>, vector<640x16xf32>
    tpu.vector_store %arg5[%swap3A_24, %swap3A_25], %rsqrt3A {strides = array<i32>} : memref<640x16xf32, #tpu.memory_space<vmem>>, vector<640x16xf32>,
    return
  }
  func.func @transform_0(%arg0: i32) -> (i32, i32) {
    %c0_i32 = arith.constant 0 : i32
    %c0_i32_0 = arith.constant 0 : i32
    return %arg0, %c0_i32 : i32, i32
  }
  func.func @transform_1(%arg0: i32) -> (i32, i32) {
    %c0_i32 = arith.constant 0 : i32
    %c0_i32_0 = arith.constant 0 : i32
    %c0_i32_1 = arith.constant 0 : i32
    return %c0_i32, %c0_i32_0 : i32, i32
  }
  func.func @transform_2(%arg0: i32) -> (i32, i32, i32) {
    %c0_i32 = arith.constant 0 : i32
    %c0_i32_0 = arith.constant 0 : i32
    %c0_i32_1 = arith.constant 0 : i32
    return %c0_i32, %arg0, %c0_i32_0 : i32, i32, i32
  }
  func.func @transform_3(%arg0: i32) -> (i32, i32) {
    %c0_i32 = arith.constant 0 : i32
    %c0_i32_0 = arith.constant 0 : i32
    return %arg0, %c0_i32 : i32, i32
  }
  func.func @transform_4(%arg0: i32) -> (i32, i32) {
    %c0_i32 = arith.constant 0 : i32
    %c0_i32_0 = arith.constant 0 : i32
    return %arg0, %c0_i32 : i32, i32
  }
}

module attributes {stable_mosaic.version = 14 : i64} {
  func.func @_mid_body(%arg0: i32, %arg1: memref<2x640x64xf32, #tpu.memory_space<vmem>>, %arg2: memref<640x128xf32, #tpu.memory_space<vmem>>, %arg3: memref<640x16xf32, #tpu.memory_space<vmem>>, %arg4: memref<1x128xf32, #tpu.memory_space<vmem>>, %arg5: memref<128x16xf32, #tpu.memory_space<vmem>>, %arg6: memref<640x16xf32, #tpu.memory_space<vmem>>) attributes {dimension_semantics = [#tpu.dimension_semantics<arbitrary>], iteration_bounds = array<i64: 16>, scalar_prefetch = 0 : i64, scratch_operands = 0 : i64, tpu.core_type = #tpu.core_type<tc>, window_params = [{transform_indices = @transform_0, window_bounds = array<i64: 2, 640, 64>}, {transform_indices = @transform_1, window_bounds = array<i64: 640, 128>}, {transform_indices = @transform_2, window_bounds = array<i64: 640, 16>}, {pipeline_mode = #tpu.pipeline_mode<synchronous>, transform_indices = @transform_3, window_bounds = array<i64: 1, 128>}, {pipeline_mode = #tpu.pipeline_mode<synchronous>, transform_indices = @transform_4, window_bounds = array<i64: 128, 16>}, {transform_indices = @transform_5, window_bounds = array<i64: 640, 16>}]} {
    %get3A = arith.constant 0 : index
    %get3A_0 = arith.constant 0 : index
    %get3A_1 = vector.load %arg3[%get3A, %get3A_0] : memref<640x16xf32, #tpu.memory_space<vmem>>, vector<640x16xf32>
    %slice3A = vector.extract_strided_slice %get3A_1 {offsets = [0, 0], sizes = [640, 1], strides = [1, 1]} : vector<640x16xf32> to vector<640x1xf32>
    %get3A_2 = arith.constant 0 : index
    %get3A_3 = arith.constant 0 : index
    %get3A_4 = arith.constant 0 : index
    %get3A_5 = vector.load %arg1[%get3A_2, %get3A_3, %get3A_4] : memref<2x640x64xf32, #tpu.memory_space<vmem>>, vector<1x640x64xf32>
    %get3A_6 = vector.shape_cast %get3A_5 : vector<1x640x64xf32> to vector<640x64xf32>
    %get3A_7 = arith.constant 1 : index
    %get3A_8 = arith.constant 0 : index
    %get3A_9 = arith.constant 0 : index
    %get3A_10 = vector.load %arg1[%get3A_7, %get3A_8, %get3A_9] : memref<2x640x64xf32, #tpu.memory_space<vmem>>, vector<1x640x64xf32>
    %get3A_11 = vector.shape_cast %get3A_10 : vector<1x640x64xf32> to vector<640x64xf32>
    %concatenate3A = tpu.concatenate %get3A_6, %get3A_11 in 1 : vector<640x64xf32>, vector<640x64xf32> -> vector<640x128xf32>
    %get3A_12 = arith.constant 0 : index
    %get3A_13 = arith.constant 0 : index
    %get3A_14 = vector.load %arg2[%get3A_12, %get3A_13] : memref<640x128xf32, #tpu.memory_space<vmem>>, vector<640x128xf32>
    %add3A = arith.addf %concatenate3A, %get3A_14 : vector<640x128xf32>
    %mul3A = vector.broadcast %slice3A : vector<640x1xf32> to vector<640x128xf32>
    %mul3A_15 = arith.mulf %add3A, %mul3A : vector<640x128xf32>
    %get3A_16 = arith.constant 0 : index
    %get3A_17 = arith.constant 0 : index
    %get3A_18 = vector.load %arg4[%get3A_16, %get3A_17] : memref<1x128xf32, #tpu.memory_space<vmem>>, vector<1x128xf32>
    %add3A_19 = vector.broadcast %get3A_18 : vector<1x128xf32> to vector<640x128xf32>
    %add3A_20 = arith.addf %mul3A_15, %add3A_19 : vector<640x128xf32>
    %max3A = arith.constant 0.000000e+00 : f32
    %max3A_21 = vector.broadcast %max3A : f32 to vector<640x128xf32>
    %max3A_22 = arith.maximumf %add3A_20, %max3A_21 : vector<640x128xf32>
    %get3A_23 = arith.constant 0 : index
    %get3A_24 = arith.constant 0 : index
    %get3A_25 = vector.load %arg5[%get3A_23, %get3A_24] : memref<128x16xf32, #tpu.memory_space<vmem>>, vector<128x16xf32>
    %dot_general3A = arith.constant dense<0.000000e+00> : vector<640x16xf32>
    %dot_general3A_26 = tpu.matmul %max3A_22, %get3A_25, %dot_general3A {dimension_numbers = #tpu.dot_dimension_numbers<[1], [0], [0], [1], [0, 0, 1, 1], [], []>, transpose_lhs_hint = false} : vector<640x128xf32>, vector<128x16xf32>, vector<640x16xf32> -> vector<640x16xf32>
    %mul3A_27 = vector.broadcast %slice3A : vector<640x1xf32> to vector<640x16xf32>
    %mul3A_28 = arith.mulf %dot_general3A_26, %mul3A_27 : vector<640x16xf32>
    %swap3A = arith.constant 0 : index
    %swap3A_29 = arith.constant 0 : index
    %swap3A_30 = vector.load %arg6[%swap3A, %swap3A_29] : memref<640x16xf32, #tpu.memory_space<vmem>>, vector<640x16xf32>
    tpu.vector_store %arg6[%swap3A, %swap3A_29], %mul3A_28 {strides = array<i32>} : memref<640x16xf32, #tpu.memory_space<vmem>>, vector<640x16xf32>,
    return
  }
  func.func @transform_0(%arg0: i32) -> (i32, i32, i32) {
    %c0_i32 = arith.constant 0 : i32
    %c0_i32_0 = arith.constant 0 : i32
    %c0_i32_1 = arith.constant 0 : i32
    return %c0_i32, %arg0, %c0_i32_0 : i32, i32, i32
  }
  func.func @transform_1(%arg0: i32) -> (i32, i32) {
    %c0_i32 = arith.constant 0 : i32
    %c0_i32_0 = arith.constant 0 : i32
    return %arg0, %c0_i32 : i32, i32
  }
  func.func @transform_2(%arg0: i32) -> (i32, i32) {
    %c0_i32 = arith.constant 0 : i32
    %c0_i32_0 = arith.constant 0 : i32
    return %arg0, %c0_i32 : i32, i32
  }
  func.func @transform_3(%arg0: i32) -> (i32, i32) {
    %c0_i32 = arith.constant 0 : i32
    %c0_i32_0 = arith.constant 0 : i32
    %c0_i32_1 = arith.constant 0 : i32
    return %c0_i32, %c0_i32_0 : i32, i32
  }
  func.func @transform_4(%arg0: i32) -> (i32, i32) {
    %c0_i32 = arith.constant 0 : i32
    %c0_i32_0 = arith.constant 0 : i32
    %c0_i32_1 = arith.constant 0 : i32
    return %c0_i32, %c0_i32_0 : i32, i32
  }
  func.func @transform_5(%arg0: i32) -> (i32, i32) {
    %c0_i32 = arith.constant 0 : i32
    %c0_i32_0 = arith.constant 0 : i32
    return %arg0, %c0_i32 : i32, i32
  }
}

module attributes {stable_mosaic.version = 14 : i64} {
  func.func @_pack_body(%arg0: i32, %arg1: memref<2x640x16xf32, #tpu.memory_space<vmem>>, %arg2: memref<640x16xf32, #tpu.memory_space<vmem>>, %arg3: memref<640x16xf32, #tpu.memory_space<vmem>>, %arg4: memref<1x16xf32, #tpu.memory_space<vmem>>, %arg5: memref<640x1xi32, #tpu.memory_space<vmem>>, %arg6: memref<640x32xf32, #tpu.memory_space<vmem>>) attributes {dimension_semantics = [#tpu.dimension_semantics<arbitrary>], iteration_bounds = array<i64: 16>, scalar_prefetch = 0 : i64, scratch_operands = 0 : i64, tpu.core_type = #tpu.core_type<tc>, window_params = [{transform_indices = @transform_0, window_bounds = array<i64: 2, 640, 16>}, {transform_indices = @transform_1, window_bounds = array<i64: 640, 16>}, {transform_indices = @transform_2, window_bounds = array<i64: 640, 16>}, {pipeline_mode = #tpu.pipeline_mode<synchronous>, transform_indices = @transform_3, window_bounds = array<i64: 1, 16>}, {transform_indices = @transform_4, window_bounds = array<i64: 640, 1>}, {transform_indices = @transform_5, window_bounds = array<i64: 640, 32>}]} {
    %get3A = arith.constant 0 : index
    %get3A_0 = arith.constant 0 : index
    %get3A_1 = vector.load %arg3[%get3A, %get3A_0] : memref<640x16xf32, #tpu.memory_space<vmem>>, vector<640x16xf32>
    %slice3A = vector.extract_strided_slice %get3A_1 {offsets = [0, 0], sizes = [640, 1], strides = [1, 1]} : vector<640x16xf32> to vector<640x1xf32>
    %get3A_2 = arith.constant 0 : index
    %get3A_3 = arith.constant 0 : index
    %get3A_4 = arith.constant 0 : index
    %get3A_5 = vector.load %arg1[%get3A_2, %get3A_3, %get3A_4] : memref<2x640x16xf32, #tpu.memory_space<vmem>>, vector<1x640x16xf32>
    %get3A_6 = vector.shape_cast %get3A_5 : vector<1x640x16xf32> to vector<640x16xf32>
    %get3A_7 = arith.constant 1 : index
    %get3A_8 = arith.constant 0 : index
    %get3A_9 = arith.constant 0 : index
    %get3A_10 = vector.load %arg1[%get3A_7, %get3A_8, %get3A_9] : memref<2x640x16xf32, #tpu.memory_space<vmem>>, vector<1x640x16xf32>
    %get3A_11 = vector.shape_cast %get3A_10 : vector<1x640x16xf32> to vector<640x16xf32>
    %add3A = arith.addf %get3A_6, %get3A_11 : vector<640x16xf32>
    %get3A_12 = arith.constant 0 : index
    %get3A_13 = arith.constant 0 : index
    %get3A_14 = vector.load %arg2[%get3A_12, %get3A_13] : memref<640x16xf32, #tpu.memory_space<vmem>>, vector<640x16xf32>
    %add3A_15 = arith.addf %add3A, %get3A_14 : vector<640x16xf32>
    %mul3A = vector.broadcast %slice3A : vector<640x1xf32> to vector<640x16xf32>
    %mul3A_16 = arith.mulf %add3A_15, %mul3A : vector<640x16xf32>
    %get3A_17 = arith.constant 0 : index
    %get3A_18 = arith.constant 0 : index
    %get3A_19 = vector.load %arg4[%get3A_17, %get3A_18] : memref<1x16xf32, #tpu.memory_space<vmem>>, vector<1x16xf32>
    %add3A_20 = vector.broadcast %get3A_19 : vector<1x16xf32> to vector<640x16xf32>
    %add3A_21 = arith.addf %mul3A_16, %add3A_20 : vector<640x16xf32>
    %get3A_22 = arith.constant 0 : index
    %get3A_23 = arith.constant 0 : index
    %get3A_24 = vector.load %arg5[%get3A_22, %get3A_23] : memref<640x1xi32, #tpu.memory_space<vmem>>, vector<640x1xi32>
    %broadcast_in_dim3A = vector.shape_cast %get3A_24 : vector<640x1xi32> to vector<640x1xi32>
    %broadcast_in_dim3A_25 = vector.broadcast %broadcast_in_dim3A : vector<640x1xi32> to vector<640x16xi32>
    %bitcast_convert_type3A = tpu.bitcast %broadcast_in_dim3A_25 : vector<640x16xi32> -> vector<640x16xf32>
    %concatenate3A = tpu.concatenate %add3A_21, %bitcast_convert_type3A in 1 : vector<640x16xf32>, vector<640x16xf32> -> vector<640x32xf32>
    %swap3A = arith.constant 0 : index
    %swap3A_26 = arith.constant 0 : index
    %swap3A_27 = vector.load %arg6[%swap3A, %swap3A_26] : memref<640x32xf32, #tpu.memory_space<vmem>>, vector<640x32xf32>
    tpu.vector_store %arg6[%swap3A, %swap3A_26], %concatenate3A {strides = array<i32>} : memref<640x32xf32, #tpu.memory_space<vmem>>, vector<640x32xf32>,
    return
  }
  func.func @transform_0(%arg0: i32) -> (i32, i32, i32) {
    %c0_i32 = arith.constant 0 : i32
    %c0_i32_0 = arith.constant 0 : i32
    %c0_i32_1 = arith.constant 0 : i32
    return %c0_i32, %arg0, %c0_i32_0 : i32, i32, i32
  }
  func.func @transform_1(%arg0: i32) -> (i32, i32) {
    %c0_i32 = arith.constant 0 : i32
    %c0_i32_0 = arith.constant 0 : i32
    return %arg0, %c0_i32 : i32, i32
  }
  func.func @transform_2(%arg0: i32) -> (i32, i32) {
    %c0_i32 = arith.constant 0 : i32
    %c0_i32_0 = arith.constant 0 : i32
    return %arg0, %c0_i32 : i32, i32
  }
  func.func @transform_3(%arg0: i32) -> (i32, i32) {
    %c0_i32 = arith.constant 0 : i32
    %c0_i32_0 = arith.constant 0 : i32
    %c0_i32_1 = arith.constant 0 : i32
    return %c0_i32, %c0_i32_0 : i32, i32
  }
  func.func @transform_4(%arg0: i32) -> (i32, i32) {
    %c0_i32 = arith.constant 0 : i32
    %c0_i32_0 = arith.constant 0 : i32
    return %arg0, %c0_i32 : i32, i32
  }
  func.func @transform_5(%arg0: i32) -> (i32, i32) {
    %c0_i32 = arith.constant 0 : i32
    %c0_i32_0 = arith.constant 0 : i32
    return %arg0, %c0_i32 : i32, i32
  }
}

module attributes {stable_mosaic.version = 14 : i64} {
  func.func @_head_body(%arg0: i32, %arg1: memref<2048x32xf32, #tpu.memory_space<vmem>>, %arg2: memref<1x1xf32, #tpu.memory_space<vmem>>) attributes {dimension_semantics = [#tpu.dimension_semantics<arbitrary>], iteration_bounds = array<i64: 1>, scalar_prefetch = 0 : i64, scratch_operands = 0 : i64, tpu.core_type = #tpu.core_type<tc>, window_params = [{pipeline_mode = #tpu.pipeline_mode<synchronous>, transform_indices = @transform_0, window_bounds = array<i64: 2048, 32>}, {pipeline_mode = #tpu.pipeline_mode<synchronous>, transform_indices = @transform_1, window_bounds = array<i64: 1, 1>}]} {
    %get3A = arith.constant 0 : index
    %get3A_0 = arith.constant 0 : index
    %get3A_1 = vector.load %arg1[%get3A, %get3A_0] : memref<2048x32xf32, #tpu.memory_space<vmem>>, vector<2048x32xf32>
    %slice3A = vector.extract_strided_slice %get3A_1 {offsets = [0, 0], sizes = [2048, 16], strides = [1, 1]} : vector<2048x32xf32> to vector<2048x16xf32>
    %slice3A_2 = vector.extract_strided_slice %get3A_1 {offsets = [0, 16], sizes = [2048, 16], strides = [1, 1]} : vector<2048x32xf32> to vector<2048x16xf32>
    %bitcast_convert_type3A = tpu.bitcast %slice3A_2 : vector<2048x16xf32> -> vector<2048x16xi32>
    %iota3A = tpu.iota {dimensions = array<i32: 1>} : vector<2048x16xi32>
    %eq3A = arith.cmpi eq, %iota3A, %bitcast_convert_type3A : vector<2048x16xi32>
    %jit3A = arith.constant 0.000000e+00 : f32
    %broadcast_in_dim3A = vector.broadcast %jit3A : f32 to vector<2048x16xf32>
    %select_n3A = arith.select %eq3A, %slice3A, %broadcast_in_dim3A : vector<2048x16xi1>, vector<2048x16xf32>
    %reduce_sum3A = arith.constant dense<0.000000e+00> : vector<2048xf32>
    %reduce_sum3A_3 = vector.multi_reduction <add>, %select_n3A, %reduce_sum3A [1] : vector<2048x16xf32> to vector<2048xf32>
    %broadcast_in_dim3A_4 = vector.shape_cast %reduce_sum3A_3 : vector<2048xf32> to vector<2048x1xf32>
    %reduce_max3A = arith.constant dense<0xFF800000> : vector<2048xf32>
    %reduce_max3A_5 = vector.multi_reduction <maximumf>, %slice3A, %reduce_max3A [1] : vector<2048x16xf32> to vector<2048xf32>
    %broadcast_in_dim3A_6 = vector.shape_cast %reduce_max3A_5 : vector<2048xf32> to vector<2048x1xf32>
    %sub3A = vector.broadcast %broadcast_in_dim3A_6 : vector<2048x1xf32> to vector<2048x16xf32>
    %sub3A_7 = arith.subf %slice3A, %sub3A : vector<2048x16xf32>
    %exp3A = math.exp %sub3A_7 : vector<2048x16xf32>
    %reduce_sum3A_8 = arith.constant dense<0.000000e+00> : vector<2048xf32>
    %reduce_sum3A_9 = vector.multi_reduction <add>, %exp3A, %reduce_sum3A_8 [1] : vector<2048x16xf32> to vector<2048xf32>
    %broadcast_in_dim3A_10 = vector.shape_cast %reduce_sum3A_9 : vector<2048xf32> to vector<2048x1xf32>
    %log3A = math.log %broadcast_in_dim3A_10 : vector<2048x1xf32>
    %add3A = arith.addf %log3A, %broadcast_in_dim3A_6 : vector<2048x1xf32>
    %iota3A_11 = tpu.iota {dimensions = array<i32: 0>} : vector<2048x1xi32>
    %lt3A = arith.constant 2000 : i32
    %lt3A_12 = vector.broadcast %lt3A : i32 to vector<2048x1xi32>
    %lt3A_13 = arith.cmpi slt, %iota3A_11, %lt3A_12 : vector<2048x1xi32>
    %jit3A_14 = arith.constant 1.000000e+00 : f32
    %jit3A_15 = arith.constant 0.000000e+00 : f32
    %broadcast_in_dim3A_16 = vector.broadcast %jit3A_14 : f32 to vector<2048x1xf32>
    %broadcast_in_dim3A_17 = vector.broadcast %jit3A_15 : f32 to vector<2048x1xf32>
    %select_n3A_18 = arith.select %lt3A_13, %broadcast_in_dim3A_16, %broadcast_in_dim3A_17 : vector<2048x1xi1>, vector<2048x1xf32>
    %sub3A_19 = arith.subf %add3A, %broadcast_in_dim3A_4 : vector<2048x1xf32>
    %mul3A = arith.mulf %sub3A_19, %select_n3A_18 : vector<2048x1xf32>
    %reduce_sum3A_20 = vector.shape_cast %mul3A : vector<2048x1xf32> to vector<1x2048x1xf32>
    %reduce_sum3A_21 = arith.constant dense<0.000000e+00> : vector<1xf32>
    %reduce_sum3A_22 = vector.multi_reduction <add>, %reduce_sum3A_20, %reduce_sum3A_21 [1, 2] : vector<1x2048x1xf32> to vector<1xf32>
    %reduce_sum3A_23 = vector.shape_cast %reduce_sum3A_22 : vector<1xf32> to vector<1x1x1xf32>
    %reduce_sum3A_24 = vector.extract %reduce_sum3A_23[0, 0, 0] : f32 from vector<1x1x1xf32>
    %div3A = arith.constant 2.000000e+03 : f32
    %div3A_25 = arith.divf %reduce_sum3A_24, %div3A : f32
    %reshape3A = vector.broadcast %div3A_25 : f32 to vector<1x1xf32>
    %swap3A = arith.constant 0 : index
    %swap3A_26 = arith.constant 0 : index
    %swap3A_27 = vector.load %arg2[%swap3A, %swap3A_26] : memref<1x1xf32, #tpu.memory_space<vmem>>, vector<1x1xf32>
    tpu.vector_store %arg2[%swap3A, %swap3A_26], %reshape3A {strides = array<i32>} : memref<1x1xf32, #tpu.memory_space<vmem>>, vector<1x1xf32>,
    return
  }
  func.func @transform_0(%arg0: i32) -> (i32, i32) {
    %c0_i32 = arith.constant 0 : i32
    %c0_i32_0 = arith.constant 0 : i32
    %c0_i32_1 = arith.constant 0 : i32
    return %c0_i32, %c0_i32_0 : i32, i32
  }
  func.func @transform_1(%arg0: i32) -> (i32, i32) {
    %c0_i32 = arith.constant 0 : i32
    %c0_i32_0 = arith.constant 0 : i32
    %c0_i32_1 = arith.constant 0 : i32
    return %c0_i32, %c0_i32_0 : i32, i32
  }
}

</mosaic_0001>

<sc_bundles>
// kernel: kernel.10.cloned.1.call-start
scs
__scs_entry_jumppad:
0x0: {  	(pc) =	sbr.rel $0x88, $3  }
0x1: {  	(tag) =	ssettag $0x0;
	lr =	simm.s32 $0x1  }
0x2: {  	[smem:$0x3F99] =	sst lr;
	_ =	strace $0xD0000000  }
0x3: {  	_ = 	snop  }
0x4: {  	_ = 	snop  }
0x5: {  	_ = 	snop  }
0x6: {  	_ = 	snop  }
0x7: {  	_ = 	snop  }
__scs_overlays_trampoline_lowered:
0x8: {  	[smem:$0x3FA8] =	sst s0  }
0x9: {  	[smem:$0x3FA9] =	sst s1  }
0xa: {  	[smem:$0x3FAA] =	sst s2  }
0xb: {  	[smem:$0x3FAB] =	sst s3  }
0xc: {  	[smem:$0x3FAC] =	sst s4  }
0xd: {  	[smem:$0x3FAD] =	sst s5  }
0xe: {  	[smem:$0x3FAE] =	sst s6  }
0xf: {  	[smem:$0x3FAF] =	sst s7  }
0x10: {  	[smem:$0x3FB0] =	sst s8  }
0x11: {  	[smem:$0x3FB1] =	sst s9;
	s0 =	simm.s32 @!p0 $0x0  }
0x12: {  	s1 =	sld [smem:$0x3F97];
	s0 =	simm.s32 @p0 $0x1  }
0x13: {  	[smem:$0x3FB2] =	sst s0;
	s0 =	simm.s32 @!p1 $0x0  }
0x14: {  	s2 =	sld [smem:$0x3F96];
	s0 =	simm.s32 @p1 $0x1  }
0x15: {  	[smem:$0x3FB3] =	sst s0;
	s0 =	simm.s32 @!p2 $0x0  }
0x16: {  	s3 =	sld [smem:$0x3FDB];
	s0 =	simm.s32 @p2 $0x1  }
0x17: {  	s4 =	simm.s32 $0x1BF5;
	[smem:$0x3FB5] =	sst s0  }
0x18: {  	s0 =	sld [smem:$0x3F98];
	_ =	swait.ge [sflag:s4], $0x0  }
0x19: {  	s7 =	sld [smem:$0x3F99]  }
0x1a: {  	s8 =	sadd.s32 $0xFFFFE003, lr  }
0x1b: {  	s9 =	sadd.s32 $0xFFFFFEF7, lr;
	s5 =	simm.s32 $0xFFFFFFFF;
	p2 =	slt.u32 s8, $0xFFFFF086  }
0x1c: {  	p1 =	slt.u32 s9, $0xF7A;
	s5 =	simm.s32 @!p2 $0x0  }
0x1d: {  	s5 =	simm.s32 @p1 $0x1;
	p0 =	seq.s32 s7, s2  }
0x1e: {  	s7 =	smul.u32 @!p0 $0xF7A, s2;
	p2 =	seq.s32 @!p0 s5, $0x0  }
0x1f: {  	s9 =	smul.u32 $0xF7A, s1;
	s8 =	simm.s32 @!p0 $0x1BF5;
	p2 =	por !p2, p0  }
0x20: {  	[sflag:s8] =	ssyncset.s32 @!p0 $0xFFFFF086;
	s6 =	sadd.s32 @!p0 s3, s7;
	s7 =	simm.s32 @!p0 $0x108  }
0x21: {  	s3 =	sadd.s32 s3, s9;
	s6 =	sadd.s32 @!p0 $0x88, s6;
	s7 =	simm.s32 @p2 $0x1082  }
0x22: {  	[simem:s7], [sflag:s8] =	dma.local @!p0 [hbm:s6], $0xF7A  }
0x23: {  	s9 =	sor.u32 $0xD0000000, s2;
	s6 =	simm.s32 $0x108;
	_ =	swait.ge @!p0 [sflag:s8], $0x0  }
0x24: {  	s3 =	sadd.s32 $0x88, s3;
	s6 =	simm.s32 @!p1 $0x1082;
	[sflag:s4] =	ssyncset.s32 $0xFFFFF086  }
0x25: {  	[simem:s6], [sflag:s4] =	dma.local [hbm:s3], $0xF7A  }
0x26: {  	[smem:$0x3F99] =	sst s1;
	(tag) =	ssettag s2;
	_ =	strace s9  }
0x27: {  	s1 =	sld [smem:$0x3FA9]  }
0x28: {  	s2 =	sld [smem:$0x3FAA]  }
0x29: {  	s4 =	sld [smem:$0x3FAC]  }
0x2a: {  	p0 =	seq.s32 s5, $0x0;
	s5 =	sld [smem:$0x3FAD]  }
0x2b: {  	s6 =	sld [smem:$0x3FAE]  }
0x2c: {  	s7 =	sld [smem:$0x3FAF]  }
0x2d: {  	s3 =	simm.s32 $0x108;
	s8 =	sld [smem:$0x3FB0]  }
0x2e: {  	s3 =	simm.s32 @!p0 $0x1082;
	s9 =	sld [smem:$0x3FB1]  }
0x2f: {  	lr =	sadd.s32 s0, s3;
	s0 =	sld [smem:$0x3FA8]  }
0x30: {  	s3 =	sld [smem:$0x3FAB]  }
0x31: {  	[smem:$0x3FB4] =	sst s10  }
0x32: {  	s10 =	sld [smem:$0x3FB2];
	_ =	sdelay $0x3  }
0x33: {  	p0 =	seq.s32 s10, $0x1;
	s10 =	sld [smem:$0x3FB4];
	_ =	sdelay $0x3  }
0x34: {  	[smem:$0x3FB4] =	sst s10  }
0x35: {  	s10 =	sld [smem:$0x3FB3];
	_ =	sdelay $0x3  }
0x36: {  	p1 =	seq.s32 s10, $0x1;
	s10 =	sld [smem:$0x3FB4];
	_ =	sdelay $0x3  }
0x37: {  	[smem:$0x3FB4] =	sst s10  }
0x38: {  	s10 =	sld [smem:$0x3FB5]  }
0x39: {  	_ = 	snop;
	(pc) =	sbr.ind lr, $3  }
0x3a: {  	_ = 	snop  }
0x3b: {  	_ = 	snop  }
0x3c: {  	p2 =	seq.s32 s10, $0x1;
	s10 =	sld [smem:$0x3FB4]  }
0x3d: {  	_ =	shalt  }
0x3e: {  	_ =	shalt  }
0x3f: {  	_ =	shalt  }
0x40: {  	_ =	shalt  }
0x41: {  	_ =	shalt  }
0x42: {  	_ =	shalt  }
0x43: {  	_ =	shalt  }
0x44: {  	_ =	shalt  }
0x45: {  	_ =	shalt  }
0x46: {  	_ =	shalt  }
0x47: {  	_ =	shalt  }
0x48: {  	_ =	shalt  }
0x49: {  	_ =	shalt  }
0x4a: {  	_ =	shalt  }
0x4b: {  	_ =	shalt  }
0x4c: {  	_ =	shalt  }
0x4d: {  	_ =	shalt  }
0x4e: {  	_ =	shalt  }
0x4f: {  	_ =	shalt  }
0x50: {  	_ =	shalt  }
0x51: {  	_ =	shalt  }
0x52: {  	_ =	shalt  }
0x53: {  	_ =	shalt  }
0x54: {  	_ =	shalt  }
0x55: {  	_ =	shalt  }
0x56: {  	_ =	shalt  }
0x57: {  	_ =	shalt  }
0x58: {  	_ =	shalt  }
0x59: {  	_ =	shalt  }
0x5a: {  	_ =	shalt  }
0x5b: {  	_ =	shalt  }
0x5c: {  	_ =	shalt  }
0x5d: {  	_ =	shalt  }
0x5e: {  	_ =	shalt  }
0x5f: {  	_ =	shalt  }
0x60: {  	_ =	shalt  }
0x61: {  	_ =	shalt  }
0x62: {  	_ =	shalt  }
0x63: {  	_ =	shalt  }
0x64: {  	_ =	shalt  }
0x65: {  	_ =	shalt  }
0x66: {  	_ =	shalt  }
0x67: {  	_ =	shalt  }
0x68: {  	_ =	shalt  }
0x69: {  	_ =	shalt  }
0x6a: {  	_ =	shalt  }
0x6b: {  	_ =	shalt  }
0x6c: {  	_ =	shalt  }
0x6d: {  	_ =	shalt  }
0x6e: {  	_ =	shalt  }
0x6f: {  	_ =	shalt  }
0x70: {  	_ =	shalt  }
0x71: {  	_ =	shalt  }
0x72: {  	_ =	shalt  }
0x73: {  	_ =	shalt  }
0x74: {  	_ =	shalt  }
0x75: {  	_ =	shalt  }
0x76: {  	_ =	shalt  }
0x77: {  	_ =	shalt  }
0x78: {  	_ =	shalt  }
0x79: {  	_ =	shalt  }
0x7a: {  	_ =	shalt  }
0x7b: {  	_ =	shalt  }
0x7c: {  	_ =	shalt  }
0x7d: {  	_ =	shalt  }
0x7e: {  	_ =	shalt  }
0x7f: {  	_ =	shalt  }
0x80: {  	_ =	shalt  }
0x81: {  	_ =	shalt  }
0x82: {  	_ =	shalt  }
0x83: {  	_ =	shalt  }
0x84: {  	_ =	shalt  }
0x85: {  	_ =	shalt  }
0x86: {  	_ =	shalt  }
0x87: {  	_ =	shalt  }
.Lfunc_end0:
.L_simem_size_0:
called_computation_lowered:
.L_overlay_start_0:
0x88: {  	s2 =	sld [smem:$0x3FD9]  }
0x89: {  	s3 =	sld [smem:$0x3FFE];
	_ =	sdelay $0x1  }
0x8a: {  	s1 =	srdreg.scid  }
0x8b: {  	s0 =	sand.u32 $0x1, s1  }
0x8c: {  	s14 =	sshll.u32 s0, $0xA;
	s2 =	sadd.s32 s3, s2  }
0x8d: {  	s2 =	sadd.s32 s2, s14  }
0x8e: {  	[smem:$0x3FC0] =	sst s2  }
0x8f: {  	_ = 	snop  }
0x90: {  	s2 =	sld [smem:$0x3FD0];
	_ =	sdelay $0x2  }
0x91: {  	s15 =	simm.s32 $0xA;
	s4 =	simm.s32 $0x10  }
0x92: {  	[smem:s4], [sflag:s15] =	dma.local [hbm:s2], $0x1  }
0x93: {  	_ =	swait.eq [sflag:s15], $0x1  }
0x94: {  	[sflag:s15] =	ssyncset.done $0x0  }
0x95: {  	[sflag:s15] =	ssyncadd.s32 $0xFFFFFFFF  }
0x96: {  	s16 =	sld [smem:$0x11];
	(tm) =	ssettm $0x1  }
0x97: {  	s17 =	sld [smem:$0x3FFB];
	_ =	sdelay $0x3  }
0x98: {  	_ =	strace s17  }
0x99: {  	s3 =	sld [smem:$0x3FFC];
	_ =	sdelay $0x3  }
0x9a: {  	_ =	strace s3  }
0x9b: {  	s3 =	sld [smem:$0x3FFD];
	_ =	sdelay $0x3  }
0x9c: {  	_ =	strace s3  }
0x9d: {  	_ =	strace $0x8FFFFFFF  }
0x9e: {  	s18 =	sld [smem:$0x3FDB];
	_ =	sdelay $0x1  }
0x9f: {  	s19 =	simm.s32 $_scs_section_size  }
0xa0: {  	s5 =	simm.s32 $_size__tile_overlayer_lowered;
	s6 =	simm.s32 $_tile_overlayer_lowered  }
0xa1: {  	s22 =	simm.s32 $0x1BFF;
	s21 =	sshll.u32 s6, $0x1;
	s3 =	sadd.s32 s19, s18  }
0xa2: {  	s7 =	simm.s32 $0x0;
	s20 =	sshll.u32 s5, $0x1;
	s5 =	sadd.s32 s21, s3  }
0xa3: {  	[timem:s7], [sflag:s22] =	dma.local [hbm:s5], s20  }
0xa4: {  	_ =	swait.ge [sflag:s22], s20  }
0xa5: {  	s4 =	ssub.s32 $0x0, s20;
	[sflag:s22] =	ssyncset.done $0x0  }
0xa6: {  	[sflag:s22] =	ssyncadd.s32 s4;
	_ =	sdelay $0x1  }
0xa7: {  	s23 =	simm.s32 $0x1B8B  }
0xa8: {  	_ =	swait.ge [sflag:s23], $0x1  }
0xa9: {  	[sflag:s23] =	ssyncset.done $0x0  }
0xaa: {  	s25 =	simm.s32 $0x1B8E;
	s24 =	sld [smem:$0x3FFE];
	[sflag:s23] =	ssyncadd.s32 $0xFFFFFFFF  }
0xab: {  	s26 =	simm.s32 $execute0_lowered;
	[smem:$0x3FD2] =	sst s25  }
0xac: {  	s5 =	sshll.u32 s26, $0x1;
	_ =	strace $0x80000046;
	[dreg:$0x1] =	wrdreg $0xFFFFFFFF  }
0xad: {  	s28 =	simm.s32 $_size_execute0_lowered;
	s3 =	sadd.s32 s3, s5;
	[dreg:$0x0] =	wrdreg $0x0  }
0xae: {  	s5 =	sshll.u32 s28, $0x1;
	[dreg:$0x2] =	wrdreg s3  }
0xaf: {  	[dreg:$0x3] =	wrdreg s5  }
0xb0: {  	[dreg:$0x4] =	wrdreg $0xC0  }
0xb1: {  	_ =	task [dreg:s7], $0x5FFFF  }
0xb2: {  	[dreg:$0x1] =	wrdreg $0xFFFFFFFF  }
0xb3: {  	[dreg:$0x0] =	wrdreg $0x60  }
0xb4: {  	[dreg:$0x2] =	wrdreg s24  }
0xb5: {  	[dreg:$0x3] =	wrdreg s16  }
0xb6: {  	[dreg:$0x4] =	wrdreg $0x30000  }
0xb7: {  	[dreg:$0x5] =	wrdreg $0x9  }
0xb8: {  	_ =	task.clear_ibuf [dreg:s7], $0x6FFFF;
	_ =	strace $0x90000046  }
0xb9: {  	s29 =	simm.s32 $0x9;
	_ =	strace $0x80000048  }
0xba: {  	_ =	swait.ge [sflag:s29], $0x1  }
0xbb: {  	[sflag:s29] =	ssyncadd.s32 $0xFFFFFFFF  }
0xbc: {  	_ =	strace $0x90000048  }
0xbd: {  	_ =	sfence  }
0xbe: {  	s30 =	sld [smem:$0x0];
	_ =	sdelay $0x2  }
0xbf: {  	s31 =	sshll.u32 s1, $0xD;
	s1 =	sshrl.u32 s1, $0x2  }
0xc0: {  	s3 =	sand.u32 $0x4000, s31;
	s1 =	sadd.s32 s1, s30  }
0xc1: {  	s0 =	sor.u32 s3, s0;
	s1 =	sshll.u32 s1, $0x11  }
0xc2: {  	s0 =	sor.u32 s1, s0  }
0xc3: {  	s0 =	sadd.s32 $0x8F2B, s0  }
0xc4: {  	[sflag:s0] =	ssyncadd.remote.s32 $0x1  }
0xc5: {  	_ =	sfence.sel $0xFFFF  }
0xc6: {  	[dreg:$0x0] =	wrdreg $0xFFFFFFFF;
	(pc) =	sbr.abs _section_cstart, $3  }
0xc7: {  	[dreg:$0x1] =	wrdreg $0xFFFFFFFF  }
0xc8: {  	_ =	task.clear_ibuf [dreg:s7], $0x2FFFF;
	_ =	strace $0x9FFFFFFF  }
0xc9: {  	(tm) =	ssettm $0x7FFFFFFF  }
tec
execute0_lowered:
.L_overlay_start_1:
0x0: {  	(tag) =	ssettag $0x1  }
0x1: {  	s6 =	rddreg [dreg:$0x0]  }
0x2: {  	s0 =	srdreg.scid;
	s2 =	rddreg [dreg:$0x1]  }
0x3: {  	s3 =	rddreg [dreg:$0x2];
	s4 =	simm.s32 $0x0;
	s12 =	simm.s32 $0x2800  }
0x4: {  	s13 =	simm.s32 $0x80;
	s14 =	simm.s32 $0x1;
	s15 =	simm.s32 $0x2  }
0x5: {  	s16 =	simm.s32 $0x3;
	s17 =	simm.s32 $0x4;
	s18 =	simm.s32 $0x5  }
0x6: {  	s19 =	simm.s32 $0x6;
	s20 =	simm.s32 $0x7;
	s21 =	simm.s32 $0x8  }
0x7: {  	s22 =	simm.s32 $0x0;
	s5 =	sand.u32 $0x1, s0;
	s0 =	stileid.u32  }
0x8: {  	[smem:$0x7FF] =	sst s4;
	s1 =	sshll.u32 s5, $0x4;
	s8 =	smul.u32 $0x2800, s0  }
0x9: {  	s9 =	smul.u32 $0x28000, s5;
	s10 =	ssub.s32 $0x2, s5;
	s5 =	sadd.s32 $0xC800, s6  }
0xa: {  	s30 =	sshll.u32 s0, $0x6;
	s1 =	sor.u32 s0, s1;
	s11 =	sshrl.u32 s10, $0x1  }
0xb: {  	s7 =	smul.u32 $0x500, s1;
	s1 =	rddreg [dreg:$0x3];
	_ =	strace $0x80000047  }
0xc: {  	s9 =	sadd.s32 s8, s9;
	s10 =	ssub.s32 s10, s11;
	s31 =	sadd.s32 s8, s3  }
0xd: {  	s11 =	simm.s32 $0x9;
	s9 =	sshrl.u32 s9, $0x3;
	s7 =	sadd.s32 s7, s6  }
0xe: {  	s9 =	sadd.s32 s9, s6;
	s6 =	sor.u32 $0x1C09, s30;
	s7 =	sadd.s32 $0x2800, s7  }
0xf: {  	s8 =	sadd.s32 $0xCA00, s9;
	s9 =	smax.u32 s10, $0x1;
	s10 =	sshrl.u32 s31, $0x3  }
.LBB2_1:
0x10: {  	[spmem:s10], [sflag:s6] =	dma.local [hbm:s2], $0x500  }
0x11: {  	_ =	swait.ge [sflag:s11], $0x500  }
0x12: {  	[sflag:s11] =	ssyncset.done $0x0  }
0x13: {  	[sflag:s11] =	ssyncadd.s32 $0xFFFFFB00  }
0x14: {  	[tilespmem:s12], [sflag:$0x9] =	stream.linear.gather [hbm4b:s5+s4], $0x800, $0x38;
	[tilespmem:$0x5800] =	vst v63  }
0x15: {  	_ =	swait.ge [sflag:s11], $0x800  }
0x16: {  	[sflag:s11] =	ssyncset.done $0x0  }
0x17: {  	[sflag:s11] =	ssyncadd.s32 $0xFFFFF800  }
0x18: {  	[tilespmem:s4], [sflag:$0x9] =	stream.linear.gather [hbm4b:s7+s4], $0x2800, $0x38;
	[tilespmem:$0x5800] =	vst v63  }
0x19: {  	_ =	swait.ge [sflag:s11], $0x2800  }
0x1a: {  	[sflag:s11] =	ssyncset.done $0x0  }
0x1b: {  	[sflag:s11] =	ssyncadd.s32 $0xFFFFD800  }
0x1c: {  	s23 =	simm.s32 $0x0;
	[bflag:$0x0] =	sbarrier.arrive $0xFFFF  }
0x1d: {  	[spmem:s3] =	stream.indirect.scatter.add.f32 [tilespmem:s12], [sflag:$0x1], $0x10, s23, s13, $0xb8;
	[tilespmem:$0x5800] =	vst v63  }
0x1e: {  	s24 =	simm.s32 $0x80  }
0x1f: {  	[spmem:s3] =	stream.indirect.scatter.add.f32 [tilespmem:s12], [sflag:$0x2], $0x10, s24, s13, $0xb8;
	[tilespmem:$0x5800] =	vst v63  }
0x20: {  	s25 =	simm.s32 $0x100  }
0x21: {  	[spmem:s3] =	stream.indirect.scatter.add.f32 [tilespmem:s12], [sflag:$0x3], $0x10, s25, s13, $0xb8;
	[tilespmem:$0x5800] =	vst v63  }
0x22: {  	s26 =	simm.s32 $0x180  }
0x23: {  	[spmem:s3] =	stream.indirect.scatter.add.f32 [tilespmem:s12], [sflag:$0x4], $0x10, s26, s13, $0xb8;
	[tilespmem:$0x5800] =	vst v63  }
0x24: {  	s28 =	simm.s32 $0x200  }
0x25: {  	[spmem:s3] =	stream.indirect.scatter.add.f32 [tilespmem:s12], [sflag:$0x5], $0x10, s28, s13, $0xb8;
	[tilespmem:$0x5800] =	vst v63  }
0x26: {  	s29 =	simm.s32 $0x280  }
0x27: {  	[spmem:s3] =	stream.indirect.scatter.add.f32 [tilespmem:s12], [sflag:$0x6], $0x10, s29, s13, $0xb8;
	[tilespmem:$0x5800] =	vst v63  }
0x28: {  	s30 =	simm.s32 $0x300  }
0x29: {  	[spmem:s3] =	stream.indirect.scatter.add.f32 [tilespmem:s12], [sflag:$0x7], $0x10, s30, s13, $0xb8;
	[tilespmem:$0x5800] =	vst v63  }
0x2a: {  	s31 =	simm.s32 $0x380  }
0x2b: {  	[spmem:s3] =	stream.indirect.scatter.add.f32 [tilespmem:s12], [sflag:$0x8], $0x10, s31, s13, $0xb8;
	[tilespmem:$0x5800] =	vst v63  }
0x2c: {  	_ =	swait.ge [sflag:s14], $0x800  }
0x2d: {  	[sflag:s14] =	ssyncset.done $0x0  }
0x2e: {  	[sflag:s14] =	ssyncadd.s32 $0xFFFFF800  }
0x2f: {  	_ =	swait.ge [sflag:s15], $0x800  }
0x30: {  	[sflag:s15] =	ssyncset.done $0x0  }
0x31: {  	[sflag:s15] =	ssyncadd.s32 $0xFFFFF800  }
0x32: {  	_ =	swait.ge [sflag:s16], $0x800  }
0x33: {  	[sflag:s16] =	ssyncset.done $0x0  }
0x34: {  	[sflag:s16] =	ssyncadd.s32 $0xFFFFF800  }
0x35: {  	_ =	swait.ge [sflag:s17], $0x800  }
0x36: {  	[sflag:s17] =	ssyncset.done $0x0  }
0x37: {  	[sflag:s17] =	ssyncadd.s32 $0xFFFFF800  }
0x38: {  	_ =	swait.ge [sflag:s18], $0x800  }
0x39: {  	[sflag:s18] =	ssyncset.done $0x0  }
0x3a: {  	[sflag:s18] =	ssyncadd.s32 $0xFFFFF800  }
0x3b: {  	_ =	swait.ge [sflag:s19], $0x800  }
0x3c: {  	[sflag:s19] =	ssyncset.done $0x0  }
0x3d: {  	[sflag:s19] =	ssyncadd.s32 $0xFFFFF800  }
0x3e: {  	_ =	swait.ge [sflag:s20], $0x800  }
0x3f: {  	[sflag:s20] =	ssyncset.done $0x0  }
0x40: {  	[sflag:s20] =	ssyncadd.s32 $0xFFFFF800  }
0x41: {  	_ =	swait.ge [sflag:s21], $0x800  }
0x42: {  	s23 =	simm.s32 $0x1000;
	s25 =	simm.s32 $0x2000;
	[sflag:s21] =	ssyncset.done $0x0  }
.LBB2_2:
0x43: {  	s26 =	sshra.s32 s23, $0x2  }
0x44: {  	[sflag:s21] =	ssyncadd.s32 $0xFFFFF800;
	s23 =	smov.u32 s25;
	s24 =	sadd.s32 $0x1000, s25  }
0x45: {  	[spmem:s3] =	stream.indirect.scatter.add.f32 [tilespmem:s12], [sflag:$0x1], $0x10, s26, s13, $0xb8;
	[tilespmem:$0x5800] =	vst v63  }
0x46: {  	p0 =	sne.s32 s25, $0x9000;
	s25 =	sadd.s32 $0x80, s26  }
0x47: {  	[spmem:s3] =	stream.indirect.scatter.add.f32 [tilespmem:s12], [sflag:$0x2], $0x10, s25, s13, $0xb8;
	[tilespmem:$0x5800] =	vst v63  }
0x48: {  	s25 =	sadd.s32 $0x100, s26  }
0x49: {  	[spmem:s3] =	stream.indirect.scatter.add.f32 [tilespmem:s12], [sflag:$0x3], $0x10, s25, s13, $0xb8;
	[tilespmem:$0x5800] =	vst v63  }
0x4a: {  	s25 =	sadd.s32 $0x180, s26  }
0x4b: {  	[spmem:s3] =	stream.indirect.scatter.add.f32 [tilespmem:s12], [sflag:$0x4], $0x10, s25, s13, $0xb8;
	[tilespmem:$0x5800] =	vst v63  }
0x4c: {  	s25 =	sadd.s32 $0x200, s26  }
0x4d: {  	[spmem:s3] =	stream.indirect.scatter.add.f32 [tilespmem:s12], [sflag:$0x5], $0x10, s25, s13, $0xb8;
	[tilespmem:$0x5800] =	vst v63  }
0x4e: {  	s25 =	sadd.s32 $0x280, s26  }
0x4f: {  	[spmem:s3] =	stream.indirect.scatter.add.f32 [tilespmem:s12], [sflag:$0x6], $0x10, s25, s13, $0xb8;
	[tilespmem:$0x5800] =	vst v63  }
0x50: {  	s25 =	sadd.s32 $0x300, s26  }
0x51: {  	[spmem:s3] =	stream.indirect.scatter.add.f32 [tilespmem:s12], [sflag:$0x7], $0x10, s25, s13, $0xb8;
	[tilespmem:$0x5800] =	vst v63  }
0x52: {  	s25 =	sadd.s32 $0x380, s26  }
0x53: {  	[spmem:s3] =	stream.indirect.scatter.add.f32 [tilespmem:s12], [sflag:$0x8], $0x10, s25, s13, $0xb8;
	[tilespmem:$0x5800] =	vst v63  }
0x54: {  	_ =	swait.ge [sflag:s14], $0x800  }
0x55: {  	[sflag:s14] =	ssyncset.done $0x0  }
0x56: {  	[sflag:s14] =	ssyncadd.s32 $0xFFFFF800  }
0x57: {  	_ =	swait.ge [sflag:s15], $0x800  }
0x58: {  	[sflag:s15] =	ssyncset.done $0x0  }
0x59: {  	[sflag:s15] =	ssyncadd.s32 $0xFFFFF800  }
0x5a: {  	_ =	swait.ge [sflag:s16], $0x800  }
0x5b: {  	[sflag:s16] =	ssyncset.done $0x0  }
0x5c: {  	[sflag:s16] =	ssyncadd.s32 $0xFFFFF800  }
0x5d: {  	_ =	swait.ge [sflag:s17], $0x800  }
0x5e: {  	[sflag:s17] =	ssyncset.done $0x0  }
0x5f: {  	[sflag:s17] =	ssyncadd.s32 $0xFFFFF800  }
0x60: {  	_ =	swait.ge [sflag:s18], $0x800  }
0x61: {  	[sflag:s18] =	ssyncset.done $0x0  }
0x62: {  	[sflag:s18] =	ssyncadd.s32 $0xFFFFF800  }
0x63: {  	_ =	swait.ge [sflag:s19], $0x800  }
0x64: {  	[sflag:s19] =	ssyncset.done $0x0  }
0x65: {  	[sflag:s19] =	ssyncadd.s32 $0xFFFFF800  }
.Ltmp0:
0x66: {  	_ =	swait.ge [sflag:s20], $0x800;
	(pc) =	sbr.rel @p0 .LBB2_2-.Ltmp0, $4  }
0x67: {  	[sflag:s20] =	ssyncset.done $0x0  }
0x68: {  	[sflag:s20] =	ssyncadd.s32 $0xFFFFF800  }
0x69: {  	_ =	swait.ge [sflag:s21], $0x800  }
0x6a: {  	s25 =	smov.u32 s24;
	[sflag:s21] =	ssyncset.done $0x0  }
0x6b: {  	s23 =	sshra.s32 s23, $0x2;
	[sflag:s21] =	ssyncadd.s32 $0xFFFFF800  }
0x6c: {  	[spmem:s3] =	stream.indirect.scatter.add.f32 [tilespmem:s12], [sflag:$0x1], $0x10, s23, s13, $0xb8;
	[tilespmem:$0x5800] =	vst v63  }
0x6d: {  	s24 =	sadd.s32 $0x80, s23  }
0x6e: {  	[spmem:s3] =	stream.indirect.scatter.add.f32 [tilespmem:s12], [sflag:$0x2], $0x10, s24, s13, $0xb8;
	[tilespmem:$0x5800] =	vst v63  }
0x6f: {  	s26 =	sadd.s32 $0x100, s23  }
0x70: {  	[spmem:s3] =	stream.indirect.scatter.add.f32 [tilespmem:s12], [sflag:$0x3], $0x10, s26, s13, $0xb8;
	[tilespmem:$0x5800] =	vst v63  }
0x71: {  	s28 =	sadd.s32 $0x180, s23  }
0x72: {  	[spmem:s3] =	stream.indirect.scatter.add.f32 [tilespmem:s12], [sflag:$0x4], $0x10, s28, s13, $0xb8;
	[tilespmem:$0x5800] =	vst v63  }
0x73: {  	s29 =	sadd.s32 $0x200, s23  }
0x74: {  	[spmem:s3] =	stream.indirect.scatter.add.f32 [tilespmem:s12], [sflag:$0x5], $0x10, s29, s13, $0xb8;
	[tilespmem:$0x5800] =	vst v63  }
0x75: {  	s30 =	sadd.s32 $0x280, s23  }
0x76: {  	[spmem:s3] =	stream.indirect.scatter.add.f32 [tilespmem:s12], [sflag:$0x6], $0x10, s30, s13, $0xb8;
	[tilespmem:$0x5800] =	vst v63  }
0x77: {  	s31 =	sadd.s32 $0x300, s23  }
0x78: {  	[spmem:s3] =	stream.indirect.scatter.add.f32 [tilespmem:s12], [sflag:$0x7], $0x10, s31, s13, $0xb8;
	[tilespmem:$0x5800] =	vst v63  }
0x79: {  	s23 =	sadd.s32 $0x380, s23  }
0x7a: {  	[spmem:s3] =	stream.indirect.scatter.add.f32 [tilespmem:s12], [sflag:$0x8], $0x10, s23, s13, $0xb8;
	[tilespmem:$0x5800] =	vst v63  }
0x7b: {  	_ =	swait.ge [sflag:s14], $0x800  }
0x7c: {  	[sflag:s14] =	ssyncset.done $0x0  }
0x7d: {  	[sflag:s14] =	ssyncadd.s32 $0xFFFFF800  }
0x7e: {  	_ =	swait.ge [sflag:s15], $0x800  }
0x7f: {  	[sflag:s15] =	ssyncset.done $0x0  }
0x80: {  	[sflag:s15] =	ssyncadd.s32 $0xFFFFF800  }
0x81: {  	_ =	swait.ge [sflag:s16], $0x800  }
0x82: {  	[sflag:s16] =	ssyncset.done $0x0  }
0x83: {  	[sflag:s16] =	ssyncadd.s32 $0xFFFFF800  }
0x84: {  	_ =	swait.ge [sflag:s17], $0x800  }
0x85: {  	[sflag:s17] =	ssyncset.done $0x0  }
0x86: {  	[sflag:s17] =	ssyncadd.s32 $0xFFFFF800  }
0x87: {  	_ =	swait.ge [sflag:s18], $0x800  }
0x88: {  	[sflag:s18] =	ssyncset.done $0x0  }
0x89: {  	[sflag:s18] =	ssyncadd.s32 $0xFFFFF800  }
0x8a: {  	_ =	swait.ge [sflag:s19], $0x800  }
0x8b: {  	[sflag:s19] =	ssyncset.done $0x0  }
0x8c: {  	[sflag:s19] =	ssyncadd.s32 $0xFFFFF800  }
0x8d: {  	_ =	swait.ge [sflag:s20], $0x800  }
0x8e: {  	[sflag:s20] =	ssyncset.done $0x0  }
0x8f: {  	[sflag:s20] =	ssyncadd.s32 $0xFFFFF800  }
0x90: {  	_ =	swait.ge [sflag:s21], $0x800  }
0x91: {  	s22 =	sadd.s32 $0x1, s22;
	[sflag:s21] =	ssyncset.done $0x0  }
0x92: {  	p0 =	sne.s32 s22, s9;
	[sflag:s21] =	ssyncadd.s32 $0xFFFFF800  }
.Ltmp1:
0x93: {  	[bflag:$0x0] =	sbarrier.arrive $0xFFFF;
	(pc) =	sbr.rel @p0 .LBB2_1-.Ltmp1, $4  }
0x94: {  	[hbm:s8], [sflag:s6] =	dma.local [spmem:s10], $0x500  }
0x95: {  	_ =	swait.ge [sflag:s11], $0x500  }
0x96: {  	[sflag:s11] =	ssyncset.done $0x0  }
0x97: {  	[sflag:s11] =	ssyncadd.s32 $0xFFFFFB00  }
0x98: {  	_ =	sfence.sel $0x180000  }
0x99: {  	[bflag:$0x0] =	sbarrier.arrive $0xFFFF  }
0x9a: {  	p0 =	sne.s32 s0, $0x0;
	_ =	strace $0x90000047  }
0x9b: {  	s0 =	sadd.s32 @!p0 $0x100000, s1;
	[bflag:$0x2] =	sbarrier.arrive $0xFFFF  }
0x9c: {  	[sflag:s0] =	ssyncadd.tile.s32 @!p0 $0x1;
	_ =	shalt  }
.Lfunc_end2:
_tile_overlayer_lowered:
.L_overlay_start_2:
0x9d: {  	(tag) =	ssettag $0x2  }
0x9e: {  	s0 =	rddreg [dreg:$0x0];
	s2 =	stileid.u32  }
0x9f: {  	s1 =	rddreg [dreg:$0x1];
	p0 =	sne.s32 s2, $0x0  }
0xa0: {  	s3 =	rddreg [dreg:$0x2];
	[bflag:$0x3] =	sbarrier.arrive $0xFFFF;
	s2 =	simm.s32 @!p0 $0x1C09  }
0xa1: {  	[timem:s3], [sflag:s2] =	dma.local @!p0 [hbm:s0], s1  }
0xa2: {  	s0 =	simm.s32 @!p0 $0x9  }
0xa3: {  	_ =	swait.ge @!p0 [sflag:s0], s1  }
0xa4: {  	s1 =	ssub.s32 @!p0 $0x0, s1;
	[sflag:s0] =	ssyncset.done @!p0 $0x0  }
0xa5: {  	[sflag:s0] =	ssyncadd.s32 @!p0 s1  }
0xa6: {  	[bflag:$0x3] =	sbarrier.arrive $0xFFFF  }
0xa7: {  	_ =	shalt  }

// kernel: kernel.13.cloned.1.call-start
scs
__scs_entry_jumppad:
0x0: {  	(pc) =	sbr.rel $0x88, $3  }
0x1: {  	(tag) =	ssettag $0x0;
	lr =	simm.s32 $0x1  }
0x2: {  	[smem:$0x3F99] =	sst lr;
	_ =	strace $0xD0000000  }
0x3: {  	_ = 	snop  }
0x4: {  	_ = 	snop  }
0x5: {  	_ = 	snop  }
0x6: {  	_ = 	snop  }
0x7: {  	_ = 	snop  }
__scs_overlays_trampoline_lowered:
0x8: {  	[smem:$0x3FA8] =	sst s0  }
0x9: {  	[smem:$0x3FA9] =	sst s1  }
0xa: {  	[smem:$0x3FAA] =	sst s2  }
0xb: {  	[smem:$0x3FAB] =	sst s3  }
0xc: {  	[smem:$0x3FAC] =	sst s4  }
0xd: {  	[smem:$0x3FAD] =	sst s5  }
0xe: {  	[smem:$0x3FAE] =	sst s6  }
0xf: {  	[smem:$0x3FAF] =	sst s7  }
0x10: {  	[smem:$0x3FB0] =	sst s8  }
0x11: {  	[smem:$0x3FB1] =	sst s9;
	s0 =	simm.s32 @!p0 $0x0  }
0x12: {  	s1 =	sld [smem:$0x3F97];
	s0 =	simm.s32 @p0 $0x1  }
0x13: {  	[smem:$0x3FB2] =	sst s0;
	s0 =	simm.s32 @!p1 $0x0  }
0x14: {  	s2 =	sld [smem:$0x3F96];
	s0 =	simm.s32 @p1 $0x1  }
0x15: {  	[smem:$0x3FB3] =	sst s0;
	s0 =	simm.s32 @!p2 $0x0  }
0x16: {  	s3 =	sld [smem:$0x3FDB];
	s0 =	simm.s32 @p2 $0x1  }
0x17: {  	s4 =	simm.s32 $0x1BF5;
	[smem:$0x3FB5] =	sst s0  }
0x18: {  	s0 =	sld [smem:$0x3F98];
	_ =	swait.ge [sflag:s4], $0x0  }
0x19: {  	s7 =	sld [smem:$0x3F99]  }
0x1a: {  	s8 =	sadd.s32 $0xFFFFE003, lr  }
0x1b: {  	s9 =	sadd.s32 $0xFFFFFEF7, lr;
	s5 =	simm.s32 $0xFFFFFFFF;
	p2 =	slt.u32 s8, $0xFFFFF086  }
0x1c: {  	p1 =	slt.u32 s9, $0xF7A;
	s5 =	simm.s32 @!p2 $0x0  }
0x1d: {  	s5 =	simm.s32 @p1 $0x1;
	p0 =	seq.s32 s7, s2  }
0x1e: {  	s7 =	smul.u32 @!p0 $0xF7A, s2;
	p2 =	seq.s32 @!p0 s5, $0x0  }
0x1f: {  	s9 =	smul.u32 $0xF7A, s1;
	s8 =	simm.s32 @!p0 $0x1BF5;
	p2 =	por !p2, p0  }
0x20: {  	[sflag:s8] =	ssyncset.s32 @!p0 $0xFFFFF086;
	s6 =	sadd.s32 @!p0 s3, s7;
	s7 =	simm.s32 @!p0 $0x108  }
0x21: {  	s3 =	sadd.s32 s3, s9;
	s6 =	sadd.s32 @!p0 $0x88, s6;
	s7 =	simm.s32 @p2 $0x1082  }
0x22: {  	[simem:s7], [sflag:s8] =	dma.local @!p0 [hbm:s6], $0xF7A  }
0x23: {  	s9 =	sor.u32 $0xD0000000, s2;
	s6 =	simm.s32 $0x108;
	_ =	swait.ge @!p0 [sflag:s8], $0x0  }
0x24: {  	s3 =	sadd.s32 $0x88, s3;
	s6 =	simm.s32 @!p1 $0x1082;
	[sflag:s4] =	ssyncset.s32 $0xFFFFF086  }
0x25: {  	[simem:s6], [sflag:s4] =	dma.local [hbm:s3], $0xF7A  }
0x26: {  	[smem:$0x3F99] =	sst s1;
	(tag) =	ssettag s2;
	_ =	strace s9  }
0x27: {  	s1 =	sld [smem:$0x3FA9]  }
0x28: {  	s2 =	sld [smem:$0x3FAA]  }
0x29: {  	s4 =	sld [smem:$0x3FAC]  }
0x2a: {  	p0 =	seq.s32 s5, $0x0;
	s5 =	sld [smem:$0x3FAD]  }
0x2b: {  	s6 =	sld [smem:$0x3FAE]  }
0x2c: {  	s7 =	sld [smem:$0x3FAF]  }
0x2d: {  	s3 =	simm.s32 $0x108;
	s8 =	sld [smem:$0x3FB0]  }
0x2e: {  	s3 =	simm.s32 @!p0 $0x1082;
	s9 =	sld [smem:$0x3FB1]  }
0x2f: {  	lr =	sadd.s32 s0, s3;
	s0 =	sld [smem:$0x3FA8]  }
0x30: {  	s3 =	sld [smem:$0x3FAB]  }
0x31: {  	[smem:$0x3FB4] =	sst s10  }
0x32: {  	s10 =	sld [smem:$0x3FB2];
	_ =	sdelay $0x3  }
0x33: {  	p0 =	seq.s32 s10, $0x1;
	s10 =	sld [smem:$0x3FB4];
	_ =	sdelay $0x3  }
0x34: {  	[smem:$0x3FB4] =	sst s10  }
0x35: {  	s10 =	sld [smem:$0x3FB3];
	_ =	sdelay $0x3  }
0x36: {  	p1 =	seq.s32 s10, $0x1;
	s10 =	sld [smem:$0x3FB4];
	_ =	sdelay $0x3  }
0x37: {  	[smem:$0x3FB4] =	sst s10  }
0x38: {  	s10 =	sld [smem:$0x3FB5]  }
0x39: {  	_ = 	snop;
	(pc) =	sbr.ind lr, $3  }
0x3a: {  	_ = 	snop  }
0x3b: {  	_ = 	snop  }
0x3c: {  	p2 =	seq.s32 s10, $0x1;
	s10 =	sld [smem:$0x3FB4]  }
0x3d: {  	_ =	shalt  }
0x3e: {  	_ =	shalt  }
0x3f: {  	_ =	shalt  }
0x40: {  	_ =	shalt  }
0x41: {  	_ =	shalt  }
0x42: {  	_ =	shalt  }
0x43: {  	_ =	shalt  }
0x44: {  	_ =	shalt  }
0x45: {  	_ =	shalt  }
0x46: {  	_ =	shalt  }
0x47: {  	_ =	shalt  }
0x48: {  	_ =	shalt  }
0x49: {  	_ =	shalt  }
0x4a: {  	_ =	shalt  }
0x4b: {  	_ =	shalt  }
0x4c: {  	_ =	shalt  }
0x4d: {  	_ =	shalt  }
0x4e: {  	_ =	shalt  }
0x4f: {  	_ =	shalt  }
0x50: {  	_ =	shalt  }
0x51: {  	_ =	shalt  }
0x52: {  	_ =	shalt  }
0x53: {  	_ =	shalt  }
0x54: {  	_ =	shalt  }
0x55: {  	_ =	shalt  }
0x56: {  	_ =	shalt  }
0x57: {  	_ =	shalt  }
0x58: {  	_ =	shalt  }
0x59: {  	_ =	shalt  }
0x5a: {  	_ =	shalt  }
0x5b: {  	_ =	shalt  }
0x5c: {  	_ =	shalt  }
0x5d: {  	_ =	shalt  }
0x5e: {  	_ =	shalt  }
0x5f: {  	_ =	shalt  }
0x60: {  	_ =	shalt  }
0x61: {  	_ =	shalt  }
0x62: {  	_ =	shalt  }
0x63: {  	_ =	shalt  }
0x64: {  	_ =	shalt  }
0x65: {  	_ =	shalt  }
0x66: {  	_ =	shalt  }
0x67: {  	_ =	shalt  }
0x68: {  	_ =	shalt  }
0x69: {  	_ =	shalt  }
0x6a: {  	_ =	shalt  }
0x6b: {  	_ =	shalt  }
0x6c: {  	_ =	shalt  }
0x6d: {  	_ =	shalt  }
0x6e: {  	_ =	shalt  }
0x6f: {  	_ =	shalt  }
0x70: {  	_ =	shalt  }
0x71: {  	_ =	shalt  }
0x72: {  	_ =	shalt  }
0x73: {  	_ =	shalt  }
0x74: {  	_ =	shalt  }
0x75: {  	_ =	shalt  }
0x76: {  	_ =	shalt  }
0x77: {  	_ =	shalt  }
0x78: {  	_ =	shalt  }
0x79: {  	_ =	shalt  }
0x7a: {  	_ =	shalt  }
0x7b: {  	_ =	shalt  }
0x7c: {  	_ =	shalt  }
0x7d: {  	_ =	shalt  }
0x7e: {  	_ =	shalt  }
0x7f: {  	_ =	shalt  }
0x80: {  	_ =	shalt  }
0x81: {  	_ =	shalt  }
0x82: {  	_ =	shalt  }
0x83: {  	_ =	shalt  }
0x84: {  	_ =	shalt  }
0x85: {  	_ =	shalt  }
0x86: {  	_ =	shalt  }
0x87: {  	_ =	shalt  }
.Lfunc_end0:
.L_simem_size_0:
called_computation.1_lowered:
.L_overlay_start_0:
0x88: {  	s2 =	sld [smem:$0x3FD9]  }
0x89: {  	s3 =	sld [smem:$0x3FFE];
	_ =	sdelay $0x1  }
0x8a: {  	s1 =	srdreg.scid  }
0x8b: {  	s0 =	sand.u32 $0x1, s1  }
0x8c: {  	s16 =	sshll.u32 s0, $0xA;
	s2 =	sadd.s32 s3, s2  }
0x8d: {  	s2 =	sadd.s32 s2, s16  }
0x8e: {  	[smem:$0x3FC0] =	sst s2  }
0x8f: {  	_ = 	snop  }
0x90: {  	(tm) =	ssettm $0x1  }
0x91: {  	s17 =	sld [smem:$0x3FFB];
	_ =	sdelay $0x3  }
0x92: {  	_ =	strace s17  }
0x93: {  	s2 =	sld [smem:$0x3FFC];
	_ =	sdelay $0x3  }
0x94: {  	_ =	strace s2  }
0x95: {  	s2 =	sld [smem:$0x3FFD];
	_ =	sdelay $0x3  }
0x96: {  	_ =	strace s2  }
0x97: {  	_ =	strace $0x8FFFFFFF  }
0x98: {  	s18 =	sld [smem:$0x3FDB];
	_ =	sdelay $0x1  }
0x99: {  	s19 =	simm.s32 $_scs_section_size  }
0x9a: {  	s4 =	simm.s32 $_size__tile_overlayer_lowered;
	s5 =	simm.s32 $_tile_overlayer_lowered  }
0x9b: {  	s22 =	simm.s32 $0x1BFF;
	s21 =	sshll.u32 s5, $0x1;
	s2 =	sadd.s32 s19, s18  }
0x9c: {  	s6 =	simm.s32 $0x0;
	s20 =	sshll.u32 s4, $0x1;
	s4 =	sadd.s32 s21, s2  }
0x9d: {  	[timem:s6], [sflag:s22] =	dma.local [hbm:s4], s20  }
0x9e: {  	_ =	swait.ge [sflag:s22], s20  }
0x9f: {  	s3 =	ssub.s32 $0x0, s20;
	[sflag:s22] =	ssyncset.done $0x0  }
0xa0: {  	[sflag:s22] =	ssyncadd.s32 s3;
	_ =	sdelay $0x1  }
0xa1: {  	s23 =	simm.s32 $0x1B8B  }
0xa2: {  	_ =	swait.ge [sflag:s23], $0x1  }
0xa3: {  	[sflag:s23] =	ssyncset.done $0x0  }
0xa4: {  	s25 =	simm.s32 $0x1B8E;
	s24 =	sld [smem:$0x3FFE];
	[sflag:s23] =	ssyncadd.s32 $0xFFFFFFFF  }
0xa5: {  	s26 =	simm.s32 $execute0_lowered;
	[smem:$0x3FD2] =	sst s25  }
0xa6: {  	s4 =	sshll.u32 s26, $0x1;
	_ =	strace $0x80000049;
	[dreg:$0x1] =	wrdreg $0xFFFFFFFF  }
0xa7: {  	s28 =	simm.s32 $_size_execute0_lowered;
	s2 =	sadd.s32 s2, s4;
	[dreg:$0x0] =	wrdreg $0x0  }
0xa8: {  	s4 =	sshll.u32 s28, $0x1;
	[dreg:$0x2] =	wrdreg s2  }
0xa9: {  	[dreg:$0x3] =	wrdreg s4  }
0xaa: {  	[dreg:$0x4] =	wrdreg $0xC0  }
0xab: {  	_ =	task [dreg:s6], $0x5FFFF  }
0xac: {  	[dreg:$0x1] =	wrdreg $0xFFFFFFFF  }
0xad: {  	[dreg:$0x0] =	wrdreg $0x60  }
0xae: {  	[dreg:$0x2] =	wrdreg s24  }
0xaf: {  	[dreg:$0x3] =	wrdreg $0xE4000  }
0xb0: {  	[dreg:$0x4] =	wrdreg $0x44000  }
0xb1: {  	[dreg:$0x5] =	wrdreg $0x9  }
0xb2: {  	_ =	task.clear_ibuf [dreg:s6], $0x6FFFF;
	_ =	strace $0x90000049  }
0xb3: {  	s29 =	simm.s32 $0x9;
	_ =	strace $0x8000004B  }
0xb4: {  	_ =	swait.ge [sflag:s29], $0x1  }
0xb5: {  	[sflag:s29] =	ssyncadd.s32 $0xFFFFFFFF  }
0xb6: {  	_ =	strace $0x9000004B  }
0xb7: {  	_ =	sfence  }
0xb8: {  	s30 =	sld [smem:$0x0];
	_ =	sdelay $0x2  }
0xb9: {  	s31 =	sshll.u32 s1, $0xD;
	s1 =	sshrl.u32 s1, $0x2  }
0xba: {  	s3 =	sand.u32 $0x4000, s31;
	s1 =	sadd.s32 s1, s30  }
0xbb: {  	s0 =	sor.u32 s3, s0;
	s1 =	sshll.u32 s1, $0x11  }
0xbc: {  	s0 =	sor.u32 s1, s0  }
0xbd: {  	s0 =	sadd.s32 $0x8F2B, s0  }
0xbe: {  	[sflag:s0] =	ssyncadd.remote.s32 $0x1  }
0xbf: {  	_ =	sfence.sel $0xFFFF  }
0xc0: {  	[dreg:$0x0] =	wrdreg $0xFFFFFFFF;
	(pc) =	sbr.abs _section_cstart, $3  }
0xc1: {  	[dreg:$0x1] =	wrdreg $0xFFFFFFFF  }
0xc2: {  	_ =	task.clear_ibuf [dreg:s6], $0x2FFFF;
	_ =	strace $0x9FFFFFFF  }
0xc3: {  	(tm) =	ssettm $0x7FFFFFFF  }
tec
execute0_lowered:
.L_overlay_start_1:
0x0: {  	(tag) =	ssettag $0x1  }
0x1: {  	s0 =	rddreg [dreg:$0x0]  }
0x2: {  	s2 =	rddreg [dreg:$0x1];
	s1 =	srdreg.scid  }
0x3: {  	s9 =	stileid.u32;
	s3 =	rddreg [dreg:$0x2]  }
0x4: {  	s4 =	simm.s32 $0x0;
	s28 =	simm.s32 $0x200;
	s29 =	simm.s32 $0x280  }
0x5: {  	s30 =	simm.s32 $0x300;
	s31 =	simm.s32 $0x380;
	s5 =	smul.u32 $0x14000, s9  }
0x6: {  	s1 =	sand.u32 $0x1, s1;
	s7 =	smul.u32 $0xA000, s9;
	[smem:$0x7FF] =	sst s4  }
0x7: {  	s10 =	sadd.s32 $0x16A00, s0;
	s11 =	sadd.s32 $0x2800, s0;
	s8 =	sadd.s32 $0xC800, s0  }
0x8: {  	s19 =	sshll.u32 s9, $0x6;
	s12 =	smul.u32 $0xA00, s9;
	s6 =	sshll.u32 s1, $0x6  }
0x9: {  	s17 =	smul.u32 $0xA0000, s1;
	_ =	strace $0x8000004A;
	s1 =	ssub.s32 $0x2, s1  }
0xa: {  	[dreg:$0x4] =	wrdreg s8;
	s5 =	sor.u32 s6, s5;
	s18 =	sshrl.u32 s1, $0x1  }
0xb: {  	s13 =	sadd.s32 s7, s2;
	s20 =	sor.u32 $0x10, s12;
	s8 =	sadd.s32 s10, s12  }
0xc: {  	s9 =	sadd.s32 s11, s12;
	s21 =	sor.u32 $0x20, s12;
	s12 =	sor.u32 $0x30, s12  }
0xd: {  	s5 =	sshrl.u32 s5, $0x3;
	s6 =	sadd.s32 s7, s17;
	s1 =	ssub.s32 s1, s18  }
0xe: {  	s7 =	sadd.s32 s7, s3;
	s14 =	sadd.s32 s10, s20;
	s22 =	sadd.s32 s10, s21  }
0xf: {  	s23 =	sadd.s32 s10, s12;
	s24 =	sadd.s32 s11, s12;
	[dreg:$0x6] =	wrdreg s14  }
0x10: {  	s10 =	simm.s32 $0x7;
	s12 =	simm.s32 $0x0;
	[dreg:$0x8] =	wrdreg s22  }
0x11: {  	s5 =	sadd.s32 s5, s0;
	s6 =	sshrl.u32 s6, $0x3;
	[dreg:$0xa] =	wrdreg s23  }
0x12: {  	[dreg:$0xb] =	wrdreg s24;
	s25 =	smax.u32 s1, $0x1;
	s14 =	sshrl.u32 s13, $0x3  }
0x13: {  	s26 =	sshrl.u32 s7, $0x3;
	s22 =	simm.s32 $0x8;
	s24 =	simm.s32 $0x80  }
0x14: {  	s1 =	simm.s32 $0x400;
	s23 =	simm.s32 $0x2400;
	s7 =	simm.s32 $0x6  }
0x15: {  	s0 =	sadd.s32 s6, s0;
	s6 =	sor.u32 $0x1C09, s19;
	[dreg:$0xd] =	wrdreg s25  }
0x16: {  	s5 =	sadd.s32 $0x20A00, s5;
	s19 =	simm.s32 $0x9;
	[dreg:$0xf] =	wrdreg s26  }
.Ltmp0:
0x17: {  	s25 =	simm.s32 $0x100;
	[dreg:$0xe] =	wrdreg s14;
	(pc) =	sbr.rel .LBB2_1-.Ltmp0, $4  }
0x18: {  	s26 =	simm.s32 $0x180;
	[dreg:$0x5] =	wrdreg s5;
	s5 =	sadd.s32 s11, s20  }
0x19: {  	s0 =	sadd.s32 $0x48A00, s0;
	[dreg:$0x7] =	wrdreg s5;
	s5 =	sadd.s32 s11, s21  }
0x1a: {  	[dreg:$0xc] =	wrdreg s0;
	s21 =	simm.s32 $0x1;
	s0 =	simm.s32 $0x2  }
0x1b: {  	s11 =	simm.s32 $0x4;
	[dreg:$0x9] =	wrdreg s5;
	s5 =	simm.s32 $0x5  }
.LBB2_4:
0x1c: {  	_ =	swait.ge [sflag:s22], $0x2000  }
0x1d: {  	[sflag:s22] =	ssyncset.done $0x0  }
0x1e: {  	[sflag:s22] =	ssyncadd.s32 $0xFFFFE000  }
0x1f: {  	[bflag:$0x0] =	sbarrier.arrive $0xFFFF  }
0x20: {  	s13 =	rddreg [dreg:$0xc]  }
0x21: {  	s14 =	rddreg [dreg:$0xe]  }
0x22: {  	[hbm:s13], [sflag:s6] =	dma.local [spmem:s14], $0x1400  }
0x23: {  	_ =	swait.ge [sflag:s19], $0x1400  }
0x24: {  	s12 =	sadd.s32 $0x1, s12;
	s20 =	rddreg [dreg:$0xd]  }
0x25: {  	p0 =	sne.s32 s12, s20  }
.Ltmp1:
0x26: {  	_ = 	snop;
	(pc) =	sbr.rel @!p0 .LBB2_5-.Ltmp1, $3  }
0x27: {  	_ =	sdelay $0x1  }
0x28: {  	[sflag:s19] =	ssyncset.done $0x0  }
0x29: {  	[sflag:s19] =	ssyncadd.s32 $0xFFFFEC00  }
.LBB2_1:
0x2a: {  	s13 =	rddreg [dreg:$0x4]  }
0x2b: {  	[spmem:s14], [sflag:s6] =	dma.local [hbm:s13], $0x1400  }
0x2c: {  	_ =	swait.ge [sflag:s19], $0x1400  }
0x2d: {  	[sflag:s19] =	ssyncset.done $0x0;
	s18 =	rddreg [dreg:$0x5]  }
0x2e: {  	s15 =	simm.s32 $0x10;
	s20 =	rddreg [dreg:$0xf];
	[sflag:s19] =	ssyncadd.s32 $0xFFFFEC00  }
0x2f: {  	[spmem:s20@s22], [sflag:s6] =	dma.strided [hbm:s18@s15], $0x1400, s21, $0x8   }
0x30: {  	_ =	swait.ge [sflag:s19], $0x1400  }
0x31: {  	[sflag:s19] =	ssyncset.done $0x0  }
0x32: {  	[sflag:s19] =	ssyncadd.s32 $0xFFFFEC00  }
0x33: {  	[bflag:$0x0] =	sbarrier.arrive $0xFFFF  }
0x34: {  	[tilespmem:s4], [sflag:$0x1] =	stream.linear.gather [hbm4b:s8+s4], $0x80, $0x38;
	[tilespmem:$0x18400] =	vst v63  }
0x35: {  	_ = 	snop  }
0x36: {  	[tilespmem:s24], [sflag:$0x1] =	stream.linear.gather [hbm4b:s9+s4], $0x80, $0x38;
	[tilespmem:$0x18400] =	vst v63  }
0x37: {  	s14 =	rddreg [dreg:$0x6]  }
0x38: {  	[tilespmem:s25], [sflag:$0x2] =	stream.linear.gather [hbm4b:s14+s4], $0x80, $0x38;
	[tilespmem:$0x18400] =	vst v63  }
0x39: {  	s15 =	rddreg [dreg:$0x7]  }
0x3a: {  	[tilespmem:s26], [sflag:$0x2] =	stream.linear.gather [hbm4b:s15+s4], $0x80, $0x38;
	[tilespmem:$0x18400] =	vst v63  }
0x3b: {  	s16 =	rddreg [dreg:$0x8]  }
0x3c: {  	[tilespmem:s28], [sflag:$0x3] =	stream.linear.gather [hbm4b:s16+s4], $0x80, $0x38;
	[tilespmem:$0x18400] =	vst v63  }
0x3d: {  	s17 =	rddreg [dreg:$0x9]  }
0x3e: {  	[tilespmem:s29], [sflag:$0x3] =	stream.linear.gather [hbm4b:s17+s4], $0x80, $0x38;
	[tilespmem:$0x18400] =	vst v63  }
0x3f: {  	s18 =	rddreg [dreg:$0xa]  }
0x40: {  	[tilespmem:s30], [sflag:$0x4] =	stream.linear.gather [hbm4b:s18+s4], $0x80, $0x38;
	[tilespmem:$0x18400] =	vst v63  }
0x41: {  	s20 =	rddreg [dreg:$0xb]  }
0x42: {  	[tilespmem:s31], [sflag:$0x4] =	stream.linear.gather [hbm4b:s20+s4], $0x80, $0x38;
	[tilespmem:$0x18400] =	vst v63  }
0x43: {  	_ =	swait.ge [sflag:s21], $0x80  }
0x44: {  	[sflag:s21] =	ssyncset.done $0x0  }
0x45: {  	[sflag:s21] =	ssyncadd.s32 $0xFFFFFF80  }
0x46: {  	_ =	swait.ge [sflag:s21], $0x80  }
0x47: {  	[sflag:s21] =	ssyncset.done $0x0  }
0x48: {  	[sflag:s21] =	ssyncadd.s32 $0xFFFFFF80  }
0x49: {  	[tilespmem:s1], [sflag:$0x5] =	stream.indirect.gather [spmem:s3], $0x40, s4, s24, $0xb8;
	[tilespmem:$0x18400] =	vst v63  }
0x4a: {  	_ =	swait.ge [sflag:s0], $0x80  }
0x4b: {  	[sflag:s0] =	ssyncset.done $0x0  }
0x4c: {  	[sflag:s0] =	ssyncadd.s32 $0xFFFFFF80  }
0x4d: {  	_ =	swait.ge [sflag:s0], $0x80  }
0x4e: {  	[sflag:s0] =	ssyncset.done $0x0  }
0x4f: {  	s13 =	simm.s32 $0x0;
	[sflag:s0] =	ssyncadd.s32 $0xFFFFFF80  }
0x50: {  	[tilespmem:s23], [sflag:$0x6] =	stream.indirect.gather [spmem:s3], $0x40, s25, s24, $0xb8;
	[tilespmem:$0x18400] =	vst v63  }
.LBB2_2:
0x51: {  	_ =	swait.ge [sflag:s5], $0x2000  }
0x52: {  	[sflag:s5] =	ssyncset.done $0x0  }
0x53: {  	[sflag:s5] =	ssyncadd.s32 $0xFFFFE000  }
0x54: {  	[spmem:s2] =	stream.indirect.scatter.add.f32 [tilespmem:s1], [sflag:$0x7], $0x40, s24, s24, $0xb8;
	[tilespmem:$0x18400] =	vst v63  }
0x55: {  	_ =	swait.ge [sflag:s7], $0x2000  }
0x56: {  	[sflag:s7] =	ssyncset.done $0x0  }
0x57: {  	[sflag:s7] =	ssyncadd.s32 $0xFFFFE000  }
0x58: {  	[spmem:s2] =	stream.indirect.scatter.add.f32 [tilespmem:s23], [sflag:$0x8], $0x40, s26, s24, $0xb8;
	[tilespmem:$0x18400] =	vst v63  }
0x59: {  	_ =	swait.ge [sflag:s10], $0x2000  }
0x5a: {  	p0 =	seq.s32 s13, $0x9C0;
	[sflag:s10] =	ssyncset.done $0x0  }
0x5b: {  	s14 =	simm.s32 @p0 $0x3;
	[sflag:s10] =	ssyncadd.s32 $0xFFFFE000  }
0x5c: {  	_ =	swait.ge @p0 [sflag:s14], $0x80  }
0x5d: {  	[sflag:s14] =	ssyncset.done @p0 $0x0  }
0x5e: {  	[sflag:s14] =	ssyncadd.s32 @p0 $0xFFFFFF80  }
0x5f: {  	_ =	swait.ge @p0 [sflag:s14], $0x80  }
0x60: {  	s15 =	simm.s32 @p0 $0x200;
	[sflag:s14] =	ssyncset.done @p0 $0x0  }
0x61: {  	s16 =	simm.s32 @p0 $0x400;
	[sflag:s14] =	ssyncadd.s32 @p0 $0xFFFFFF80;
	s14 =	simm.s32 @p0 $0x80  }
0x62: {  	[tilespmem:s16], [sflag:$0x5] =	stream.indirect.gather @p0 [spmem:s3], $0x40, s15, s14, $0xb8;
	[tilespmem:$0x18400] =	vst v63  }
0x63: {  	s14 =	simm.s32 @p0 $0x8  }
0x64: {  	_ =	swait.ge @p0 [sflag:s14], $0x2000  }
0x65: {  	s15 =	sadd.s32 @!p0 s13, s8;
	[sflag:s14] =	ssyncset.done @p0 $0x0  }
0x66: {  	s16 =	simm.s32 @!p0 $0x0;
	[sflag:s14] =	ssyncadd.s32 @p0 $0xFFFFE000;
	s14 =	sadd.s32 @!p0 $0x40, s15  }
0x67: {  	[tilespmem:s16], [sflag:$0x1] =	stream.linear.gather @!p0 [hbm4b:s14+s16], $0x80, $0x38;
	[tilespmem:$0x18400] =	vst v63  }
0x68: {  	s14 =	sadd.s32 @!p0 s13, s9  }
0x69: {  	s20 =	simm.s32 @!p0 $0x80;
	s17 =	sadd.s32 @!p0 $0x40, s14  }
0x6a: {  	[tilespmem:s20], [sflag:$0x1] =	stream.linear.gather @!p0 [hbm4b:s17+s16], $0x80, $0x38;
	[tilespmem:$0x18400] =	vst v63  }
0x6b: {  	s17 =	simm.s32 @!p0 $0x3  }
0x6c: {  	_ =	swait.ge @!p0 [sflag:s17], $0x80  }
0x6d: {  	[sflag:s17] =	ssyncset.done @!p0 $0x0  }
0x6e: {  	[sflag:s17] =	ssyncadd.s32 @!p0 $0xFFFFFF80  }
0x6f: {  	_ =	swait.ge @!p0 [sflag:s17], $0x80  }
0x70: {  	[sflag:s17] =	ssyncset.done @!p0 $0x0  }
0x71: {  	s18 =	simm.s32 @!p0 $0x400;
	[sflag:s17] =	ssyncadd.s32 @!p0 $0xFFFFFF80;
	s17 =	simm.s32 @!p0 $0x200  }
0x72: {  	[tilespmem:s18], [sflag:$0x5] =	stream.indirect.gather @!p0 [spmem:s3], $0x40, s17, s20, $0xb8;
	[tilespmem:$0x18400] =	vst v63  }
0x73: {  	s17 =	simm.s32 @!p0 $0x8  }
0x74: {  	_ =	swait.ge @!p0 [sflag:s17], $0x2000  }
0x75: {  	[sflag:s17] =	ssyncset.done @!p0 $0x0  }
0x76: {  	s15 =	sadd.s32 @!p0 $0x50, s15;
	[sflag:s17] =	ssyncadd.s32 @!p0 $0xFFFFE000;
	s17 =	simm.s32 @!p0 $0x100  }
0x77: {  	[tilespmem:s17], [sflag:$0x2] =	stream.linear.gather @!p0 [hbm4b:s15+s16], $0x80, $0x38;
	[tilespmem:$0x18400] =	vst v63  }
0x78: {  	s14 =	sadd.s32 @!p0 $0x50, s14;
	s15 =	simm.s32 @!p0 $0x180  }
0x79: {  	[tilespmem:s15], [sflag:$0x2] =	stream.linear.gather @!p0 [hbm4b:s14+s16], $0x80, $0x38;
	[tilespmem:$0x18400] =	vst v63  }
0x7a: {  	_ =	swait.ge [sflag:s11], $0x80  }
0x7b: {  	[sflag:s11] =	ssyncset.done $0x0  }
0x7c: {  	[sflag:s11] =	ssyncadd.s32 $0xFFFFFF80  }
0x7d: {  	_ =	swait.ge [sflag:s11], $0x80  }
0x7e: {  	[sflag:s11] =	ssyncset.done $0x0  }
0x7f: {  	[sflag:s11] =	ssyncadd.s32 $0xFFFFFF80  }
0x80: {  	[tilespmem:s23], [sflag:$0x6] =	stream.indirect.gather [spmem:s3], $0x40, s30, s24, $0xb8;
	[tilespmem:$0x18400] =	vst v63  }
0x81: {  	_ =	swait.ge [sflag:s5], $0x2000  }
0x82: {  	[sflag:s5] =	ssyncset.done $0x0  }
0x83: {  	[sflag:s5] =	ssyncadd.s32 $0xFFFFE000  }
0x84: {  	[spmem:s2] =	stream.indirect.scatter.add.f32 [tilespmem:s1], [sflag:$0x7], $0x40, s29, s24, $0xb8;
	[tilespmem:$0x18400] =	vst v63  }
0x85: {  	_ =	swait.ge [sflag:s7], $0x2000  }
0x86: {  	[sflag:s7] =	ssyncset.done $0x0  }
.Ltmp2:
0x87: {  	[sflag:s7] =	ssyncadd.s32 $0xFFFFE000;
	(pc) =	sbr.rel @p0 .LBB2_4-.Ltmp2, $4  }
0x88: {  	[spmem:s2] =	stream.indirect.scatter.add.f32 [tilespmem:s23], [sflag:$0x8], $0x40, s31, s24, $0xb8;
	[tilespmem:$0x18400] =	vst v63  }
0x89: {  	_ =	swait.ge [sflag:s10], $0x2000  }
0x8a: {  	[sflag:s10] =	ssyncset.done $0x0  }
0x8b: {  	[sflag:s10] =	ssyncadd.s32 $0xFFFFE000  }
0x8c: {  	s14 =	sadd.s32 s13, s8  }
0x8d: {  	s18 =	sadd.s32 s13, s9;
	s15 =	sadd.s32 $0x60, s14  }
0x8e: {  	[tilespmem:s28], [sflag:$0x3] =	stream.linear.gather [hbm4b:s15+s4], $0x80, $0x38;
	[tilespmem:$0x18400] =	vst v63  }
0x8f: {  	s16 =	sadd.s32 $0x60, s18  }
0x90: {  	[tilespmem:s29], [sflag:$0x3] =	stream.linear.gather [hbm4b:s16+s4], $0x80, $0x38;
	[tilespmem:$0x18400] =	vst v63  }
0x91: {  	_ =	swait.ge [sflag:s21], $0x80  }
0x92: {  	[sflag:s21] =	ssyncset.done $0x0  }
0x93: {  	[sflag:s21] =	ssyncadd.s32 $0xFFFFFF80  }
0x94: {  	_ =	swait.ge [sflag:s21], $0x80  }
0x95: {  	[sflag:s21] =	ssyncset.done $0x0  }
0x96: {  	[sflag:s21] =	ssyncadd.s32 $0xFFFFFF80  }
0x97: {  	[tilespmem:s1], [sflag:$0x5] =	stream.indirect.gather [spmem:s3], $0x40, s4, s24, $0xb8;
	[tilespmem:$0x18400] =	vst v63  }
0x98: {  	_ =	swait.ge [sflag:s22], $0x2000  }
0x99: {  	[sflag:s22] =	ssyncset.done $0x0  }
0x9a: {  	s14 =	sadd.s32 $0x70, s14;
	[sflag:s22] =	ssyncadd.s32 $0xFFFFE000  }
0x9b: {  	[tilespmem:s30], [sflag:$0x4] =	stream.linear.gather [hbm4b:s14+s4], $0x80, $0x38;
	[tilespmem:$0x18400] =	vst v63  }
0x9c: {  	s20 =	sadd.s32 $0x70, s18  }
0x9d: {  	[tilespmem:s31], [sflag:$0x4] =	stream.linear.gather [hbm4b:s20+s4], $0x80, $0x38;
	[tilespmem:$0x18400] =	vst v63  }
0x9e: {  	_ =	swait.ge [sflag:s0], $0x80  }
0x9f: {  	[sflag:s0] =	ssyncset.done $0x0  }
.Ltmp3:
0xa0: {  	[sflag:s0] =	ssyncadd.s32 $0xFFFFFF80;
	(pc) =	sbr.rel .LBB2_2-.Ltmp3, $4  }
0xa1: {  	_ =	swait.ge [sflag:s0], $0x80  }
0xa2: {  	[sflag:s0] =	ssyncset.done $0x0  }
0xa3: {  	s13 =	sadd.s32 $0x40, s13;
	[sflag:s0] =	ssyncadd.s32 $0xFFFFFF80  }
0xa4: {  	[tilespmem:s23], [sflag:$0x6] =	stream.indirect.gather [spmem:s3], $0x40, s25, s24, $0xb8;
	[tilespmem:$0x18400] =	vst v63  }
.LBB2_5:
0xa5: {  	_ =	sfence.sel $0x180000  }
0xa6: {  	[bflag:$0x0] =	sbarrier.arrive $0xFFFF  }
0xa7: {  	_ =	strace $0x9000004A  }
0xa8: {  	s0 =	stileid.u32;
	[bflag:$0x2] =	sbarrier.arrive $0xFFFF  }
0xa9: {  	p0 =	sne.s32 s0, $0x0;
	s0 =	rddreg [dreg:$0x3]  }
0xaa: {  	s0 =	sadd.s32 @!p0 $0x100000, s0  }
0xab: {  	[sflag:s0] =	ssyncadd.tile.s32 @!p0 $0x1;
	_ =	shalt  }
.Lfunc_end2:
_tile_overlayer_lowered:
.L_overlay_start_2:
0xac: {  	(tag) =	ssettag $0x2  }
0xad: {  	s0 =	rddreg [dreg:$0x0];
	s2 =	stileid.u32  }
0xae: {  	s1 =	rddreg [dreg:$0x1];
	p0 =	sne.s32 s2, $0x0  }
0xaf: {  	s3 =	rddreg [dreg:$0x2];
	[bflag:$0x3] =	sbarrier.arrive $0xFFFF;
	s2 =	simm.s32 @!p0 $0x1C09  }
0xb0: {  	[timem:s3], [sflag:s2] =	dma.local @!p0 [hbm:s0], s1  }
0xb1: {  	s0 =	simm.s32 @!p0 $0x9  }
0xb2: {  	_ =	swait.ge @!p0 [sflag:s0], s1  }
0xb3: {  	s1 =	ssub.s32 @!p0 $0x0, s1;
	[sflag:s0] =	ssyncset.done @!p0 $0x0  }
0xb4: {  	[sflag:s0] =	ssyncadd.s32 @!p0 s1  }
0xb5: {  	[bflag:$0x3] =	sbarrier.arrive $0xFFFF  }
0xb6: {  	_ =	shalt  }

// kernel: kernel.16.cloned.1.call-start
scs
__scs_entry_jumppad:
0x0: {  	(pc) =	sbr.rel $0x88, $3  }
0x1: {  	(tag) =	ssettag $0x0;
	lr =	simm.s32 $0x1  }
0x2: {  	[smem:$0x3F99] =	sst lr;
	_ =	strace $0xD0000000  }
0x3: {  	_ = 	snop  }
0x4: {  	_ = 	snop  }
0x5: {  	_ = 	snop  }
0x6: {  	_ = 	snop  }
0x7: {  	_ = 	snop  }
__scs_overlays_trampoline_lowered:
0x8: {  	[smem:$0x3FA8] =	sst s0  }
0x9: {  	[smem:$0x3FA9] =	sst s1  }
0xa: {  	[smem:$0x3FAA] =	sst s2  }
0xb: {  	[smem:$0x3FAB] =	sst s3  }
0xc: {  	[smem:$0x3FAC] =	sst s4  }
0xd: {  	[smem:$0x3FAD] =	sst s5  }
0xe: {  	[smem:$0x3FAE] =	sst s6  }
0xf: {  	[smem:$0x3FAF] =	sst s7  }
0x10: {  	[smem:$0x3FB0] =	sst s8  }
0x11: {  	[smem:$0x3FB1] =	sst s9;
	s0 =	simm.s32 @!p0 $0x0  }
0x12: {  	s1 =	sld [smem:$0x3F97];
	s0 =	simm.s32 @p0 $0x1  }
0x13: {  	[smem:$0x3FB2] =	sst s0;
	s0 =	simm.s32 @!p1 $0x0  }
0x14: {  	s2 =	sld [smem:$0x3F96];
	s0 =	simm.s32 @p1 $0x1  }
0x15: {  	[smem:$0x3FB3] =	sst s0;
	s0 =	simm.s32 @!p2 $0x0  }
0x16: {  	s3 =	sld [smem:$0x3FDB];
	s0 =	simm.s32 @p2 $0x1  }
0x17: {  	s4 =	simm.s32 $0x1BF5;
	[smem:$0x3FB5] =	sst s0  }
0x18: {  	s0 =	sld [smem:$0x3F98];
	_ =	swait.ge [sflag:s4], $0x0  }
0x19: {  	s7 =	sld [smem:$0x3F99]  }
0x1a: {  	s8 =	sadd.s32 $0xFFFFE003, lr  }
0x1b: {  	s9 =	sadd.s32 $0xFFFFFEF7, lr;
	s5 =	simm.s32 $0xFFFFFFFF;
	p2 =	slt.u32 s8, $0xFFFFF086  }
0x1c: {  	p1 =	slt.u32 s9, $0xF7A;
	s5 =	simm.s32 @!p2 $0x0  }
0x1d: {  	s5 =	simm.s32 @p1 $0x1;
	p0 =	seq.s32 s7, s2  }
0x1e: {  	s7 =	smul.u32 @!p0 $0xF7A, s2;
	p2 =	seq.s32 @!p0 s5, $0x0  }
0x1f: {  	s9 =	smul.u32 $0xF7A, s1;
	s8 =	simm.s32 @!p0 $0x1BF5;
	p2 =	por !p2, p0  }
0x20: {  	[sflag:s8] =	ssyncset.s32 @!p0 $0xFFFFF086;
	s6 =	sadd.s32 @!p0 s3, s7;
	s7 =	simm.s32 @!p0 $0x108  }
0x21: {  	s3 =	sadd.s32 s3, s9;
	s6 =	sadd.s32 @!p0 $0x88, s6;
	s7 =	simm.s32 @p2 $0x1082  }
0x22: {  	[simem:s7], [sflag:s8] =	dma.local @!p0 [hbm:s6], $0xF7A  }
0x23: {  	s9 =	sor.u32 $0xD0000000, s2;
	s6 =	simm.s32 $0x108;
	_ =	swait.ge @!p0 [sflag:s8], $0x0  }
0x24: {  	s3 =	sadd.s32 $0x88, s3;
	s6 =	simm.s32 @!p1 $0x1082;
	[sflag:s4] =	ssyncset.s32 $0xFFFFF086  }
0x25: {  	[simem:s6], [sflag:s4] =	dma.local [hbm:s3], $0xF7A  }
0x26: {  	[smem:$0x3F99] =	sst s1;
	(tag) =	ssettag s2;
	_ =	strace s9  }
0x27: {  	s1 =	sld [smem:$0x3FA9]  }
0x28: {  	s2 =	sld [smem:$0x3FAA]  }
0x29: {  	s4 =	sld [smem:$0x3FAC]  }
0x2a: {  	p0 =	seq.s32 s5, $0x0;
	s5 =	sld [smem:$0x3FAD]  }
0x2b: {  	s6 =	sld [smem:$0x3FAE]  }
0x2c: {  	s7 =	sld [smem:$0x3FAF]  }
0x2d: {  	s3 =	simm.s32 $0x108;
	s8 =	sld [smem:$0x3FB0]  }
0x2e: {  	s3 =	simm.s32 @!p0 $0x1082;
	s9 =	sld [smem:$0x3FB1]  }
0x2f: {  	lr =	sadd.s32 s0, s3;
	s0 =	sld [smem:$0x3FA8]  }
0x30: {  	s3 =	sld [smem:$0x3FAB]  }
0x31: {  	[smem:$0x3FB4] =	sst s10  }
0x32: {  	s10 =	sld [smem:$0x3FB2];
	_ =	sdelay $0x3  }
0x33: {  	p0 =	seq.s32 s10, $0x1;
	s10 =	sld [smem:$0x3FB4];
	_ =	sdelay $0x3  }
0x34: {  	[smem:$0x3FB4] =	sst s10  }
0x35: {  	s10 =	sld [smem:$0x3FB3];
	_ =	sdelay $0x3  }
0x36: {  	p1 =	seq.s32 s10, $0x1;
	s10 =	sld [smem:$0x3FB4];
	_ =	sdelay $0x3  }
0x37: {  	[smem:$0x3FB4] =	sst s10  }
0x38: {  	s10 =	sld [smem:$0x3FB5]  }
0x39: {  	_ = 	snop;
	(pc) =	sbr.ind lr, $3  }
0x3a: {  	_ = 	snop  }
0x3b: {  	_ = 	snop  }
0x3c: {  	p2 =	seq.s32 s10, $0x1;
	s10 =	sld [smem:$0x3FB4]  }
0x3d: {  	_ =	shalt  }
0x3e: {  	_ =	shalt  }
0x3f: {  	_ =	shalt  }
0x40: {  	_ =	shalt  }
0x41: {  	_ =	shalt  }
0x42: {  	_ =	shalt  }
0x43: {  	_ =	shalt  }
0x44: {  	_ =	shalt  }
0x45: {  	_ =	shalt  }
0x46: {  	_ =	shalt  }
0x47: {  	_ =	shalt  }
0x48: {  	_ =	shalt  }
0x49: {  	_ =	shalt  }
0x4a: {  	_ =	shalt  }
0x4b: {  	_ =	shalt  }
0x4c: {  	_ =	shalt  }
0x4d: {  	_ =	shalt  }
0x4e: {  	_ =	shalt  }
0x4f: {  	_ =	shalt  }
0x50: {  	_ =	shalt  }
0x51: {  	_ =	shalt  }
0x52: {  	_ =	shalt  }
0x53: {  	_ =	shalt  }
0x54: {  	_ =	shalt  }
0x55: {  	_ =	shalt  }
0x56: {  	_ =	shalt  }
0x57: {  	_ =	shalt  }
0x58: {  	_ =	shalt  }
0x59: {  	_ =	shalt  }
0x5a: {  	_ =	shalt  }
0x5b: {  	_ =	shalt  }
0x5c: {  	_ =	shalt  }
0x5d: {  	_ =	shalt  }
0x5e: {  	_ =	shalt  }
0x5f: {  	_ =	shalt  }
0x60: {  	_ =	shalt  }
0x61: {  	_ =	shalt  }
0x62: {  	_ =	shalt  }
0x63: {  	_ =	shalt  }
0x64: {  	_ =	shalt  }
0x65: {  	_ =	shalt  }
0x66: {  	_ =	shalt  }
0x67: {  	_ =	shalt  }
0x68: {  	_ =	shalt  }
0x69: {  	_ =	shalt  }
0x6a: {  	_ =	shalt  }
0x6b: {  	_ =	shalt  }
0x6c: {  	_ =	shalt  }
0x6d: {  	_ =	shalt  }
0x6e: {  	_ =	shalt  }
0x6f: {  	_ =	shalt  }
0x70: {  	_ =	shalt  }
0x71: {  	_ =	shalt  }
0x72: {  	_ =	shalt  }
0x73: {  	_ =	shalt  }
0x74: {  	_ =	shalt  }
0x75: {  	_ =	shalt  }
0x76: {  	_ =	shalt  }
0x77: {  	_ =	shalt  }
0x78: {  	_ =	shalt  }
0x79: {  	_ =	shalt  }
0x7a: {  	_ =	shalt  }
0x7b: {  	_ =	shalt  }
0x7c: {  	_ =	shalt  }
0x7d: {  	_ =	shalt  }
0x7e: {  	_ =	shalt  }
0x7f: {  	_ =	shalt  }
0x80: {  	_ =	shalt  }
0x81: {  	_ =	shalt  }
0x82: {  	_ =	shalt  }
0x83: {  	_ =	shalt  }
0x84: {  	_ =	shalt  }
0x85: {  	_ =	shalt  }
0x86: {  	_ =	shalt  }
0x87: {  	_ =	shalt  }
.Lfunc_end0:
.L_simem_size_0:
called_computation.2_lowered:
.L_overlay_start_0:
0x88: {  	s2 =	sld [smem:$0x3FD9]  }
0x89: {  	s3 =	sld [smem:$0x3FFE];
	_ =	sdelay $0x1  }
0x8a: {  	s1 =	srdreg.scid  }
0x8b: {  	s0 =	sand.u32 $0x1, s1  }
0x8c: {  	s14 =	sshll.u32 s0, $0xA;
	s2 =	sadd.s32 s3, s2  }
0x8d: {  	s2 =	sadd.s32 s2, s14  }
0x8e: {  	[smem:$0x3FC0] =	sst s2  }
0x8f: {  	_ = 	snop  }
0x90: {  	s2 =	sld [smem:$0x3FD0];
	_ =	sdelay $0x2  }
0x91: {  	s15 =	simm.s32 $0xA;
	s4 =	simm.s32 $0x10  }
0x92: {  	[smem:s4], [sflag:s15] =	dma.local [hbm:s2], $0x1  }
0x93: {  	_ =	swait.eq [sflag:s15], $0x1  }
0x94: {  	[sflag:s15] =	ssyncset.done $0x0  }
0x95: {  	[sflag:s15] =	ssyncadd.s32 $0xFFFFFFFF  }
0x96: {  	s16 =	sld [smem:$0x11];
	(tm) =	ssettm $0x1  }
0x97: {  	s17 =	sld [smem:$0x3FFB];
	_ =	sdelay $0x3  }
0x98: {  	_ =	strace s17  }
0x99: {  	s3 =	sld [smem:$0x3FFC];
	_ =	sdelay $0x3  }
0x9a: {  	_ =	strace s3  }
0x9b: {  	s3 =	sld [smem:$0x3FFD];
	_ =	sdelay $0x3  }
0x9c: {  	_ =	strace s3  }
0x9d: {  	_ =	strace $0x8FFFFFFF  }
0x9e: {  	s18 =	sld [smem:$0x3FDB];
	_ =	sdelay $0x1  }
0x9f: {  	s19 =	simm.s32 $_scs_section_size  }
0xa0: {  	s5 =	simm.s32 $_size__tile_overlayer_lowered;
	s6 =	simm.s32 $_tile_overlayer_lowered  }
0xa1: {  	s22 =	simm.s32 $0x1BFF;
	s21 =	sshll.u32 s6, $0x1;
	s3 =	sadd.s32 s19, s18  }
0xa2: {  	s7 =	simm.s32 $0x0;
	s20 =	sshll.u32 s5, $0x1;
	s5 =	sadd.s32 s21, s3  }
0xa3: {  	[timem:s7], [sflag:s22] =	dma.local [hbm:s5], s20  }
0xa4: {  	_ =	swait.ge [sflag:s22], s20  }
0xa5: {  	s4 =	ssub.s32 $0x0, s20;
	[sflag:s22] =	ssyncset.done $0x0  }
0xa6: {  	[sflag:s22] =	ssyncadd.s32 s4;
	_ =	sdelay $0x1  }
0xa7: {  	s23 =	simm.s32 $0x1B8B  }
0xa8: {  	_ =	swait.ge [sflag:s23], $0x1  }
0xa9: {  	[sflag:s23] =	ssyncset.done $0x0  }
0xaa: {  	s25 =	simm.s32 $0x1B8E;
	s24 =	sld [smem:$0x3FFE];
	[sflag:s23] =	ssyncadd.s32 $0xFFFFFFFF  }
0xab: {  	s26 =	simm.s32 $execute0_lowered;
	[smem:$0x3FD2] =	sst s25  }
0xac: {  	s5 =	sshll.u32 s26, $0x1;
	_ =	strace $0x8000004C;
	[dreg:$0x1] =	wrdreg $0xFFFFFFFF  }
0xad: {  	s28 =	simm.s32 $_size_execute0_lowered;
	s3 =	sadd.s32 s3, s5;
	[dreg:$0x0] =	wrdreg $0x0  }
0xae: {  	s5 =	sshll.u32 s28, $0x1;
	[dreg:$0x2] =	wrdreg s3  }
0xaf: {  	[dreg:$0x3] =	wrdreg s5  }
0xb0: {  	[dreg:$0x4] =	wrdreg $0xC0  }
0xb1: {  	_ =	task [dreg:s7], $0x5FFFF  }
0xb2: {  	[dreg:$0x1] =	wrdreg $0xFFFFFFFF  }
0xb3: {  	[dreg:$0x0] =	wrdreg $0x60  }
0xb4: {  	[dreg:$0x2] =	wrdreg s24  }
0xb5: {  	[dreg:$0x3] =	wrdreg s16  }
0xb6: {  	[dreg:$0x4] =	wrdreg $0x88000  }
0xb7: {  	[dreg:$0x5] =	wrdreg $0x60000  }
0xb8: {  	[dreg:$0x6] =	wrdreg $0x9  }
0xb9: {  	_ =	task.clear_ibuf [dreg:s7], $0x7FFFF;
	_ =	strace $0x9000004C  }
0xba: {  	s29 =	simm.s32 $0x9;
	_ =	strace $0x8000004E  }
0xbb: {  	_ =	swait.ge [sflag:s29], $0x1  }
0xbc: {  	[sflag:s29] =	ssyncadd.s32 $0xFFFFFFFF  }
0xbd: {  	_ =	strace $0x9000004E  }
0xbe: {  	_ =	sfence  }
0xbf: {  	s30 =	sld [smem:$0x0];
	_ =	sdelay $0x2  }
0xc0: {  	s31 =	sshll.u32 s1, $0xD;
	s1 =	sshrl.u32 s1, $0x2  }
0xc1: {  	s3 =	sand.u32 $0x4000, s31;
	s1 =	sadd.s32 s1, s30  }
0xc2: {  	s0 =	sor.u32 s3, s0;
	s1 =	sshll.u32 s1, $0x11  }
0xc3: {  	s0 =	sor.u32 s1, s0  }
0xc4: {  	s0 =	sadd.s32 $0x8F2B, s0  }
0xc5: {  	[sflag:s0] =	ssyncadd.remote.s32 $0x1  }
0xc6: {  	_ =	sfence.sel $0xFFFF  }
0xc7: {  	[dreg:$0x0] =	wrdreg $0xFFFFFFFF;
	(pc) =	sbr.abs _section_cstart, $3  }
0xc8: {  	[dreg:$0x1] =	wrdreg $0xFFFFFFFF  }
0xc9: {  	_ =	task.clear_ibuf [dreg:s7], $0x2FFFF;
	_ =	strace $0x9FFFFFFF  }
0xca: {  	(tm) =	ssettm $0x7FFFFFFF  }
0xcb: {  	_ =	shalt  }
tec
execute0_lowered:
.L_overlay_start_1:
0x0: {  	(tag) =	ssettag $0x1  }
0x1: {  	s6 =	rddreg [dreg:$0x0]  }
0x2: {  	s2 =	rddreg [dreg:$0x1]  }
0x3: {  	s3 =	rddreg [dreg:$0x2]  }
0x4: {  	s4 =	rddreg [dreg:$0x3]  }
0x5: {  	s0 =	rddreg [dreg:$0x4];
	s1 =	stileid.u32  }
0x6: {  	s7 =	srdreg.scid;
	s5 =	simm.s32 $0x0;
	s15 =	simm.s32 $0x2800  }
0x7: {  	s16 =	simm.s32 $0x80;
	s17 =	simm.s32 $0x5000;
	s18 =	simm.s32 $0x5800  }
0x8: {  	s19 =	simm.s32 $0x1;
	s20 =	simm.s32 $0x2;
	s21 =	simm.s32 $0x3  }
0x9: {  	s22 =	simm.s32 $0x4;
	s23 =	simm.s32 $0x4F00;
	s24 =	simm.s32 $0x4F80  }
0xa: {  	s25 =	simm.s32 $0x0;
	s8 =	smul.u32 $0x2800, s1;
	s7 =	sand.u32 $0x1, s7  }
0xb: {  	[smem:$0x7FF] =	sst s5;
	s31 =	sshll.u32 s1, $0x6;
	s9 =	sshll.u32 s7, $0x4  }
0xc: {  	s10 =	smul.u32 $0x28000, s7;
	_ =	strace $0x8000004D;
	s7 =	ssub.s32 $0x2, s7  }
0xd: {  	s9 =	sor.u32 s1, s9;
	s11 =	sshrl.u32 s8, $0x3;
	s30 =	sshrl.u32 s7, $0x1  }
0xe: {  	s13 =	sadd.s32 s8, s3;
	s14 =	sadd.s32 s8, s4;
	s9 =	smul.u32 $0x500, s9  }
0xf: {  	s10 =	sadd.s32 s8, s10;
	s11 =	sadd.s32 s11, s6;
	s12 =	ssub.s32 s7, s30  }
0x10: {  	s14 =	sshrl.u32 s14, $0x3;
	s10 =	sshrl.u32 s10, $0x3;
	s7 =	sadd.s32 $0xC800, s11  }
0x11: {  	s11 =	smax.u32 s12, $0x1;
	s12 =	sshrl.u32 s13, $0x3;
	s13 =	simm.s32 $0x5  }
0x12: {  	s9 =	sadd.s32 s9, s6;
	s10 =	sadd.s32 s10, s6;
	s6 =	sor.u32 $0x1C05, s31  }
0x13: {  	s8 =	sadd.s32 $0x16A00, s9;
	s9 =	sadd.s32 $0x2800, s9;
	s10 =	sadd.s32 $0x20A00, s10  }
.LBB2_1:
0x14: {  	[spmem:s12], [sflag:s6] =	dma.local [hbm:s2], $0x500  }
0x15: {  	_ =	swait.ge [sflag:s13], $0x500  }
0x16: {  	[sflag:s13] =	ssyncset.done $0x0  }
0x17: {  	[sflag:s13] =	ssyncadd.s32 $0xFFFFFB00  }
0x18: {  	[spmem:s14], [sflag:s6] =	dma.local [hbm:s7], $0x500  }
0x19: {  	_ =	swait.ge [sflag:s13], $0x500  }
0x1a: {  	[sflag:s13] =	ssyncset.done $0x0  }
0x1b: {  	[sflag:s13] =	ssyncadd.s32 $0xFFFFFB00  }
0x1c: {  	[tilespmem:s5], [sflag:$0x5] =	stream.linear.gather [hbm4b:s8+s5], $0x2800, $0x38;
	[tilespmem:$0xB000] =	vst v63  }
0x1d: {  	_ =	swait.ge [sflag:s13], $0x2800  }
0x1e: {  	[sflag:s13] =	ssyncset.done $0x0  }
0x1f: {  	[sflag:s13] =	ssyncadd.s32 $0xFFFFD800  }
0x20: {  	[tilespmem:s15], [sflag:$0x5] =	stream.linear.gather [hbm4b:s9+s5], $0x2800, $0x38;
	[tilespmem:$0xB000] =	vst v63  }
0x21: {  	_ =	swait.ge [sflag:s13], $0x2800  }
0x22: {  	[sflag:s13] =	ssyncset.done $0x0  }
0x23: {  	[sflag:s13] =	ssyncadd.s32 $0xFFFFD800  }
0x24: {  	[bflag:$0x0] =	sbarrier.arrive $0xFFFF  }
0x25: {  	[tilespmem:s17], [sflag:$0x1] =	stream.indirect.gather [spmem:s4], $0x10, s5, s16, $0xb8;
	[tilespmem:$0xB000] =	vst v63  }
0x26: {  	_ = 	snop  }
0x27: {  	[tilespmem:s18], [sflag:$0x2] =	stream.indirect.gather [spmem:s4], $0x10, s16, s16, $0xb8;
	[tilespmem:$0xB000] =	vst v63  }
0x28: {  	_ =	swait.ge [sflag:s19], $0x800  }
0x29: {  	[sflag:s19] =	ssyncset.done $0x0  }
0x2a: {  	s26 =	simm.s32 $0x2800;
	[sflag:s19] =	ssyncadd.s32 $0xFFFFF800  }
0x2b: {  	[spmem:s3] =	stream.indirect.scatter.add.f32 [tilespmem:s17], [sflag:$0x3], $0x10, s26, s16, $0xb8;
	[tilespmem:$0xB000] =	vst v63  }
0x2c: {  	_ =	swait.ge [sflag:s20], $0x800  }
0x2d: {  	[sflag:s20] =	ssyncset.done $0x0  }
0x2e: {  	s30 =	simm.s32 $0x2880;
	[sflag:s20] =	ssyncadd.s32 $0xFFFFF800  }
0x2f: {  	[spmem:s3] =	stream.indirect.scatter.add.f32 [tilespmem:s18], [sflag:$0x4], $0x10, s30, s16, $0xb8;
	[tilespmem:$0xB000] =	vst v63  }
0x30: {  	_ =	swait.ge [sflag:s21], $0x800  }
0x31: {  	[sflag:s21] =	ssyncset.done $0x0  }
0x32: {  	s31 =	simm.s32 $0x100;
	[sflag:s21] =	ssyncadd.s32 $0xFFFFF800  }
0x33: {  	[tilespmem:s17], [sflag:$0x1] =	stream.indirect.gather [spmem:s4], $0x10, s31, s16, $0xb8;
	[tilespmem:$0xB000] =	vst v63  }
0x34: {  	_ =	swait.ge [sflag:s22], $0x800  }
0x35: {  	[sflag:s22] =	ssyncset.done $0x0  }
0x36: {  	s28 =	simm.s32 $0x180;
	s26 =	simm.s32 $0x400;
	[sflag:s22] =	ssyncadd.s32 $0xFFFFF800  }
.LBB2_2:
0x37: {  	[tilespmem:s18], [sflag:$0x2] =	stream.indirect.gather [spmem:s4], $0x10, s28, s16, $0xb8;
	[tilespmem:$0xB000] =	vst v63  }
0x38: {  	s28 =	smov.u32 s26  }
0x39: {  	p0 =	sne.s32 s26, $0x9800;
	s26 =	sadd.s32 $0x400, s26;
	_ =	swait.ge [sflag:s19], $0x800  }
0x3a: {  	s28 =	sshra.s32 s28, $0x2;
	[sflag:s19] =	ssyncset.done $0x0  }
0x3b: {  	s29 =	sadd.s32 $0x2800, s28;
	[sflag:s19] =	ssyncadd.s32 $0xFFFFF800  }
0x3c: {  	[spmem:s3] =	stream.indirect.scatter.add.f32 [tilespmem:s17], [sflag:$0x3], $0x10, s29, s16, $0xb8;
	[tilespmem:$0xB000] =	vst v63  }
0x3d: {  	_ =	swait.ge [sflag:s20], $0x800  }
0x3e: {  	[sflag:s20] =	ssyncset.done $0x0  }
0x3f: {  	s29 =	sadd.s32 $0x2880, s28;
	[sflag:s20] =	ssyncadd.s32 $0xFFFFF800  }
0x40: {  	[spmem:s3] =	stream.indirect.scatter.add.f32 [tilespmem:s18], [sflag:$0x4], $0x10, s29, s16, $0xb8;
	[tilespmem:$0xB000] =	vst v63  }
0x41: {  	_ =	swait.ge [sflag:s21], $0x800  }
0x42: {  	[sflag:s21] =	ssyncset.done $0x0  }
.Ltmp0:
0x43: {  	s29 =	sadd.s32 $0x100, s28;
	[sflag:s21] =	ssyncadd.s32 $0xFFFFF800;
	(pc) =	sbr.rel @p0 .LBB2_2-.Ltmp0, $4  }
0x44: {  	[tilespmem:s17], [sflag:$0x1] =	stream.indirect.gather [spmem:s4], $0x10, s29, s16, $0xb8;
	[tilespmem:$0xB000] =	vst v63  }
0x45: {  	_ =	swait.ge [sflag:s22], $0x800  }
0x46: {  	[sflag:s22] =	ssyncset.done $0x0  }
0x47: {  	s28 =	sadd.s32 $0x180, s28;
	[sflag:s22] =	ssyncadd.s32 $0xFFFFF800  }
0x48: {  	[tilespmem:s18], [sflag:$0x2] =	stream.indirect.gather [spmem:s4], $0x10, s28, s16, $0xb8;
	[tilespmem:$0xB000] =	vst v63  }
0x49: {  	_ =	swait.ge [sflag:s19], $0x800  }
0x4a: {  	[sflag:s19] =	ssyncset.done $0x0  }
0x4b: {  	[sflag:s19] =	ssyncadd.s32 $0xFFFFF800  }
0x4c: {  	[spmem:s3] =	stream.indirect.scatter.add.f32 [tilespmem:s17], [sflag:$0x3], $0x10, s23, s16, $0xb8;
	[tilespmem:$0xB000] =	vst v63  }
0x4d: {  	_ =	swait.ge [sflag:s20], $0x800  }
0x4e: {  	[sflag:s20] =	ssyncset.done $0x0  }
0x4f: {  	[sflag:s20] =	ssyncadd.s32 $0xFFFFF800  }
0x50: {  	[spmem:s3] =	stream.indirect.scatter.add.f32 [tilespmem:s18], [sflag:$0x4], $0x10, s24, s16, $0xb8;
	[tilespmem:$0xB000] =	vst v63  }
0x51: {  	_ =	swait.ge [sflag:s21], $0x800  }
0x52: {  	[sflag:s21] =	ssyncset.done $0x0  }
0x53: {  	[sflag:s21] =	ssyncadd.s32 $0xFFFFF800  }
0x54: {  	_ =	swait.ge [sflag:s22], $0x800  }
0x55: {  	s25 =	sadd.s32 $0x1, s25;
	[sflag:s22] =	ssyncset.done $0x0  }
0x56: {  	p0 =	sne.s32 s25, s11;
	[sflag:s22] =	ssyncadd.s32 $0xFFFFF800  }
.Ltmp1:
0x57: {  	[bflag:$0x0] =	sbarrier.arrive $0xFFFF;
	(pc) =	sbr.rel @p0 .LBB2_1-.Ltmp1, $4  }
0x58: {  	[hbm:s10], [sflag:s6] =	dma.local [spmem:s12], $0x500  }
0x59: {  	_ =	swait.ge [sflag:s13], $0x500  }
0x5a: {  	[sflag:s13] =	ssyncset.done $0x0  }
0x5b: {  	[sflag:s13] =	ssyncadd.s32 $0xFFFFFB00  }
0x5c: {  	_ =	sfence.sel $0x180000  }
0x5d: {  	[bflag:$0x0] =	sbarrier.arrive $0xFFFF  }
0x5e: {  	p0 =	sne.s32 s1, $0x0;
	_ =	strace $0x9000004D  }
0x5f: {  	s0 =	sadd.s32 @!p0 $0x100000, s0;
	[bflag:$0x2] =	sbarrier.arrive $0xFFFF  }
0x60: {  	[sflag:s0] =	ssyncadd.tile.s32 @!p0 $0x1;
	_ =	shalt  }
.Lfunc_end2:
_tile_overlayer_lowered:
.L_overlay_start_2:
0x61: {  	(tag) =	ssettag $0x2  }
0x62: {  	s0 =	rddreg [dreg:$0x0];
	s2 =	stileid.u32  }
0x63: {  	s1 =	rddreg [dreg:$0x1];
	p0 =	sne.s32 s2, $0x0  }
0x64: {  	s3 =	rddreg [dreg:$0x2];
	[bflag:$0x3] =	sbarrier.arrive $0xFFFF;
	s2 =	simm.s32 @!p0 $0x1C05  }
0x65: {  	[timem:s3], [sflag:s2] =	dma.local @!p0 [hbm:s0], s1  }
0x66: {  	s0 =	simm.s32 @!p0 $0x5  }
0x67: {  	_ =	swait.ge @!p0 [sflag:s0], s1  }
0x68: {  	s1 =	ssub.s32 @!p0 $0x0, s1;
	[sflag:s0] =	ssyncset.done @!p0 $0x0  }
0x69: {  	[sflag:s0] =	ssyncadd.s32 @!p0 s1  }
0x6a: {  	[bflag:$0x3] =	sbarrier.arrive $0xFFFF  }
0x6b: {  	_ =	shalt  }

// kernel: kernel.19.cloned.1.call-start
scs
__scs_entry_jumppad:
0x0: {  	(pc) =	sbr.rel $0x88, $3  }
0x1: {  	(tag) =	ssettag $0x0;
	lr =	simm.s32 $0x1  }
0x2: {  	[smem:$0x3F99] =	sst lr;
	_ =	strace $0xD0000000  }
0x3: {  	_ = 	snop  }
0x4: {  	_ = 	snop  }
0x5: {  	_ = 	snop  }
0x6: {  	_ = 	snop  }
0x7: {  	_ = 	snop  }
__scs_overlays_trampoline_lowered:
0x8: {  	[smem:$0x3FA8] =	sst s0  }
0x9: {  	[smem:$0x3FA9] =	sst s1  }
0xa: {  	[smem:$0x3FAA] =	sst s2  }
0xb: {  	[smem:$0x3FAB] =	sst s3  }
0xc: {  	[smem:$0x3FAC] =	sst s4  }
0xd: {  	[smem:$0x3FAD] =	sst s5  }
0xe: {  	[smem:$0x3FAE] =	sst s6  }
0xf: {  	[smem:$0x3FAF] =	sst s7  }
0x10: {  	[smem:$0x3FB0] =	sst s8  }
0x11: {  	[smem:$0x3FB1] =	sst s9;
	s0 =	simm.s32 @!p0 $0x0  }
0x12: {  	s1 =	sld [smem:$0x3F97];
	s0 =	simm.s32 @p0 $0x1  }
0x13: {  	[smem:$0x3FB2] =	sst s0;
	s0 =	simm.s32 @!p1 $0x0  }
0x14: {  	s2 =	sld [smem:$0x3F96];
	s0 =	simm.s32 @p1 $0x1  }
0x15: {  	[smem:$0x3FB3] =	sst s0;
	s0 =	simm.s32 @!p2 $0x0  }
0x16: {  	s3 =	sld [smem:$0x3FDB];
	s0 =	simm.s32 @p2 $0x1  }
0x17: {  	s4 =	simm.s32 $0x1BF5;
	[smem:$0x3FB5] =	sst s0  }
0x18: {  	s0 =	sld [smem:$0x3F98];
	_ =	swait.ge [sflag:s4], $0x0  }
0x19: {  	s7 =	sld [smem:$0x3F99]  }
0x1a: {  	s8 =	sadd.s32 $0xFFFFE003, lr  }
0x1b: {  	s9 =	sadd.s32 $0xFFFFFEF7, lr;
	s5 =	simm.s32 $0xFFFFFFFF;
	p2 =	slt.u32 s8, $0xFFFFF086  }
0x1c: {  	p1 =	slt.u32 s9, $0xF7A;
	s5 =	simm.s32 @!p2 $0x0  }
0x1d: {  	s5 =	simm.s32 @p1 $0x1;
	p0 =	seq.s32 s7, s2  }
0x1e: {  	s7 =	smul.u32 @!p0 $0xF7A, s2;
	p2 =	seq.s32 @!p0 s5, $0x0  }
0x1f: {  	s9 =	smul.u32 $0xF7A, s1;
	s8 =	simm.s32 @!p0 $0x1BF5;
	p2 =	por !p2, p0  }
0x20: {  	[sflag:s8] =	ssyncset.s32 @!p0 $0xFFFFF086;
	s6 =	sadd.s32 @!p0 s3, s7;
	s7 =	simm.s32 @!p0 $0x108  }
0x21: {  	s3 =	sadd.s32 s3, s9;
	s6 =	sadd.s32 @!p0 $0x88, s6;
	s7 =	simm.s32 @p2 $0x1082  }
0x22: {  	[simem:s7], [sflag:s8] =	dma.local @!p0 [hbm:s6], $0xF7A  }
0x23: {  	s9 =	sor.u32 $0xD0000000, s2;
	s6 =	simm.s32 $0x108;
	_ =	swait.ge @!p0 [sflag:s8], $0x0  }
0x24: {  	s3 =	sadd.s32 $0x88, s3;
	s6 =	simm.s32 @!p1 $0x1082;
	[sflag:s4] =	ssyncset.s32 $0xFFFFF086  }
0x25: {  	[simem:s6], [sflag:s4] =	dma.local [hbm:s3], $0xF7A  }
0x26: {  	[smem:$0x3F99] =	sst s1;
	(tag) =	ssettag s2;
	_ =	strace s9  }
0x27: {  	s1 =	sld [smem:$0x3FA9]  }
0x28: {  	s2 =	sld [smem:$0x3FAA]  }
0x29: {  	s4 =	sld [smem:$0x3FAC]  }
0x2a: {  	p0 =	seq.s32 s5, $0x0;
	s5 =	sld [smem:$0x3FAD]  }
0x2b: {  	s6 =	sld [smem:$0x3FAE]  }
0x2c: {  	s7 =	sld [smem:$0x3FAF]  }
0x2d: {  	s3 =	simm.s32 $0x108;
	s8 =	sld [smem:$0x3FB0]  }
0x2e: {  	s3 =	simm.s32 @!p0 $0x1082;
	s9 =	sld [smem:$0x3FB1]  }
0x2f: {  	lr =	sadd.s32 s0, s3;
	s0 =	sld [smem:$0x3FA8]  }
0x30: {  	s3 =	sld [smem:$0x3FAB]  }
0x31: {  	[smem:$0x3FB4] =	sst s10  }
0x32: {  	s10 =	sld [smem:$0x3FB2];
	_ =	sdelay $0x3  }
0x33: {  	p0 =	seq.s32 s10, $0x1;
	s10 =	sld [smem:$0x3FB4];
	_ =	sdelay $0x3  }
0x34: {  	[smem:$0x3FB4] =	sst s10  }
0x35: {  	s10 =	sld [smem:$0x3FB3];
	_ =	sdelay $0x3  }
0x36: {  	p1 =	seq.s32 s10, $0x1;
	s10 =	sld [smem:$0x3FB4];
	_ =	sdelay $0x3  }
0x37: {  	[smem:$0x3FB4] =	sst s10  }
0x38: {  	s10 =	sld [smem:$0x3FB5]  }
0x39: {  	_ = 	snop;
	(pc) =	sbr.ind lr, $3  }
0x3a: {  	_ = 	snop  }
0x3b: {  	_ = 	snop  }
0x3c: {  	p2 =	seq.s32 s10, $0x1;
	s10 =	sld [smem:$0x3FB4]  }
0x3d: {  	_ =	shalt  }
0x3e: {  	_ =	shalt  }
0x3f: {  	_ =	shalt  }
0x40: {  	_ =	shalt  }
0x41: {  	_ =	shalt  }
0x42: {  	_ =	shalt  }
0x43: {  	_ =	shalt  }
0x44: {  	_ =	shalt  }
0x45: {  	_ =	shalt  }
0x46: {  	_ =	shalt  }
0x47: {  	_ =	shalt  }
0x48: {  	_ =	shalt  }
0x49: {  	_ =	shalt  }
0x4a: {  	_ =	shalt  }
0x4b: {  	_ =	shalt  }
0x4c: {  	_ =	shalt  }
0x4d: {  	_ =	shalt  }
0x4e: {  	_ =	shalt  }
0x4f: {  	_ =	shalt  }
0x50: {  	_ =	shalt  }
0x51: {  	_ =	shalt  }
0x52: {  	_ =	shalt  }
0x53: {  	_ =	shalt  }
0x54: {  	_ =	shalt  }
0x55: {  	_ =	shalt  }
0x56: {  	_ =	shalt  }
0x57: {  	_ =	shalt  }
0x58: {  	_ =	shalt  }
0x59: {  	_ =	shalt  }
0x5a: {  	_ =	shalt  }
0x5b: {  	_ =	shalt  }
0x5c: {  	_ =	shalt  }
0x5d: {  	_ =	shalt  }
0x5e: {  	_ =	shalt  }
0x5f: {  	_ =	shalt  }
0x60: {  	_ =	shalt  }
0x61: {  	_ =	shalt  }
0x62: {  	_ =	shalt  }
0x63: {  	_ =	shalt  }
0x64: {  	_ =	shalt  }
0x65: {  	_ =	shalt  }
0x66: {  	_ =	shalt  }
0x67: {  	_ =	shalt  }
0x68: {  	_ =	shalt  }
0x69: {  	_ =	shalt  }
0x6a: {  	_ =	shalt  }
0x6b: {  	_ =	shalt  }
0x6c: {  	_ =	shalt  }
0x6d: {  	_ =	shalt  }
0x6e: {  	_ =	shalt  }
0x6f: {  	_ =	shalt  }
0x70: {  	_ =	shalt  }
0x71: {  	_ =	shalt  }
0x72: {  	_ =	shalt  }
0x73: {  	_ =	shalt  }
0x74: {  	_ =	shalt  }
0x75: {  	_ =	shalt  }
0x76: {  	_ =	shalt  }
0x77: {  	_ =	shalt  }
0x78: {  	_ =	shalt  }
0x79: {  	_ =	shalt  }
0x7a: {  	_ =	shalt  }
0x7b: {  	_ =	shalt  }
0x7c: {  	_ =	shalt  }
0x7d: {  	_ =	shalt  }
0x7e: {  	_ =	shalt  }
0x7f: {  	_ =	shalt  }
0x80: {  	_ =	shalt  }
0x81: {  	_ =	shalt  }
0x82: {  	_ =	shalt  }
0x83: {  	_ =	shalt  }
0x84: {  	_ =	shalt  }
0x85: {  	_ =	shalt  }
0x86: {  	_ =	shalt  }
0x87: {  	_ =	shalt  }
.Lfunc_end0:
.L_simem_size_0:
called_computation.3_lowered:
.L_overlay_start_0:
0x88: {  	s2 =	sld [smem:$0x3FD9]  }
0x89: {  	s3 =	sld [smem:$0x3FFE];
	_ =	sdelay $0x1  }
0x8a: {  	s1 =	srdreg.scid  }
0x8b: {  	s0 =	sand.u32 $0x1, s1  }
0x8c: {  	s16 =	sshll.u32 s0, $0xA;
	s2 =	sadd.s32 s3, s2  }
0x8d: {  	s2 =	sadd.s32 s2, s16  }
0x8e: {  	[smem:$0x3FC0] =	sst s2  }
0x8f: {  	_ = 	snop  }
0x90: {  	(tm) =	ssettm $0x1  }
0x91: {  	s17 =	sld [smem:$0x3FFB];
	_ =	sdelay $0x3  }
0x92: {  	_ =	strace s17  }
0x93: {  	s2 =	sld [smem:$0x3FFC];
	_ =	sdelay $0x3  }
0x94: {  	_ =	strace s2  }
0x95: {  	s2 =	sld [smem:$0x3FFD];
	_ =	sdelay $0x3  }
0x96: {  	_ =	strace s2  }
0x97: {  	_ =	strace $0x8FFFFFFF  }
0x98: {  	s18 =	sld [smem:$0x3FDB];
	_ =	sdelay $0x1  }
0x99: {  	s19 =	simm.s32 $_scs_section_size  }
0x9a: {  	s4 =	simm.s32 $_size__tile_overlayer_lowered;
	s5 =	simm.s32 $_tile_overlayer_lowered  }
0x9b: {  	s22 =	simm.s32 $0x1BFF;
	s21 =	sshll.u32 s5, $0x1;
	s2 =	sadd.s32 s19, s18  }
0x9c: {  	s6 =	simm.s32 $0x0;
	s20 =	sshll.u32 s4, $0x1;
	s4 =	sadd.s32 s21, s2  }
0x9d: {  	[timem:s6], [sflag:s22] =	dma.local [hbm:s4], s20  }
0x9e: {  	_ =	swait.ge [sflag:s22], s20  }
0x9f: {  	s3 =	ssub.s32 $0x0, s20;
	[sflag:s22] =	ssyncset.done $0x0  }
0xa0: {  	[sflag:s22] =	ssyncadd.s32 s3;
	_ =	sdelay $0x1  }
0xa1: {  	s23 =	simm.s32 $0x1B8B  }
0xa2: {  	_ =	swait.ge [sflag:s23], $0x1  }
0xa3: {  	[sflag:s23] =	ssyncset.done $0x0  }
0xa4: {  	s25 =	simm.s32 $0x1B8E;
	s24 =	sld [smem:$0x3FFE];
	[sflag:s23] =	ssyncadd.s32 $0xFFFFFFFF  }
0xa5: {  	s26 =	simm.s32 $execute0_lowered;
	[smem:$0x3FD2] =	sst s25  }
0xa6: {  	s4 =	sshll.u32 s26, $0x1;
	_ =	strace $0x8000004F;
	[dreg:$0x1] =	wrdreg $0xFFFFFFFF  }
0xa7: {  	s28 =	simm.s32 $_size_execute0_lowered;
	s2 =	sadd.s32 s2, s4;
	[dreg:$0x0] =	wrdreg $0x0  }
0xa8: {  	s4 =	sshll.u32 s28, $0x1;
	[dreg:$0x2] =	wrdreg s2  }
0xa9: {  	[dreg:$0x3] =	wrdreg s4  }
0xaa: {  	[dreg:$0x4] =	wrdreg $0xC0  }
0xab: {  	_ =	task [dreg:s6], $0x5FFFF  }
0xac: {  	[dreg:$0x1] =	wrdreg $0xFFFFFFFF  }
0xad: {  	[dreg:$0x0] =	wrdreg $0x60  }
0xae: {  	[dreg:$0x2] =	wrdreg s24  }
0xaf: {  	[dreg:$0x3] =	wrdreg $0x9  }
0xb0: {  	_ =	task.clear_ibuf [dreg:s6], $0x4FFFF;
	_ =	strace $0x9000004F  }
0xb1: {  	s29 =	simm.s32 $0x9;
	_ =	strace $0x80000051  }
0xb2: {  	_ =	swait.ge [sflag:s29], $0x1  }
0xb3: {  	[sflag:s29] =	ssyncadd.s32 $0xFFFFFFFF  }
0xb4: {  	_ =	strace $0x90000051  }
0xb5: {  	_ =	sfence  }
0xb6: {  	s30 =	sld [smem:$0x0];
	_ =	sdelay $0x2  }
0xb7: {  	s31 =	sshll.u32 s1, $0xD;
	s1 =	sshrl.u32 s1, $0x2  }
0xb8: {  	s3 =	sand.u32 $0x4000, s31;
	s1 =	sadd.s32 s1, s30  }
0xb9: {  	s0 =	sor.u32 s3, s0;
	s1 =	sshll.u32 s1, $0x11  }
0xba: {  	s0 =	sor.u32 s1, s0  }
0xbb: {  	s0 =	sadd.s32 $0x8F2B, s0  }
0xbc: {  	[sflag:s0] =	ssyncadd.remote.s32 $0x1  }
0xbd: {  	_ =	sfence.sel $0xFFFF  }
0xbe: {  	[dreg:$0x0] =	wrdreg $0xFFFFFFFF;
	(pc) =	sbr.abs _section_cstart, $3  }
0xbf: {  	[dreg:$0x1] =	wrdreg $0xFFFFFFFF  }
0xc0: {  	_ =	task.clear_ibuf [dreg:s6], $0x2FFFF;
	_ =	strace $0x9FFFFFFF  }
0xc1: {  	(tm) =	ssettm $0x7FFFFFFF  }
tec
execute0_lowered:
.L_overlay_start_1:
0x0: {  	(tag) =	ssettag $0x1  }
0x1: {  	s1 =	srdreg.scid  }
0x2: {  	s0 =	stileid.u32;
	s6 =	sand.u32 $0x1, s1  }
0x3: {  	s8 =	rddreg [dreg:$0x0];
	s2 =	sshll.u32 s0, $0x6;
	s1 =	sshll.u32 s6, $0xA  }
0x4: {  	s7 =	simm.s32 $0x1;
	s5 =	sadd.s32 $0x2800, s8;
	s9 =	sor.u32 s2, s1  }
0x5: {  	s1 =	rddreg [dreg:$0x1];
	s2 =	simm.s32 $0x0;
	s3 =	sshrl.u32 s9, $0x3  }
0x6: {  	s10 =	ssub.s32 $0x2, s6;
	[smem:$0x7FF] =	sst s2;
	s3 =	sadd.s32 s3, s8  }
0x7: {  	_ =	strace $0x80000050;
	s4 =	sadd.s32 $0x11800, s3;
	s3 =	simm.s32 $0x2  }
0x8: {  	[tilespmem:s2], [sflag:$0x2] =	stream.linear.gather [hbm4b:s4+s2], $0x40, $0x38;
	[tilespmem:$0x840] =	vst v63  }
0x9: {  	s6 =	simm.s32 $0x40;
	s11 =	sshrl.u32 s10, $0x1;
	_ =	swait.ge [sflag:s3], $0x40  }
0xa: {  	s9 =	sshll.u32 s9, $0x2;
	s31 =	ssub.s32 s10, s11;
	[sflag:s3] =	ssyncset.done $0x0  }
0xb: {  	s8 =	sadd.s32 s9, s8;
	s9 =	smax.u32 s31, $0x1;
	[sflag:s3] =	ssyncadd.s32 $0xFFFFFFC0  }
0xc: {  	[tilespmem:s6], [sflag:$0x1] =	stream.indirect.gather [hbm4b:s5+s6], $0x20, s2, s6, $0xb8;
	[tilespmem:$0x840] =	vst v63  }
0xd: {  	p0 =	sne.s32 s9, $0x1;
	_ =	swait.ge [sflag:s7], $0x800  }
.Ltmp0:
0xe: {  	[sflag:s7] =	ssyncset.done $0x0;
	(pc) =	sbr.rel @!p0 .LBB2_2-.Ltmp0, $4  }
0xf: {  	s8 =	sadd.s32 $0xC800, s8;
	[sflag:s7] =	ssyncadd.s32 $0xFFFFF800  }
0x10: {  	[hbm4b:s8+s2] =	stream.linear.scatter [tilespmem:s6], [sflag:$0x2], $0x800, $0x38;
	[tilespmem:$0x840] =	vst v63  }
0x11: {  	_ =	swait.ge [sflag:s3], $0x800  }
0x12: {  	s9 =	sadd.s32 $0xFFFFFFFF, s9;
	[sflag:s3] =	ssyncset.done $0x0  }
.LBB2_1:
0x13: {  	p0 =	sne.s32 s9, $0x1;
	s9 =	sadd.s32 $0xFFFFFFFF, s9;
	[sflag:s3] =	ssyncadd.s32 $0xFFFFF800  }
0x14: {  	[tilespmem:s2], [sflag:$0x2] =	stream.linear.gather [hbm4b:s4+s2], $0x40, $0x38;
	[tilespmem:$0x840] =	vst v63  }
0x15: {  	_ =	swait.ge [sflag:s3], $0x40  }
0x16: {  	[sflag:s3] =	ssyncset.done $0x0  }
0x17: {  	[sflag:s3] =	ssyncadd.s32 $0xFFFFFFC0  }
0x18: {  	[tilespmem:s6], [sflag:$0x1] =	stream.indirect.gather [hbm4b:s5+s6], $0x20, s2, s6, $0xb8;
	[tilespmem:$0x840] =	vst v63  }
0x19: {  	_ =	swait.ge [sflag:s7], $0x800  }
.Ltmp1:
0x1a: {  	[sflag:s7] =	ssyncset.done $0x0;
	(pc) =	sbr.rel @p0 .LBB2_1-.Ltmp1, $4  }
0x1b: {  	[sflag:s7] =	ssyncadd.s32 $0xFFFFF800  }
0x1c: {  	[hbm4b:s8+s2] =	stream.linear.scatter [tilespmem:s6], [sflag:$0x2], $0x800, $0x38;
	[tilespmem:$0x840] =	vst v63  }
0x1d: {  	_ =	swait.ge [sflag:s3], $0x800  }
0x1e: {  	[sflag:s3] =	ssyncset.done $0x0  }
.LBB2_2:
0x1f: {  	[sflag:s3] =	ssyncadd.s32 $0xFFFFF800  }
0x20: {  	_ =	sfence.sel $0x180000  }
0x21: {  	[bflag:$0x0] =	sbarrier.arrive $0xFFFF  }
0x22: {  	p0 =	sne.s32 s0, $0x0;
	_ =	strace $0x90000050  }
0x23: {  	s0 =	sadd.s32 @!p0 $0x100000, s1;
	[bflag:$0x2] =	sbarrier.arrive $0xFFFF  }
0x24: {  	[sflag:s0] =	ssyncadd.tile.s32 @!p0 $0x1;
	_ =	shalt  }
.Lfunc_end2:
_tile_overlayer_lowered:
.L_overlay_start_2:
0x25: {  	(tag) =	ssettag $0x2  }
0x26: {  	s0 =	rddreg [dreg:$0x0];
	s2 =	stileid.u32  }
0x27: {  	s1 =	rddreg [dreg:$0x1];
	p0 =	sne.s32 s2, $0x0  }
0x28: {  	s3 =	rddreg [dreg:$0x2];
	[bflag:$0x3] =	sbarrier.arrive $0xFFFF;
	s2 =	simm.s32 @!p0 $0x1C02  }
0x29: {  	[timem:s3], [sflag:s2] =	dma.local @!p0 [hbm:s0], s1  }
0x2a: {  	s0 =	simm.s32 @!p0 $0x2  }
0x2b: {  	_ =	swait.ge @!p0 [sflag:s0], s1  }
0x2c: {  	s1 =	ssub.s32 @!p0 $0x0, s1;
	[sflag:s0] =	ssyncset.done @!p0 $0x0  }
0x2d: {  	[sflag:s0] =	ssyncadd.s32 @!p0 s1  }
0x2e: {  	[bflag:$0x3] =	sbarrier.arrive $0xFFFF  }
0x2f: {  	_ =	shalt  }

</sc_bundles>
